<compile_context>
chip_gen: v7x
topology: tpu7x:2x2x1
jax: 0.10.2.dev20260603
libtpu: 0.0.44.dev20260713+nightly
codegen_flags: <defaults>
</compile_context>

<pallas_src>
import functools

import jax
import jax.numpy as jnp
from jax import lax
from jax.experimental import pallas as pl
from jax.experimental.pallas import tpu as pltpu
from jax.experimental.pallas import tpu_sc as plsc

N = 10000
E = 320000
D = 128
G = 10
BN = 1000

NS = 16
NC = 2
NW = NC * NS
K = 128
EPT = E // NW
NCF = -(-EPT // K)
EPP = NCF * K
NP = 10240
NPASS_C = 4
NPASS_N = 2
TR = 128


@functools.cache
def _sc_kernels():
    mesh = plsc.VectorSubcoreMesh(core_axis_name="c", subcore_axis_name="s",
                                  num_cores=NC, num_subcores=NS)

    def _mk(with_counts, npass):
        nph = NP // npass
        npa = nph + TR
        npz = npa // NS
        npe = nph // NS
        out_type = [jax.ShapeDtypeStruct((NC * NP, D), jnp.float32)]
        scratch = [
            pltpu.VMEM((NCF, K), jnp.int32),
            pltpu.VMEM((NCF, K), jnp.int32),
            pltpu.VMEM((K, D), jnp.float32),
            pltpu.VMEM((npz, D), jnp.float32),
            pltpu.VMEM_SHARED((npa, D), jnp.float32),
        ]
        if with_counts:
            out_type.append(jax.ShapeDtypeStruct((NC * NP, D), jnp.float32))
            scratch.append(pltpu.VMEM((K, D), jnp.float32))
            scratch.append(pltpu.VMEM_SHARED((npa, D), jnp.float32))
        scratch.append(pltpu.SemaphoreType.DMA)

        @functools.partial(pl.kernel, out_type=tuple(out_type), mesh=mesh,
                           scratch_types=tuple(scratch))
        def sc_featsum(hr_hbm, src_hbm, dst_hbm, z_hbm, ones_hbm, *rest):
            if with_counts:
                (agg_out, cnt_out, src_v, dst_v, rows_v, z_v, agg_sh,
                 ones_v, cnt_sh, sem) = rest
            else:
                agg_out, src_v, dst_v, rows_v, z_v, agg_sh, sem = rest
            cid = lax.axis_index("c")
            sid = lax.axis_index("s")
            wid = cid * NS + sid
            pltpu.sync_copy(src_hbm.at[wid], src_v)
            pltpu.sync_copy(z_hbm, z_v)
            if with_counts:
                pltpu.sync_copy(ones_hbm, ones_v)
            for p in range(npass):
                pltpu.sync_copy(z_v, agg_sh.at[pl.ds(sid * npz, npz)])
                if with_counts:
                    pltpu.sync_copy(z_v, cnt_sh.at[pl.ds(sid * npz, npz)])
                pltpu.sync_copy(dst_hbm.at[p * NW + wid], dst_v)
                plsc.subcore_barrier()

                def body(j, carry):
                    cp = pltpu.async_copy(hr_hbm.at[src_v.at[j]], rows_v, sem)
                    cp.wait()
                    pltpu.sync_copy(rows_v, agg_sh.at[dst_v.at[j]], add=True)
                    if with_counts:
                        pltpu.sync_copy(ones_v, cnt_sh.at[dst_v.at[j]],
                                        add=True)
                    return carry

                lax.fori_loop(0, NCF, body, 0)
                plsc.subcore_barrier()
                pltpu.sync_copy(agg_sh.at[pl.ds(sid * npe, npe)],
                                z_v.at[pl.ds(0, npe)])
                pltpu.sync_copy(
                    z_v.at[pl.ds(0, npe)],
                    agg_out.at[pl.ds(cid * NP + p * nph + sid * npe, npe)])
                if with_counts:
                    pltpu.sync_copy(cnt_sh.at[pl.ds(sid * npe, npe)],
                                    z_v.at[pl.ds(0, npe)])
                    pltpu.sync_copy(
                        z_v.at[pl.ds(0, npe)],
                        cnt_out.at[pl.ds(cid * NP + p * nph + sid * npe,
                                         npe)])
                if p < npass - 1:
                    pltpu.sync_copy(z_hbm, z_v)
                    plsc.subcore_barrier()

        return sc_featsum

    return _mk(True, NPASS_C), _mk(False, NPASS_N)


def _ln_relu(h, g, b):
    mu = jnp.mean(h, axis=-1, keepdims=True)
    xc = h - mu
    var = jnp.mean(xc * xc, axis=-1, keepdims=True)
    hn = xc / jnp.sqrt(var + 1e-5) * g + b
    return jnp.maximum(hn, 0.0)


def _tc_in_body(x_ref, w_ref, b_ref, g_ref, bb_ref, h_ref, hr_ref):
    h = jnp.dot(x_ref[...], w_ref[...], preferred_element_type=jnp.float32)
    h = h + b_ref[...]
    h_ref[...] = h
    hr_ref[...] = _ln_relu(h, g_ref[...], bb_ref[...])


def _mlp_update(h_ref, hr_ref, sa_ref, sb_ref, ca_ref, cb_ref,
                w1_ref, b1_ref, w2_ref, b2_ref):
    cnt = ca_ref[0][:, :1] + cb_ref[0][:, :1]
    s = sa_ref[0] + sb_ref[0]
    agg = (s + 1e-7 * cnt) / jnp.maximum(cnt, 1.0)
    u = hr_ref[...] + agg
    m = jnp.maximum(
        jnp.dot(u, w1_ref[...], preferred_element_type=jnp.float32)
        + b1_ref[...], 0.0)
    m = jnp.dot(m, w2_ref[...], preferred_element_type=jnp.float32) + b2_ref[...]
    return h_ref[...] + m


def _tc_mid_body(h_ref, hr_ref, sa_ref, sb_ref, ca_ref, cb_ref,
                 w1_ref, b1_ref, w2_ref, b2_ref,
                 g_ref, bb_ref, h1_ref, hr1_ref):
    h1 = _mlp_update(h_ref, hr_ref, sa_ref, sb_ref, ca_ref, cb_ref,
                     w1_ref, b1_ref, w2_ref, b2_ref)
    h1_ref[...] = h1
    hr1_ref[...] = _ln_relu(h1, g_ref[...], bb_ref[...])


def _tc_pool_body(h_ref, out_ref):
    out_ref[...] = (jnp.sum(h_ref[...], axis=0, keepdims=True) * (1.0 / BN))[None]


def _blk(shape, index_map):
    return pl.BlockSpec(shape, index_map)


_full0 = lambda i: (0, 0)
_rows = lambda i: (i, 0)

_tc_in = pl.pallas_call(
    _tc_in_body,
    grid=(G,),
    in_specs=[
        _blk((BN, D), _rows),
        _blk((D, D), _full0),
        _blk((1, D), _full0),
        _blk((1, D), _full0),
        _blk((1, D), _full0),
    ],
    out_specs=[_blk((BN, D), _rows), _blk((BN, D), _rows)],
    out_shape=[jax.ShapeDtypeStruct((N, D), jnp.float32)] * 2,
)

_sc0 = lambda i: (0, i, 0)
_sc1 = lambda i: (1, i, 0)

_mid_in_specs = [
    _blk((BN, D), _rows),
    _blk((BN, D), _rows),
    _blk((1, BN, D), _sc0),
    _blk((1, BN, D), _sc1),
    _blk((1, BN, D), _sc0),
    _blk((1, BN, D), _sc1),
    _blk((D, 2 * D), _full0),
    _blk((1, 2 * D), _full0),
    _blk((2 * D, D), _full0),
    _blk((1, D), _full0),
]

_tc_mid = pl.pallas_call(
    _tc_mid_body,
    grid=(G,),
    in_specs=_mid_in_specs + [_blk((1, D), _full0), _blk((1, D), _full0)],
    out_specs=[_blk((BN, D), _rows), _blk((BN, D), _rows)],
    out_shape=[jax.ShapeDtypeStruct((N, D), jnp.float32)] * 2,
)

_tc_pool = pl.pallas_call(
    _tc_pool_body,
    grid=(G,),
    in_specs=[_blk((BN, D), _rows)],
    out_specs=_blk((1, 1, D), lambda i: (i, 0, 0)),
    out_shape=jax.ShapeDtypeStruct((G, 1, D), jnp.float32),
)


def kernel(x, edge_index, num_graphs, W_in, b_in, Wm1_0, bm1_0, Wm2_0, bm2_0,
           ln_g_0, ln_b_0, Wm1_1, bm1_1, Wm2_1, bm2_1, ln_g_1, ln_b_1):
    pad = ((0, 0), (0, EPP - EPT))
    src_f = jnp.pad(edge_index[0].reshape(NW, EPT), pad).reshape(NW, NCF, K)
    dst = jnp.pad(edge_index[1].reshape(NW, EPT), pad,
                  constant_values=-1).reshape(1, NW * EPP)

    def remap(npass):
        nph = NP // npass
        p_arr = jnp.arange(npass, dtype=jnp.int32)[:, None]
        dl = dst - p_arr * nph
        ok = (dl >= 0) & (dl < nph)
        return jnp.where(ok, dl, nph + (dst & (TR - 1))).reshape(
            npass * NW, NCF, K)

    dst_c = remap(NPASS_C)
    dst_n = remap(NPASS_N)
    z_c = jnp.zeros(((NP // NPASS_C + TR) // NS, D), jnp.float32)
    z_n = jnp.zeros(((NP // NPASS_N + TR) // NS, D), jnp.float32)
    ones = jnp.ones((K, D), jnp.float32)

    sc_featsum_c, sc_featsum_n = _sc_kernels()
    h0, hr0 = _tc_in(x, W_in, b_in.reshape(1, D), ln_g_0.reshape(1, D),
                     ln_b_0.reshape(1, D))
    S0, C0 = sc_featsum_c(hr0, src_f, dst_c, z_c, ones)
    S0, C0 = S0.reshape(NC, NP, D), C0.reshape(NC, NP, D)
    h1, hr1 = _tc_mid(h0, hr0, S0, S0, C0, C0,
                      Wm1_0, bm1_0.reshape(1, 2 * D), Wm2_0,
                      bm2_0.reshape(1, D), ln_g_1.reshape(1, D),
                      ln_b_1.reshape(1, D))
    (S1,) = sc_featsum_n(hr1, src_f, dst_n, z_n, ones)
    S1 = S1.reshape(NC, NP, D)
    h2, _ = _tc_mid(h1, hr1, S1, S1, C0, C0,
                    Wm1_1, bm1_1.reshape(1, 2 * D), Wm2_1,
                    bm2_1.reshape(1, D), ln_g_1.reshape(1, D),
                    ln_b_1.reshape(1, D))
    return _tc_pool(h2).reshape(G, D)

# --- scband reference (transcript-rebuilt; emitter-appended) ---
"""Pipeline reference for scband-feature-extractor-gnn-64493228916868 (READ-ONLY COPY).

The authoritative reference and input builder live on the scoring server;
editing this copy changes nothing except your own understanding.
"""

import jax, jax.numpy as jnp
import numpy as np

N = 10000
E = 320000
D = 128
H = 128
G = 10


def _ln(h, g, b):
    mu = h.mean(-1, keepdims=True)
    var = h.var(-1, keepdims=True)
    return (h - mu) / jnp.sqrt(var + 1e-5) * g + b


def setup_inputs(seed: int = 0):
    key = jax.random.key(seed)
    ks = jax.random.split(key, 16)
    inp = {}
    inp["x"] = jax.random.normal(ks[0], (N, D), dtype=jnp.float32)
    inp["edge_index"] = jax.random.randint(ks[1], (2, E), 0, N, dtype=jnp.int32)
    inp["num_graphs"] = G
    s = 1.0 / np.sqrt(D)
    inp["W_in"] = jax.random.uniform(ks[2], (D, H), jnp.float32, -s, s)
    inp["b_in"] = jnp.zeros((H,), jnp.float32)
    sh = 1.0 / np.sqrt(H)
    s2 = 1.0 / np.sqrt(2 * H)
    for i in range(2):
        inp[f"Wm1_{i}"] = jax.random.uniform(ks[3 + 5 * i], (H, 2 * H), jnp.float32, -sh, sh)
        inp[f"bm1_{i}"] = jnp.zeros((2 * H,), jnp.float32)
        inp[f"Wm2_{i}"] = jax.random.uniform(ks[4 + 5 * i], (2 * H, H), jnp.float32, -s2, s2)
        inp[f"bm2_{i}"] = jnp.zeros((H,), jnp.float32)
        inp[f"ln_g_{i}"] = jnp.ones((H,), jnp.float32)
        inp[f"ln_b_{i}"] = jnp.zeros((H,), jnp.float32)
    return inp


def _gnn_forward(x, edge_index, num_graphs, W_in, b_in, layer_params):
    # DeepGEN-style res+ message passing backbone (GENConv with mean aggregation)
    src = edge_index[0]
    dst = edge_index[1]
    n = x.shape[0]
    h = x @ W_in + b_in
    deg = jax.ops.segment_sum(jnp.ones((src.shape[0],), jnp.float32), dst, num_segments=n)
    deg = jnp.maximum(deg, 1.0)[:, None]
    for (Wm1, bm1, Wm2, bm2, g, b) in layer_params:
        hn = _ln(h, g, b)            # res+ pre-norm
        hr = jax.nn.relu(hn)
        msg = jax.nn.relu(hr[src]) + 1e-7   # GENConv message (gather over edges)
        agg = jax.ops.segment_sum(msg, dst, num_segments=n) / deg  # mean scatter-reduce
        m = jax.nn.relu((hr + agg) @ Wm1 + bm1) @ Wm2 + bm2        # GENConv MLP update
        h = h + m                    # residual
    # node_embs[i::n_nodes] stacked along dim 1 == reshape(num_graphs, n_nodes, H)
    n_nodes = n // G
    node_embs = h.reshape(G, n_nodes, -1)
    graph_embs = node_embs.mean(1)   # use_pooling=True branch
    graph_embs = graph_embs + jnp.zeros((), graph_embs.dtype) * num_graphs
    return graph_embs


def reference(x, edge_index, num_graphs, W_in, b_in, Wm1_0, bm1_0, Wm2_0, bm2_0, ln_g_0, ln_b_0, Wm1_1, bm1_1, Wm2_1, bm2_1, ln_g_1, ln_b_1):
    layers = [
        (Wm1_0, bm1_0, Wm2_0, bm2_0, ln_g_0, ln_b_0),
        (Wm1_1, bm1_1, Wm2_1, bm2_1, ln_g_1, ln_b_1),
    ]
    return _gnn_forward(x, edge_index, num_graphs, W_in, b_in, layers)

if __name__ == "__main__":
    import jax
    _d = setup_inputs()
    print(jax.jit(kernel)(*tuple(_d.values())))

</pallas_src>

<mosaic_0001>
#map = affine_map<(d0, d1) -> (0, 0)>
#map1 = affine_map<(d0, d1) -> (0, 0, 0)>
module attributes {stable_mosaic.version = 14 : i64} {
  func.func @sc_featsum(%arg0: i32, %arg1: i32, %arg2: memref<10000x128xf32, #tpu.memory_space<hbm>>, %arg3: memref<32x79x128xi32, #tpu.memory_space<hbm>>, %arg4: memref<64x79x128xi32, #tpu.memory_space<hbm>>, %arg5: memref<328x128xf32, #tpu.memory_space<hbm>>, %arg6: memref<128x128xf32, #tpu.memory_space<hbm>>, %arg7: memref<20480x128xf32, #tpu.memory_space<hbm>>, %arg8: memref<79x128xi32, #tpu.memory_space<vmem>>, %arg9: memref<79x128xi32, #tpu.memory_space<vmem>>, %arg10: memref<128x128xf32, #tpu.memory_space<vmem>>, %arg11: memref<328x128xf32, #tpu.memory_space<vmem>>, %arg12: memref<5248x128xf32, #tpu.memory_space<vmem_shared>>, %arg13: memref<!tpu.dma_semaphore, #tpu.memory_space<semaphore_mem>>) attributes {dimension_semantics = [#tpu.dimension_semantics<core_parallel>, #tpu.dimension_semantics<subcore_parallel>], iteration_bounds = array<i64: 2, 16>, scalar_prefetch = 0 : i64, scratch_operands = 6 : i64, tpu.core_type = #tpu.core_type<sc_vector_subcore>, window_params = [{transform_indices = #map}, {transform_indices = #map1}, {transform_indices = #map1}, {transform_indices = #map}, {transform_indices = #map}, {transform_indices = #map}]} {
    %mul3A = arith.constant 16 : i32
    %mul3A_0 = arith.muli %arg0, %mul3A : i32
    %add3A = arith.addi %mul3A_0, %arg1 : i32
    "tpu.region"() ({
      %run_scoped3A = tpu.sem_alloc : memref<!tpu.dma_semaphore, #tpu.memory_space<semaphore_mem>>
      %dma_start3A = arith.constant 0 : i32
      %dma_start3A_42 = arith.constant 0 : i32
      %dma_start3A_43 = tpu.memref_slice %arg3[%add3A, %dma_start3A, %dma_start3A_42] : memref<32x79x128xi32, #tpu.memory_space<hbm>> -> memref<1x79x128xi32, #tpu.memory_space<hbm>>
      %dma_start3A_44 = tpu.memref_squeeze %dma_start3A_43 : memref<1x79x128xi32, #tpu.memory_space<hbm>> -> memref<79x128xi32, #tpu.memory_space<hbm>>
      %dma_start3A_45 = arith.constant 0 : i32
      %dma_start3A_46 = arith.constant 0 : i32
      %dma_start3A_47 = tpu.memref_slice %arg3[%add3A, %dma_start3A_45, %dma_start3A_46] : memref<32x79x128xi32, #tpu.memory_space<hbm>> -> memref<1x79x128xi32, #tpu.memory_space<hbm>>
      %dma_start3A_48 = tpu.memref_squeeze %dma_start3A_47 : memref<1x79x128xi32, #tpu.memory_space<hbm>> -> memref<79x128xi32, #tpu.memory_space<hbm>>
      tpu.enqueue_dma source(%dma_start3A_48 : memref<79x128xi32, #tpu.memory_space<hbm>>) target(%arg8 : memref<79x128xi32, #tpu.memory_space<vmem>>) target_semaphore(%run_scoped3A : memref<!tpu.dma_semaphore, #tpu.memory_space<semaphore_mem>>)
      %dma_wait3A = arith.constant 0 : i32
      %dma_wait3A_49 = arith.constant 0 : i32
      %dma_wait3A_50 = tpu.memref_slice %arg3[%add3A, %dma_wait3A, %dma_wait3A_49] : memref<32x79x128xi32, #tpu.memory_space<hbm>> -> memref<1x79x128xi32, #tpu.memory_space<hbm>>
      %dma_wait3A_51 = tpu.memref_squeeze %dma_wait3A_50 : memref<1x79x128xi32, #tpu.memory_space<hbm>> -> memref<79x128xi32, #tpu.memory_space<hbm>>
      %dma_wait3A_52 = arith.constant 0 : i32
      %dma_wait3A_53 = arith.constant 0 : i32
      %dma_wait3A_54 = tpu.memref_slice %arg3[%add3A, %dma_wait3A_52, %dma_wait3A_53] : memref<32x79x128xi32, #tpu.memory_space<hbm>> -> memref<1x79x128xi32, #tpu.memory_space<hbm>>
      %dma_wait3A_55 = tpu.memref_squeeze %dma_wait3A_54 : memref<1x79x128xi32, #tpu.memory_space<hbm>> -> memref<79x128xi32, #tpu.memory_space<hbm>>
      tpu.wait_dma2 semaphore(%run_scoped3A : memref<!tpu.dma_semaphore, #tpu.memory_space<semaphore_mem>>) src(%dma_wait3A_55 : memref<79x128xi32, #tpu.memory_space<hbm>>) dst(%arg8 : memref<79x128xi32, #tpu.memory_space<vmem>>)
      tpu.yield
    }) : () -> ()
    "tpu.region"() ({
      %run_scoped3A = tpu.sem_alloc : memref<!tpu.dma_semaphore, #tpu.memory_space<semaphore_mem>>
      tpu.enqueue_dma source(%arg5 : memref<328x128xf32, #tpu.memory_space<hbm>>) target(%arg11 : memref<328x128xf32, #tpu.memory_space<vmem>>) target_semaphore(%run_scoped3A : memref<!tpu.dma_semaphore, #tpu.memory_space<semaphore_mem>>)
      tpu.wait_dma2 semaphore(%run_scoped3A : memref<!tpu.dma_semaphore, #tpu.memory_space<semaphore_mem>>) src(%arg5 : memref<328x128xf32, #tpu.memory_space<hbm>>) dst(%arg11 : memref<328x128xf32, #tpu.memory_space<vmem>>)
      tpu.yield
    }) : () -> ()
    %mul3A_1 = arith.constant 328 : i32
    %mul3A_2 = arith.muli %arg1, %mul3A_1 : i32
    "tpu.region"() ({
      %run_scoped3A = tpu.sem_alloc : memref<!tpu.dma_semaphore, #tpu.memory_space<semaphore_mem>>
      %dma_start3A = arith.constant 0 : i32
      %dma_start3A_42 = tpu.memref_slice %arg12[%mul3A_2, %dma_start3A] : memref<5248x128xf32, #tpu.memory_space<vmem_shared>> -> memref<328x128xf32, #tpu.memory_space<vmem_shared>>
      %dma_start3A_43 = arith.constant 0 : i32
      %dma_start3A_44 = tpu.memref_slice %arg12[%mul3A_2, %dma_start3A_43] : memref<5248x128xf32, #tpu.memory_space<vmem_shared>> -> memref<328x128xf32, #tpu.memory_space<vmem_shared>>
      tpu.enqueue_dma source(%arg11 : memref<328x128xf32, #tpu.memory_space<vmem>>) target(%dma_start3A_44 : memref<328x128xf32, #tpu.memory_space<vmem_shared>>) target_semaphore(%run_scoped3A : memref<!tpu.dma_semaphore, #tpu.memory_space<semaphore_mem>>)
      %dma_wait3A = arith.constant 0 : i32
      %dma_wait3A_45 = tpu.memref_slice %arg12[%mul3A_2, %dma_wait3A] : memref<5248x128xf32, #tpu.memory_space<vmem_shared>> -> memref<328x128xf32, #tpu.memory_space<vmem_shared>>
      %dma_wait3A_46 = arith.constant 0 : i32
      %dma_wait3A_47 = tpu.memref_slice %arg12[%mul3A_2, %dma_wait3A_46] : memref<5248x128xf32, #tpu.memory_space<vmem_shared>> -> memref<328x128xf32, #tpu.memory_space<vmem_shared>>
      tpu.wait_dma2 semaphore(%run_scoped3A : memref<!tpu.dma_semaphore, #tpu.memory_space<semaphore_mem>>) src(%arg11 : memref<328x128xf32, #tpu.memory_space<vmem>>) dst(%dma_wait3A_47 : memref<328x128xf32, #tpu.memory_space<vmem_shared>>)
      tpu.yield
    }) : () -> ()
    %add3A_3 = arith.constant 0 : i32
    %add3A_4 = arith.addi %add3A_3, %add3A : i32
    "tpu.region"() ({
      %run_scoped3A = tpu.sem_alloc : memref<!tpu.dma_semaphore, #tpu.memory_space<semaphore_mem>>
      %dma_start3A = arith.constant 0 : i32
      %dma_start3A_42 = arith.constant 0 : i32
      %dma_start3A_43 = tpu.memref_slice %arg4[%add3A_4, %dma_start3A, %dma_start3A_42] : memref<64x79x128xi32, #tpu.memory_space<hbm>> -> memref<1x79x128xi32, #tpu.memory_space<hbm>>
      %dma_start3A_44 = tpu.memref_squeeze %dma_start3A_43 : memref<1x79x128xi32, #tpu.memory_space<hbm>> -> memref<79x128xi32, #tpu.memory_space<hbm>>
      %dma_start3A_45 = arith.constant 0 : i32
      %dma_start3A_46 = arith.constant 0 : i32
      %dma_start3A_47 = tpu.memref_slice %arg4[%add3A_4, %dma_start3A_45, %dma_start3A_46] : memref<64x79x128xi32, #tpu.memory_space<hbm>> -> memref<1x79x128xi32, #tpu.memory_space<hbm>>
      %dma_start3A_48 = tpu.memref_squeeze %dma_start3A_47 : memref<1x79x128xi32, #tpu.memory_space<hbm>> -> memref<79x128xi32, #tpu.memory_space<hbm>>
      tpu.enqueue_dma source(%dma_start3A_48 : memref<79x128xi32, #tpu.memory_space<hbm>>) target(%arg9 : memref<79x128xi32, #tpu.memory_space<vmem>>) target_semaphore(%run_scoped3A : memref<!tpu.dma_semaphore, #tpu.memory_space<semaphore_mem>>)
      %dma_wait3A = arith.constant 0 : i32
      %dma_wait3A_49 = arith.constant 0 : i32
      %dma_wait3A_50 = tpu.memref_slice %arg4[%add3A_4, %dma_wait3A, %dma_wait3A_49] : memref<64x79x128xi32, #tpu.memory_space<hbm>> -> memref<1x79x128xi32, #tpu.memory_space<hbm>>
      %dma_wait3A_51 = tpu.memref_squeeze %dma_wait3A_50 : memref<1x79x128xi32, #tpu.memory_space<hbm>> -> memref<79x128xi32, #tpu.memory_space<hbm>>
      %dma_wait3A_52 = arith.constant 0 : i32
      %dma_wait3A_53 = arith.constant 0 : i32
      %dma_wait3A_54 = tpu.memref_slice %arg4[%add3A_4, %dma_wait3A_52, %dma_wait3A_53] : memref<64x79x128xi32, #tpu.memory_space<hbm>> -> memref<1x79x128xi32, #tpu.memory_space<hbm>>
      %dma_wait3A_55 = tpu.memref_squeeze %dma_wait3A_54 : memref<1x79x128xi32, #tpu.memory_space<hbm>> -> memref<79x128xi32, #tpu.memory_space<hbm>>
      tpu.wait_dma2 semaphore(%run_scoped3A : memref<!tpu.dma_semaphore, #tpu.memory_space<semaphore_mem>>) src(%dma_wait3A_55 : memref<79x128xi32, #tpu.memory_space<hbm>>) dst(%arg9 : memref<79x128xi32, #tpu.memory_space<vmem>>)
      tpu.yield
    }) : () -> ()
    %barrier3A = arith.constant 0 : index
    tpu.barrier barrier_id(%barrier3A)
    %scan3A = arith.constant 0 : i32
    %scan3A_5 = arith.constant 0 : i32
    %scan3A_6 = arith.constant 79 : i32
    %scan3A_7 = arith.addi %scan3A_5, %scan3A_6 : i32
    %scan3A_8 = arith.constant 1 : i32
    scf.for %scan3A_42 = %scan3A_5 to %scan3A_7 step %scan3A_8  : i32 {
      %dma_start3A = arith.constant 0 : i32
      %dma_start3A_43 = tpu.memref_slice %arg8[%scan3A_42, %dma_start3A] : memref<79x128xi32, #tpu.memory_space<vmem>> -> memref<1x128xi32, #tpu.memory_space<vmem>>
      %dma_start3A_44 = tpu.memref_squeeze %dma_start3A_43 : memref<1x128xi32, #tpu.memory_space<vmem>> -> memref<128xi32, #tpu.memory_space<vmem>>
      %dma_start3A_45 = arith.constant 0 : i32
      %dma_start3A_46 = arith.constant 0 : i32
      %dma_start3A_47 = tpu.memref_slice %arg2[%dma_start3A_45, %dma_start3A_46] : memref<10000x128xf32, #tpu.memory_space<hbm>> -> memref<10000x128xf32, #tpu.memory_space<hbm>>
      tpu.enqueue_indirect_dma source(%dma_start3A_47 : memref<10000x128xf32, #tpu.memory_space<hbm>>) target(%arg10 : memref<128x128xf32, #tpu.memory_space<vmem>>) offsets(%dma_start3A_44 : memref<128xi32, #tpu.memory_space<vmem>>) semaphore(%arg13 : memref<!tpu.dma_semaphore, #tpu.memory_space<semaphore_mem>>)
      %dma_wait3A = arith.constant 0 : i32
      %dma_wait3A_48 = tpu.memref_slice %arg8[%scan3A_42, %dma_wait3A] : memref<79x128xi32, #tpu.memory_space<vmem>> -> memref<1x128xi32, #tpu.memory_space<vmem>>
      %dma_wait3A_49 = tpu.memref_squeeze %dma_wait3A_48 : memref<1x128xi32, #tpu.memory_space<vmem>> -> memref<128xi32, #tpu.memory_space<vmem>>
      %dma_wait3A_50 = arith.constant 0 : i32
      %dma_wait3A_51 = arith.constant 0 : i32
      %dma_wait3A_52 = tpu.memref_slice %arg2[%dma_wait3A_50, %dma_wait3A_51] : memref<10000x128xf32, #tpu.memory_space<hbm>> -> memref<10000x128xf32, #tpu.memory_space<hbm>>
      tpu.wait_indirect_dma semaphore(%arg13 : memref<!tpu.dma_semaphore, #tpu.memory_space<semaphore_mem>>) src(%dma_wait3A_52 : memref<10000x128xf32, #tpu.memory_space<hbm>>) dst(%arg10 : memref<128x128xf32, #tpu.memory_space<vmem>>)
      "tpu.region"() ({
        %run_scoped3A = tpu.sem_alloc : memref<!tpu.dma_semaphore, #tpu.memory_space<semaphore_mem>>
        %dma_start3A_53 = arith.constant 0 : i32
        %dma_start3A_54 = tpu.memref_slice %arg9[%scan3A_42, %dma_start3A_53] : memref<79x128xi32, #tpu.memory_space<vmem>> -> memref<1x128xi32, #tpu.memory_space<vmem>>
        %dma_start3A_55 = tpu.memref_squeeze %dma_start3A_54 : memref<1x128xi32, #tpu.memory_space<vmem>> -> memref<128xi32, #tpu.memory_space<vmem>>
        %dma_start3A_56 = arith.constant 0 : i32
        %dma_start3A_57 = arith.constant 0 : i32
        %dma_start3A_58 = tpu.memref_slice %arg12[%dma_start3A_56, %dma_start3A_57] : memref<5248x128xf32, #tpu.memory_space<vmem_shared>> -> memref<5248x128xf32, #tpu.memory_space<vmem_shared>>
        tpu.enqueue_indirect_dma source(%arg10 : memref<128x128xf32, #tpu.memory_space<vmem>>) target(%dma_start3A_58 : memref<5248x128xf32, #tpu.memory_space<vmem_shared>>) offsets(%dma_start3A_55 : memref<128xi32, #tpu.memory_space<vmem>>) semaphore(%run_scoped3A : memref<!tpu.dma_semaphore, #tpu.memory_space<semaphore_mem>>) {add = true}
        %dma_wait3A_59 = arith.constant 0 : i32
        %dma_wait3A_60 = tpu.memref_slice %arg9[%scan3A_42, %dma_wait3A_59] : memref<79x128xi32, #tpu.memory_space<vmem>> -> memref<1x128xi32, #tpu.memory_space<vmem>>
        %dma_wait3A_61 = tpu.memref_squeeze %dma_wait3A_60 : memref<1x128xi32, #tpu.memory_space<vmem>> -> memref<128xi32, #tpu.memory_space<vmem>>
        %dma_wait3A_62 = arith.constant 0 : i32
        %dma_wait3A_63 = arith.constant 0 : i32
        %dma_wait3A_64 = tpu.memref_slice %arg12[%dma_wait3A_62, %dma_wait3A_63] : memref<5248x128xf32, #tpu.memory_space<vmem_shared>> -> memref<5248x128xf32, #tpu.memory_space<vmem_shared>>
        tpu.wait_indirect_dma semaphore(%run_scoped3A : memref<!tpu.dma_semaphore, #tpu.memory_space<semaphore_mem>>) src(%arg10 : memref<128x128xf32, #tpu.memory_space<vmem>>) dst(%dma_wait3A_64 : memref<5248x128xf32, #tpu.memory_space<vmem_shared>>)
        tpu.yield
      }) : () -> ()
    }
    %scan3A_9 = arith.constant 79 : i32
    %barrier3A_10 = arith.constant 0 : index
    tpu.barrier barrier_id(%barrier3A_10)
    %mul3A_11 = arith.constant 320 : i32
    %mul3A_12 = arith.muli %arg1, %mul3A_11 : i32
    "tpu.region"() ({
      %run_scoped3A = tpu.sem_alloc : memref<!tpu.dma_semaphore, #tpu.memory_space<semaphore_mem>>
      %dma_start3A = arith.constant 0 : i32
      %dma_start3A_42 = arith.constant 0 : i32
      %dma_start3A_43 = tpu.memref_slice %arg11[%dma_start3A, %dma_start3A_42] : memref<328x128xf32, #tpu.memory_space<vmem>> -> memref<320x128xf32, #tpu.memory_space<vmem>>
      %dma_start3A_44 = arith.constant 0 : i32
      %dma_start3A_45 = tpu.memref_slice %arg12[%mul3A_12, %dma_start3A_44] : memref<5248x128xf32, #tpu.memory_space<vmem_shared>> -> memref<320x128xf32, #tpu.memory_space<vmem_shared>>
      %dma_start3A_46 = arith.constant 0 : i32
      %dma_start3A_47 = arith.constant 0 : i32
      %dma_start3A_48 = tpu.memref_slice %arg11[%dma_start3A_46, %dma_start3A_47] : memref<328x128xf32, #tpu.memory_space<vmem>> -> memref<320x128xf32, #tpu.memory_space<vmem>>
      %dma_start3A_49 = arith.constant 0 : i32
      %dma_start3A_50 = tpu.memref_slice %arg12[%mul3A_12, %dma_start3A_49] : memref<5248x128xf32, #tpu.memory_space<vmem_shared>> -> memref<320x128xf32, #tpu.memory_space<vmem_shared>>
      tpu.enqueue_dma source(%dma_start3A_50 : memref<320x128xf32, #tpu.memory_space<vmem_shared>>) target(%dma_start3A_48 : memref<320x128xf32, #tpu.memory_space<vmem>>) target_semaphore(%run_scoped3A : memref<!tpu.dma_semaphore, #tpu.memory_space<semaphore_mem>>)
      %dma_wait3A = arith.constant 0 : i32
      %dma_wait3A_51 = arith.constant 0 : i32
      %dma_wait3A_52 = tpu.memref_slice %arg11[%dma_wait3A, %dma_wait3A_51] : memref<328x128xf32, #tpu.memory_space<vmem>> -> memref<320x128xf32, #tpu.memory_space<vmem>>
      %dma_wait3A_53 = arith.constant 0 : i32
      %dma_wait3A_54 = tpu.memref_slice %arg12[%mul3A_12, %dma_wait3A_53] : memref<5248x128xf32, #tpu.memory_space<vmem_shared>> -> memref<320x128xf32, #tpu.memory_space<vmem_shared>>
      %dma_wait3A_55 = arith.constant 0 : i32
      %dma_wait3A_56 = arith.constant 0 : i32
      %dma_wait3A_57 = tpu.memref_slice %arg11[%dma_wait3A_55, %dma_wait3A_56] : memref<328x128xf32, #tpu.memory_space<vmem>> -> memref<320x128xf32, #tpu.memory_space<vmem>>
      %dma_wait3A_58 = arith.constant 0 : i32
      %dma_wait3A_59 = tpu.memref_slice %arg12[%mul3A_12, %dma_wait3A_58] : memref<5248x128xf32, #tpu.memory_space<vmem_shared>> -> memref<320x128xf32, #tpu.memory_space<vmem_shared>>
      tpu.wait_dma2 semaphore(%run_scoped3A : memref<!tpu.dma_semaphore, #tpu.memory_space<semaphore_mem>>) src(%dma_wait3A_59 : memref<320x128xf32, #tpu.memory_space<vmem_shared>>) dst(%dma_wait3A_57 : memref<320x128xf32, #tpu.memory_space<vmem>>)
      tpu.yield
    }) : () -> ()
    %mul3A_13 = arith.constant 10240 : i32
    %mul3A_14 = arith.muli %arg0, %mul3A_13 : i32
    %add3A_15 = arith.constant 0 : i32
    %add3A_16 = arith.addi %mul3A_14, %add3A_15 : i32
    %mul3A_17 = arith.constant 320 : i32
    %mul3A_18 = arith.muli %arg1, %mul3A_17 : i32
    %add3A_19 = arith.addi %add3A_16, %mul3A_18 : i32
    "tpu.region"() ({
      %run_scoped3A = tpu.sem_alloc : memref<!tpu.dma_semaphore, #tpu.memory_space<semaphore_mem>>
      %dma_start3A = arith.constant 0 : i32
      %dma_start3A_42 = arith.constant 0 : i32
      %dma_start3A_43 = tpu.memref_slice %arg11[%dma_start3A, %dma_start3A_42] : memref<328x128xf32, #tpu.memory_space<vmem>> -> memref<320x128xf32, #tpu.memory_space<vmem>>
      %dma_start3A_44 = arith.constant 0 : i32
      %dma_start3A_45 = tpu.memref_slice %arg7[%add3A_19, %dma_start3A_44] : memref<20480x128xf32, #tpu.memory_space<hbm>> -> memref<320x128xf32, #tpu.memory_space<hbm>>
      %dma_start3A_46 = arith.constant 0 : i32
      %dma_start3A_47 = tpu.memref_slice %arg7[%add3A_19, %dma_start3A_46] : memref<20480x128xf32, #tpu.memory_space<hbm>> -> memref<320x128xf32, #tpu.memory_space<hbm>>
      %dma_start3A_48 = arith.constant 0 : i32
      %dma_start3A_49 = arith.constant 0 : i32
      %dma_start3A_50 = tpu.memref_slice %arg11[%dma_start3A_48, %dma_start3A_49] : memref<328x128xf32, #tpu.memory_space<vmem>> -> memref<320x128xf32, #tpu.memory_space<vmem>>
      tpu.enqueue_dma source(%dma_start3A_50 : memref<320x128xf32, #tpu.memory_space<vmem>>) target(%dma_start3A_47 : memref<320x128xf32, #tpu.memory_space<hbm>>) target_semaphore(%run_scoped3A : memref<!tpu.dma_semaphore, #tpu.memory_space<semaphore_mem>>)
      %dma_wait3A = arith.constant 0 : i32
      %dma_wait3A_51 = arith.constant 0 : i32
      %dma_wait3A_52 = tpu.memref_slice %arg11[%dma_wait3A, %dma_wait3A_51] : memref<328x128xf32, #tpu.memory_space<vmem>> -> memref<320x128xf32, #tpu.memory_space<vmem>>
      %dma_wait3A_53 = arith.constant 0 : i32
      %dma_wait3A_54 = tpu.memref_slice %arg7[%add3A_19, %dma_wait3A_53] : memref<20480x128xf32, #tpu.memory_space<hbm>> -> memref<320x128xf32, #tpu.memory_space<hbm>>
      %dma_wait3A_55 = arith.constant 0 : i32
      %dma_wait3A_56 = tpu.memref_slice %arg7[%add3A_19, %dma_wait3A_55] : memref<20480x128xf32, #tpu.memory_space<hbm>> -> memref<320x128xf32, #tpu.memory_space<hbm>>
      %dma_wait3A_57 = arith.constant 0 : i32
      %dma_wait3A_58 = arith.constant 0 : i32
      %dma_wait3A_59 = tpu.memref_slice %arg11[%dma_wait3A_57, %dma_wait3A_58] : memref<328x128xf32, #tpu.memory_space<vmem>> -> memref<320x128xf32, #tpu.memory_space<vmem>>
      tpu.wait_dma2 semaphore(%run_scoped3A : memref<!tpu.dma_semaphore, #tpu.memory_space<semaphore_mem>>) src(%dma_wait3A_59 : memref<320x128xf32, #tpu.memory_space<vmem>>) dst(%dma_wait3A_56 : memref<320x128xf32, #tpu.memory_space<hbm>>)
      tpu.yield
    }) : () -> ()
    "tpu.region"() ({
      %run_scoped3A = tpu.sem_alloc : memref<!tpu.dma_semaphore, #tpu.memory_space<semaphore_mem>>
      tpu.enqueue_dma source(%arg5 : memref<328x128xf32, #tpu.memory_space<hbm>>) target(%arg11 : memref<328x128xf32, #tpu.memory_space<vmem>>) target_semaphore(%run_scoped3A : memref<!tpu.dma_semaphore, #tpu.memory_space<semaphore_mem>>)
      tpu.wait_dma2 semaphore(%run_scoped3A : memref<!tpu.dma_semaphore, #tpu.memory_space<semaphore_mem>>) src(%arg5 : memref<328x128xf32, #tpu.memory_space<hbm>>) dst(%arg11 : memref<328x128xf32, #tpu.memory_space<vmem>>)
      tpu.yield
    }) : () -> ()
    %barrier3A_20 = arith.constant 0 : index
    tpu.barrier barrier_id(%barrier3A_20)
    %mul3A_21 = arith.constant 328 : i32
    %mul3A_22 = arith.muli %arg1, %mul3A_21 : i32
    "tpu.region"() ({
      %run_scoped3A = tpu.sem_alloc : memref<!tpu.dma_semaphore, #tpu.memory_space<semaphore_mem>>
      %dma_start3A = arith.constant 0 : i32
      %dma_start3A_42 = tpu.memref_slice %arg12[%mul3A_22, %dma_start3A] : memref<5248x128xf32, #tpu.memory_space<vmem_shared>> -> memref<328x128xf32, #tpu.memory_space<vmem_shared>>
      %dma_start3A_43 = arith.constant 0 : i32
      %dma_start3A_44 = tpu.memref_slice %arg12[%mul3A_22, %dma_start3A_43] : memref<5248x128xf32, #tpu.memory_space<vmem_shared>> -> memref<328x128xf32, #tpu.memory_space<vmem_shared>>
      tpu.enqueue_dma source(%arg11 : memref<328x128xf32, #tpu.memory_space<vmem>>) target(%dma_start3A_44 : memref<328x128xf32, #tpu.memory_space<vmem_shared>>) target_semaphore(%run_scoped3A : memref<!tpu.dma_semaphore, #tpu.memory_space<semaphore_mem>>)
      %dma_wait3A = arith.constant 0 : i32
      %dma_wait3A_45 = tpu.memref_slice %arg12[%mul3A_22, %dma_wait3A] : memref<5248x128xf32, #tpu.memory_space<vmem_shared>> -> memref<328x128xf32, #tpu.memory_space<vmem_shared>>
      %dma_wait3A_46 = arith.constant 0 : i32
      %dma_wait3A_47 = tpu.memref_slice %arg12[%mul3A_22, %dma_wait3A_46] : memref<5248x128xf32, #tpu.memory_space<vmem_shared>> -> memref<328x128xf32, #tpu.memory_space<vmem_shared>>
      tpu.wait_dma2 semaphore(%run_scoped3A : memref<!tpu.dma_semaphore, #tpu.memory_space<semaphore_mem>>) src(%arg11 : memref<328x128xf32, #tpu.memory_space<vmem>>) dst(%dma_wait3A_47 : memref<328x128xf32, #tpu.memory_space<vmem_shared>>)
      tpu.yield
    }) : () -> ()
    %add3A_23 = arith.constant 32 : i32
    %add3A_24 = arith.addi %add3A_23, %add3A : i32
    "tpu.region"() ({
      %run_scoped3A = tpu.sem_alloc : memref<!tpu.dma_semaphore, #tpu.memory_space<semaphore_mem>>
      %dma_start3A = arith.constant 0 : i32
      %dma_start3A_42 = arith.constant 0 : i32
      %dma_start3A_43 = tpu.memref_slice %arg4[%add3A_24, %dma_start3A, %dma_start3A_42] : memref<64x79x128xi32, #tpu.memory_space<hbm>> -> memref<1x79x128xi32, #tpu.memory_space<hbm>>
      %dma_start3A_44 = tpu.memref_squeeze %dma_start3A_43 : memref<1x79x128xi32, #tpu.memory_space<hbm>> -> memref<79x128xi32, #tpu.memory_space<hbm>>
      %dma_start3A_45 = arith.constant 0 : i32
      %dma_start3A_46 = arith.constant 0 : i32
      %dma_start3A_47 = tpu.memref_slice %arg4[%add3A_24, %dma_start3A_45, %dma_start3A_46] : memref<64x79x128xi32, #tpu.memory_space<hbm>> -> memref<1x79x128xi32, #tpu.memory_space<hbm>>
      %dma_start3A_48 = tpu.memref_squeeze %dma_start3A_47 : memref<1x79x128xi32, #tpu.memory_space<hbm>> -> memref<79x128xi32, #tpu.memory_space<hbm>>
      tpu.enqueue_dma source(%dma_start3A_48 : memref<79x128xi32, #tpu.memory_space<hbm>>) target(%arg9 : memref<79x128xi32, #tpu.memory_space<vmem>>) target_semaphore(%run_scoped3A : memref<!tpu.dma_semaphore, #tpu.memory_space<semaphore_mem>>)
      %dma_wait3A = arith.constant 0 : i32
      %dma_wait3A_49 = arith.constant 0 : i32
      %dma_wait3A_50 = tpu.memref_slice %arg4[%add3A_24, %dma_wait3A, %dma_wait3A_49] : memref<64x79x128xi32, #tpu.memory_space<hbm>> -> memref<1x79x128xi32, #tpu.memory_space<hbm>>
      %dma_wait3A_51 = tpu.memref_squeeze %dma_wait3A_50 : memref<1x79x128xi32, #tpu.memory_space<hbm>> -> memref<79x128xi32, #tpu.memory_space<hbm>>
      %dma_wait3A_52 = arith.constant 0 : i32
      %dma_wait3A_53 = arith.constant 0 : i32
      %dma_wait3A_54 = tpu.memref_slice %arg4[%add3A_24, %dma_wait3A_52, %dma_wait3A_53] : memref<64x79x128xi32, #tpu.memory_space<hbm>> -> memref<1x79x128xi32, #tpu.memory_space<hbm>>
      %dma_wait3A_55 = tpu.memref_squeeze %dma_wait3A_54 : memref<1x79x128xi32, #tpu.memory_space<hbm>> -> memref<79x128xi32, #tpu.memory_space<hbm>>
      tpu.wait_dma2 semaphore(%run_scoped3A : memref<!tpu.dma_semaphore, #tpu.memory_space<semaphore_mem>>) src(%dma_wait3A_55 : memref<79x128xi32, #tpu.memory_space<hbm>>) dst(%arg9 : memref<79x128xi32, #tpu.memory_space<vmem>>)
      tpu.yield
    }) : () -> ()
    %barrier3A_25 = arith.constant 0 : index
    tpu.barrier barrier_id(%barrier3A_25)
    %scan3A_26 = arith.constant 0 : i32
    %scan3A_27 = arith.constant 0 : i32
    %scan3A_28 = arith.constant 79 : i32
    %scan3A_29 = arith.addi %scan3A_27, %scan3A_28 : i32
    %scan3A_30 = arith.constant 1 : i32
    scf.for %scan3A_42 = %scan3A_27 to %scan3A_29 step %scan3A_30  : i32 {
      %dma_start3A = arith.constant 0 : i32
      %dma_start3A_43 = tpu.memref_slice %arg8[%scan3A_42, %dma_start3A] : memref<79x128xi32, #tpu.memory_space<vmem>> -> memref<1x128xi32, #tpu.memory_space<vmem>>
      %dma_start3A_44 = tpu.memref_squeeze %dma_start3A_43 : memref<1x128xi32, #tpu.memory_space<vmem>> -> memref<128xi32, #tpu.memory_space<vmem>>
      %dma_start3A_45 = arith.constant 0 : i32
      %dma_start3A_46 = arith.constant 0 : i32
      %dma_start3A_47 = tpu.memref_slice %arg2[%dma_start3A_45, %dma_start3A_46] : memref<10000x128xf32, #tpu.memory_space<hbm>> -> memref<10000x128xf32, #tpu.memory_space<hbm>>
      tpu.enqueue_indirect_dma source(%dma_start3A_47 : memref<10000x128xf32, #tpu.memory_space<hbm>>) target(%arg10 : memref<128x128xf32, #tpu.memory_space<vmem>>) offsets(%dma_start3A_44 : memref<128xi32, #tpu.memory_space<vmem>>) semaphore(%arg13 : memref<!tpu.dma_semaphore, #tpu.memory_space<semaphore_mem>>)
      %dma_wait3A = arith.constant 0 : i32
      %dma_wait3A_48 = tpu.memref_slice %arg8[%scan3A_42, %dma_wait3A] : memref<79x128xi32, #tpu.memory_space<vmem>> -> memref<1x128xi32, #tpu.memory_space<vmem>>
      %dma_wait3A_49 = tpu.memref_squeeze %dma_wait3A_48 : memref<1x128xi32, #tpu.memory_space<vmem>> -> memref<128xi32, #tpu.memory_space<vmem>>
      %dma_wait3A_50 = arith.constant 0 : i32
      %dma_wait3A_51 = arith.constant 0 : i32
      %dma_wait3A_52 = tpu.memref_slice %arg2[%dma_wait3A_50, %dma_wait3A_51] : memref<10000x128xf32, #tpu.memory_space<hbm>> -> memref<10000x128xf32, #tpu.memory_space<hbm>>
      tpu.wait_indirect_dma semaphore(%arg13 : memref<!tpu.dma_semaphore, #tpu.memory_space<semaphore_mem>>) src(%dma_wait3A_52 : memref<10000x128xf32, #tpu.memory_space<hbm>>) dst(%arg10 : memref<128x128xf32, #tpu.memory_space<vmem>>)
      "tpu.region"() ({
        %run_scoped3A = tpu.sem_alloc : memref<!tpu.dma_semaphore, #tpu.memory_space<semaphore_mem>>
        %dma_start3A_53 = arith.constant 0 : i32
        %dma_start3A_54 = tpu.memref_slice %arg9[%scan3A_42, %dma_start3A_53] : memref<79x128xi32, #tpu.memory_space<vmem>> -> memref<1x128xi32, #tpu.memory_space<vmem>>
        %dma_start3A_55 = tpu.memref_squeeze %dma_start3A_54 : memref<1x128xi32, #tpu.memory_space<vmem>> -> memref<128xi32, #tpu.memory_space<vmem>>
        %dma_start3A_56 = arith.constant 0 : i32
        %dma_start3A_57 = arith.constant 0 : i32
        %dma_start3A_58 = tpu.memref_slice %arg12[%dma_start3A_56, %dma_start3A_57] : memref<5248x128xf32, #tpu.memory_space<vmem_shared>> -> memref<5248x128xf32, #tpu.memory_space<vmem_shared>>
        tpu.enqueue_indirect_dma source(%arg10 : memref<128x128xf32, #tpu.memory_space<vmem>>) target(%dma_start3A_58 : memref<5248x128xf32, #tpu.memory_space<vmem_shared>>) offsets(%dma_start3A_55 : memref<128xi32, #tpu.memory_space<vmem>>) semaphore(%run_scoped3A : memref<!tpu.dma_semaphore, #tpu.memory_space<semaphore_mem>>) {add = true}
        %dma_wait3A_59 = arith.constant 0 : i32
        %dma_wait3A_60 = tpu.memref_slice %arg9[%scan3A_42, %dma_wait3A_59] : memref<79x128xi32, #tpu.memory_space<vmem>> -> memref<1x128xi32, #tpu.memory_space<vmem>>
        %dma_wait3A_61 = tpu.memref_squeeze %dma_wait3A_60 : memref<1x128xi32, #tpu.memory_space<vmem>> -> memref<128xi32, #tpu.memory_space<vmem>>
        %dma_wait3A_62 = arith.constant 0 : i32
        %dma_wait3A_63 = arith.constant 0 : i32
        %dma_wait3A_64 = tpu.memref_slice %arg12[%dma_wait3A_62, %dma_wait3A_63] : memref<5248x128xf32, #tpu.memory_space<vmem_shared>> -> memref<5248x128xf32, #tpu.memory_space<vmem_shared>>
        tpu.wait_indirect_dma semaphore(%run_scoped3A : memref<!tpu.dma_semaphore, #tpu.memory_space<semaphore_mem>>) src(%arg10 : memref<128x128xf32, #tpu.memory_space<vmem>>) dst(%dma_wait3A_64 : memref<5248x128xf32, #tpu.memory_space<vmem_shared>>)
        tpu.yield
      }) : () -> ()
    }
    %scan3A_31 = arith.constant 79 : i32
    %barrier3A_32 = arith.constant 0 : index
    tpu.barrier barrier_id(%barrier3A_32)
    %mul3A_33 = arith.constant 320 : i32
    %mul3A_34 = arith.muli %arg1, %mul3A_33 : i32
    "tpu.region"() ({
      %run_scoped3A = tpu.sem_alloc : memref<!tpu.dma_semaphore, #tpu.memory_space<semaphore_mem>>
      %dma_start3A = arith.constant 0 : i32
      %dma_start3A_42 = arith.constant 0 : i32
      %dma_start3A_43 = tpu.memref_slice %arg11[%dma_start3A, %dma_start3A_42] : memref<328x128xf32, #tpu.memory_space<vmem>> -> memref<320x128xf32, #tpu.memory_space<vmem>>
      %dma_start3A_44 = arith.constant 0 : i32
      %dma_start3A_45 = tpu.memref_slice %arg12[%mul3A_34, %dma_start3A_44] : memref<5248x128xf32, #tpu.memory_space<vmem_shared>> -> memref<320x128xf32, #tpu.memory_space<vmem_shared>>
      %dma_start3A_46 = arith.constant 0 : i32
      %dma_start3A_47 = arith.constant 0 : i32
      %dma_start3A_48 = tpu.memref_slice %arg11[%dma_start3A_46, %dma_start3A_47] : memref<328x128xf32, #tpu.memory_space<vmem>> -> memref<320x128xf32, #tpu.memory_space<vmem>>
      %dma_start3A_49 = arith.constant 0 : i32
      %dma_start3A_50 = tpu.memref_slice %arg12[%mul3A_34, %dma_start3A_49] : memref<5248x128xf32, #tpu.memory_space<vmem_shared>> -> memref<320x128xf32, #tpu.memory_space<vmem_shared>>
      tpu.enqueue_dma source(%dma_start3A_50 : memref<320x128xf32, #tpu.memory_space<vmem_shared>>) target(%dma_start3A_48 : memref<320x128xf32, #tpu.memory_space<vmem>>) target_semaphore(%run_scoped3A : memref<!tpu.dma_semaphore, #tpu.memory_space<semaphore_mem>>)
      %dma_wait3A = arith.constant 0 : i32
      %dma_wait3A_51 = arith.constant 0 : i32
      %dma_wait3A_52 = tpu.memref_slice %arg11[%dma_wait3A, %dma_wait3A_51] : memref<328x128xf32, #tpu.memory_space<vmem>> -> memref<320x128xf32, #tpu.memory_space<vmem>>
      %dma_wait3A_53 = arith.constant 0 : i32
      %dma_wait3A_54 = tpu.memref_slice %arg12[%mul3A_34, %dma_wait3A_53] : memref<5248x128xf32, #tpu.memory_space<vmem_shared>> -> memref<320x128xf32, #tpu.memory_space<vmem_shared>>
      %dma_wait3A_55 = arith.constant 0 : i32
      %dma_wait3A_56 = arith.constant 0 : i32
      %dma_wait3A_57 = tpu.memref_slice %arg11[%dma_wait3A_55, %dma_wait3A_56] : memref<328x128xf32, #tpu.memory_space<vmem>> -> memref<320x128xf32, #tpu.memory_space<vmem>>
      %dma_wait3A_58 = arith.constant 0 : i32
      %dma_wait3A_59 = tpu.memref_slice %arg12[%mul3A_34, %dma_wait3A_58] : memref<5248x128xf32, #tpu.memory_space<vmem_shared>> -> memref<320x128xf32, #tpu.memory_space<vmem_shared>>
      tpu.wait_dma2 semaphore(%run_scoped3A : memref<!tpu.dma_semaphore, #tpu.memory_space<semaphore_mem>>) src(%dma_wait3A_59 : memref<320x128xf32, #tpu.memory_space<vmem_shared>>) dst(%dma_wait3A_57 : memref<320x128xf32, #tpu.memory_space<vmem>>)
      tpu.yield
    }) : () -> ()
    %mul3A_35 = arith.constant 10240 : i32
    %mul3A_36 = arith.muli %arg0, %mul3A_35 : i32
    %add3A_37 = arith.constant 5120 : i32
    %add3A_38 = arith.addi %mul3A_36, %add3A_37 : i32
    %mul3A_39 = arith.constant 320 : i32
    %mul3A_40 = arith.muli %arg1, %mul3A_39 : i32
    %add3A_41 = arith.addi %add3A_38, %mul3A_40 : i32
    "tpu.region"() ({
      %run_scoped3A = tpu.sem_alloc : memref<!tpu.dma_semaphore, #tpu.memory_space<semaphore_mem>>
      %dma_start3A = arith.constant 0 : i32
      %dma_start3A_42 = arith.constant 0 : i32
      %dma_start3A_43 = tpu.memref_slice %arg11[%dma_start3A, %dma_start3A_42] : memref<328x128xf32, #tpu.memory_space<vmem>> -> memref<320x128xf32, #tpu.memory_space<vmem>>
      %dma_start3A_44 = arith.constant 0 : i32
      %dma_start3A_45 = tpu.memref_slice %arg7[%add3A_41, %dma_start3A_44] : memref<20480x128xf32, #tpu.memory_space<hbm>> -> memref<320x128xf32, #tpu.memory_space<hbm>>
      %dma_start3A_46 = arith.constant 0 : i32
      %dma_start3A_47 = tpu.memref_slice %arg7[%add3A_41, %dma_start3A_46] : memref<20480x128xf32, #tpu.memory_space<hbm>> -> memref<320x128xf32, #tpu.memory_space<hbm>>
      %dma_start3A_48 = arith.constant 0 : i32
      %dma_start3A_49 = arith.constant 0 : i32
      %dma_start3A_50 = tpu.memref_slice %arg11[%dma_start3A_48, %dma_start3A_49] : memref<328x128xf32, #tpu.memory_space<vmem>> -> memref<320x128xf32, #tpu.memory_space<vmem>>
      tpu.enqueue_dma source(%dma_start3A_50 : memref<320x128xf32, #tpu.memory_space<vmem>>) target(%dma_start3A_47 : memref<320x128xf32, #tpu.memory_space<hbm>>) target_semaphore(%run_scoped3A : memref<!tpu.dma_semaphore, #tpu.memory_space<semaphore_mem>>)
      %dma_wait3A = arith.constant 0 : i32
      %dma_wait3A_51 = arith.constant 0 : i32
      %dma_wait3A_52 = tpu.memref_slice %arg11[%dma_wait3A, %dma_wait3A_51] : memref<328x128xf32, #tpu.memory_space<vmem>> -> memref<320x128xf32, #tpu.memory_space<vmem>>
      %dma_wait3A_53 = arith.constant 0 : i32
      %dma_wait3A_54 = tpu.memref_slice %arg7[%add3A_41, %dma_wait3A_53] : memref<20480x128xf32, #tpu.memory_space<hbm>> -> memref<320x128xf32, #tpu.memory_space<hbm>>
      %dma_wait3A_55 = arith.constant 0 : i32
      %dma_wait3A_56 = tpu.memref_slice %arg7[%add3A_41, %dma_wait3A_55] : memref<20480x128xf32, #tpu.memory_space<hbm>> -> memref<320x128xf32, #tpu.memory_space<hbm>>
      %dma_wait3A_57 = arith.constant 0 : i32
      %dma_wait3A_58 = arith.constant 0 : i32
      %dma_wait3A_59 = tpu.memref_slice %arg11[%dma_wait3A_57, %dma_wait3A_58] : memref<328x128xf32, #tpu.memory_space<vmem>> -> memref<320x128xf32, #tpu.memory_space<vmem>>
      tpu.wait_dma2 semaphore(%run_scoped3A : memref<!tpu.dma_semaphore, #tpu.memory_space<semaphore_mem>>) src(%dma_wait3A_59 : memref<320x128xf32, #tpu.memory_space<vmem>>) dst(%dma_wait3A_56 : memref<320x128xf32, #tpu.memory_space<hbm>>)
      tpu.yield
    }) : () -> ()
    return
  }
}

#map = affine_map<(d0, d1) -> (0, 0)>
#map1 = affine_map<(d0, d1) -> (0, 0, 0)>
module attributes {stable_mosaic.version = 14 : i64} {
  func.func @sc_featsum(%arg0: i32, %arg1: i32, %arg2: memref<10000x128xf32, #tpu.memory_space<hbm>>, %arg3: memref<32x79x128xi32, #tpu.memory_space<hbm>>, %arg4: memref<128x79x128xi32, #tpu.memory_space<hbm>>, %arg5: memref<168x128xf32, #tpu.memory_space<hbm>>, %arg6: memref<128x128xf32, #tpu.memory_space<hbm>>, %arg7: memref<20480x128xf32, #tpu.memory_space<hbm>>, %arg8: memref<20480x128xf32, #tpu.memory_space<hbm>>, %arg9: memref<79x128xi32, #tpu.memory_space<vmem>>, %arg10: memref<79x128xi32, #tpu.memory_space<vmem>>, %arg11: memref<128x128xf32, #tpu.memory_space<vmem>>, %arg12: memref<168x128xf32, #tpu.memory_space<vmem>>, %arg13: memref<2688x128xf32, #tpu.memory_space<vmem_shared>>, %arg14: memref<128x128xf32, #tpu.memory_space<vmem>>, %arg15: memref<2688x128xf32, #tpu.memory_space<vmem_shared>>, %arg16: memref<!tpu.dma_semaphore, #tpu.memory_space<semaphore_mem>>) attributes {dimension_semantics = [#tpu.dimension_semantics<core_parallel>, #tpu.dimension_semantics<subcore_parallel>], iteration_bounds = array<i64: 2, 16>, scalar_prefetch = 0 : i64, scratch_operands = 8 : i64, tpu.core_type = #tpu.core_type<sc_vector_subcore>, window_params = [{transform_indices = #map}, {transform_indices = #map1}, {transform_indices = #map1}, {transform_indices = #map}, {transform_indices = #map}, {transform_indices = #map}, {transform_indices = #map}]} {
    %mul3A = arith.constant 16 : i32
    %mul3A_0 = arith.muli %arg0, %mul3A : i32
    %add3A = arith.addi %mul3A_0, %arg1 : i32
    "tpu.region"() ({
      %run_scoped3A = tpu.sem_alloc : memref<!tpu.dma_semaphore, #tpu.memory_space<semaphore_mem>>
      %dma_start3A = arith.constant 0 : i32
      %dma_start3A_130 = arith.constant 0 : i32
      %dma_start3A_131 = tpu.memref_slice %arg3[%add3A, %dma_start3A, %dma_start3A_130] : memref<32x79x128xi32, #tpu.memory_space<hbm>> -> memref<1x79x128xi32, #tpu.memory_space<hbm>>
      %dma_start3A_132 = tpu.memref_squeeze %dma_start3A_131 : memref<1x79x128xi32, #tpu.memory_space<hbm>> -> memref<79x128xi32, #tpu.memory_space<hbm>>
      %dma_start3A_133 = arith.constant 0 : i32
      %dma_start3A_134 = arith.constant 0 : i32
      %dma_start3A_135 = tpu.memref_slice %arg3[%add3A, %dma_start3A_133, %dma_start3A_134] : memref<32x79x128xi32, #tpu.memory_space<hbm>> -> memref<1x79x128xi32, #tpu.memory_space<hbm>>
      %dma_start3A_136 = tpu.memref_squeeze %dma_start3A_135 : memref<1x79x128xi32, #tpu.memory_space<hbm>> -> memref<79x128xi32, #tpu.memory_space<hbm>>
      tpu.enqueue_dma source(%dma_start3A_136 : memref<79x128xi32, #tpu.memory_space<hbm>>) target(%arg9 : memref<79x128xi32, #tpu.memory_space<vmem>>) target_semaphore(%run_scoped3A : memref<!tpu.dma_semaphore, #tpu.memory_space<semaphore_mem>>)
      %dma_wait3A = arith.constant 0 : i32
      %dma_wait3A_137 = arith.constant 0 : i32
      %dma_wait3A_138 = tpu.memref_slice %arg3[%add3A, %dma_wait3A, %dma_wait3A_137] : memref<32x79x128xi32, #tpu.memory_space<hbm>> -> memref<1x79x128xi32, #tpu.memory_space<hbm>>
      %dma_wait3A_139 = tpu.memref_squeeze %dma_wait3A_138 : memref<1x79x128xi32, #tpu.memory_space<hbm>> -> memref<79x128xi32, #tpu.memory_space<hbm>>
      %dma_wait3A_140 = arith.constant 0 : i32
      %dma_wait3A_141 = arith.constant 0 : i32
      %dma_wait3A_142 = tpu.memref_slice %arg3[%add3A, %dma_wait3A_140, %dma_wait3A_141] : memref<32x79x128xi32, #tpu.memory_space<hbm>> -> memref<1x79x128xi32, #tpu.memory_space<hbm>>
      %dma_wait3A_143 = tpu.memref_squeeze %dma_wait3A_142 : memref<1x79x128xi32, #tpu.memory_space<hbm>> -> memref<79x128xi32, #tpu.memory_space<hbm>>
      tpu.wait_dma2 semaphore(%run_scoped3A : memref<!tpu.dma_semaphore, #tpu.memory_space<semaphore_mem>>) src(%dma_wait3A_143 : memref<79x128xi32, #tpu.memory_space<hbm>>) dst(%arg9 : memref<79x128xi32, #tpu.memory_space<vmem>>)
      tpu.yield
    }) : () -> ()
    "tpu.region"() ({
      %run_scoped3A = tpu.sem_alloc : memref<!tpu.dma_semaphore, #tpu.memory_space<semaphore_mem>>
      tpu.enqueue_dma source(%arg5 : memref<168x128xf32, #tpu.memory_space<hbm>>) target(%arg12 : memref<168x128xf32, #tpu.memory_space<vmem>>) target_semaphore(%run_scoped3A : memref<!tpu.dma_semaphore, #tpu.memory_space<semaphore_mem>>)
      tpu.wait_dma2 semaphore(%run_scoped3A : memref<!tpu.dma_semaphore, #tpu.memory_space<semaphore_mem>>) src(%arg5 : memref<168x128xf32, #tpu.memory_space<hbm>>) dst(%arg12 : memref<168x128xf32, #tpu.memory_space<vmem>>)
      tpu.yield
    }) : () -> ()
    "tpu.region"() ({
      %run_scoped3A = tpu.sem_alloc : memref<!tpu.dma_semaphore, #tpu.memory_space<semaphore_mem>>
      tpu.enqueue_dma source(%arg6 : memref<128x128xf32, #tpu.memory_space<hbm>>) target(%arg14 : memref<128x128xf32, #tpu.memory_space<vmem>>) target_semaphore(%run_scoped3A : memref<!tpu.dma_semaphore, #tpu.memory_space<semaphore_mem>>)
      tpu.wait_dma2 semaphore(%run_scoped3A : memref<!tpu.dma_semaphore, #tpu.memory_space<semaphore_mem>>) src(%arg6 : memref<128x128xf32, #tpu.memory_space<hbm>>) dst(%arg14 : memref<128x128xf32, #tpu.memory_space<vmem>>)
      tpu.yield
    }) : () -> ()
    %mul3A_1 = arith.constant 168 : i32
    %mul3A_2 = arith.muli %arg1, %mul3A_1 : i32
    "tpu.region"() ({
      %run_scoped3A = tpu.sem_alloc : memref<!tpu.dma_semaphore, #tpu.memory_space<semaphore_mem>>
      %dma_start3A = arith.constant 0 : i32
      %dma_start3A_130 = tpu.memref_slice %arg13[%mul3A_2, %dma_start3A] : memref<2688x128xf32, #tpu.memory_space<vmem_shared>> -> memref<168x128xf32, #tpu.memory_space<vmem_shared>>
      %dma_start3A_131 = arith.constant 0 : i32
      %dma_start3A_132 = tpu.memref_slice %arg13[%mul3A_2, %dma_start3A_131] : memref<2688x128xf32, #tpu.memory_space<vmem_shared>> -> memref<168x128xf32, #tpu.memory_space<vmem_shared>>
      tpu.enqueue_dma source(%arg12 : memref<168x128xf32, #tpu.memory_space<vmem>>) target(%dma_start3A_132 : memref<168x128xf32, #tpu.memory_space<vmem_shared>>) target_semaphore(%run_scoped3A : memref<!tpu.dma_semaphore, #tpu.memory_space<semaphore_mem>>)
      %dma_wait3A = arith.constant 0 : i32
      %dma_wait3A_133 = tpu.memref_slice %arg13[%mul3A_2, %dma_wait3A] : memref<2688x128xf32, #tpu.memory_space<vmem_shared>> -> memref<168x128xf32, #tpu.memory_space<vmem_shared>>
      %dma_wait3A_134 = arith.constant 0 : i32
      %dma_wait3A_135 = tpu.memref_slice %arg13[%mul3A_2, %dma_wait3A_134] : memref<2688x128xf32, #tpu.memory_space<vmem_shared>> -> memref<168x128xf32, #tpu.memory_space<vmem_shared>>
      tpu.wait_dma2 semaphore(%run_scoped3A : memref<!tpu.dma_semaphore, #tpu.memory_space<semaphore_mem>>) src(%arg12 : memref<168x128xf32, #tpu.memory_space<vmem>>) dst(%dma_wait3A_135 : memref<168x128xf32, #tpu.memory_space<vmem_shared>>)
      tpu.yield
    }) : () -> ()
    %mul3A_3 = arith.constant 168 : i32
    %mul3A_4 = arith.muli %arg1, %mul3A_3 : i32
    "tpu.region"() ({
      %run_scoped3A = tpu.sem_alloc : memref<!tpu.dma_semaphore, #tpu.memory_space<semaphore_mem>>
      %dma_start3A = arith.constant 0 : i32
      %dma_start3A_130 = tpu.memref_slice %arg15[%mul3A_4, %dma_start3A] : memref<2688x128xf32, #tpu.memory_space<vmem_shared>> -> memref<168x128xf32, #tpu.memory_space<vmem_shared>>
      %dma_start3A_131 = arith.constant 0 : i32
      %dma_start3A_132 = tpu.memref_slice %arg15[%mul3A_4, %dma_start3A_131] : memref<2688x128xf32, #tpu.memory_space<vmem_shared>> -> memref<168x128xf32, #tpu.memory_space<vmem_shared>>
      tpu.enqueue_dma source(%arg12 : memref<168x128xf32, #tpu.memory_space<vmem>>) target(%dma_start3A_132 : memref<168x128xf32, #tpu.memory_space<vmem_shared>>) target_semaphore(%run_scoped3A : memref<!tpu.dma_semaphore, #tpu.memory_space<semaphore_mem>>)
      %dma_wait3A = arith.constant 0 : i32
      %dma_wait3A_133 = tpu.memref_slice %arg15[%mul3A_4, %dma_wait3A] : memref<2688x128xf32, #tpu.memory_space<vmem_shared>> -> memref<168x128xf32, #tpu.memory_space<vmem_shared>>
      %dma_wait3A_134 = arith.constant 0 : i32
      %dma_wait3A_135 = tpu.memref_slice %arg15[%mul3A_4, %dma_wait3A_134] : memref<2688x128xf32, #tpu.memory_space<vmem_shared>> -> memref<168x128xf32, #tpu.memory_space<vmem_shared>>
      tpu.wait_dma2 semaphore(%run_scoped3A : memref<!tpu.dma_semaphore, #tpu.memory_space<semaphore_mem>>) src(%arg12 : memref<168x128xf32, #tpu.memory_space<vmem>>) dst(%dma_wait3A_135 : memref<168x128xf32, #tpu.memory_space<vmem_shared>>)
      tpu.yield
    }) : () -> ()
    %add3A_5 = arith.constant 0 : i32
    %add3A_6 = arith.addi %add3A_5, %add3A : i32
    "tpu.region"() ({
      %run_scoped3A = tpu.sem_alloc : memref<!tpu.dma_semaphore, #tpu.memory_space<semaphore_mem>>
      %dma_start3A = arith.constant 0 : i32
      %dma_start3A_130 = arith.constant 0 : i32
      %dma_start3A_131 = tpu.memref_slice %arg4[%add3A_6, %dma_start3A, %dma_start3A_130] : memref<128x79x128xi32, #tpu.memory_space<hbm>> -> memref<1x79x128xi32, #tpu.memory_space<hbm>>
      %dma_start3A_132 = tpu.memref_squeeze %dma_start3A_131 : memref<1x79x128xi32, #tpu.memory_space<hbm>> -> memref<79x128xi32, #tpu.memory_space<hbm>>
      %dma_start3A_133 = arith.constant 0 : i32
      %dma_start3A_134 = arith.constant 0 : i32
      %dma_start3A_135 = tpu.memref_slice %arg4[%add3A_6, %dma_start3A_133, %dma_start3A_134] : memref<128x79x128xi32, #tpu.memory_space<hbm>> -> memref<1x79x128xi32, #tpu.memory_space<hbm>>
      %dma_start3A_136 = tpu.memref_squeeze %dma_start3A_135 : memref<1x79x128xi32, #tpu.memory_space<hbm>> -> memref<79x128xi32, #tpu.memory_space<hbm>>
      tpu.enqueue_dma source(%dma_start3A_136 : memref<79x128xi32, #tpu.memory_space<hbm>>) target(%arg10 : memref<79x128xi32, #tpu.memory_space<vmem>>) target_semaphore(%run_scoped3A : memref<!tpu.dma_semaphore, #tpu.memory_space<semaphore_mem>>)
      %dma_wait3A = arith.constant 0 : i32
      %dma_wait3A_137 = arith.constant 0 : i32
      %dma_wait3A_138 = tpu.memref_slice %arg4[%add3A_6, %dma_wait3A, %dma_wait3A_137] : memref<128x79x128xi32, #tpu.memory_space<hbm>> -> memref<1x79x128xi32, #tpu.memory_space<hbm>>
      %dma_wait3A_139 = tpu.memref_squeeze %dma_wait3A_138 : memref<1x79x128xi32, #tpu.memory_space<hbm>> -> memref<79x128xi32, #tpu.memory_space<hbm>>
      %dma_wait3A_140 = arith.constant 0 : i32
      %dma_wait3A_141 = arith.constant 0 : i32
      %dma_wait3A_142 = tpu.memref_slice %arg4[%add3A_6, %dma_wait3A_140, %dma_wait3A_141] : memref<128x79x128xi32, #tpu.memory_space<hbm>> -> memref<1x79x128xi32, #tpu.memory_space<hbm>>
      %dma_wait3A_143 = tpu.memref_squeeze %dma_wait3A_142 : memref<1x79x128xi32, #tpu.memory_space<hbm>> -> memref<79x128xi32, #tpu.memory_space<hbm>>
      tpu.wait_dma2 semaphore(%run_scoped3A : memref<!tpu.dma_semaphore, #tpu.memory_space<semaphore_mem>>) src(%dma_wait3A_143 : memref<79x128xi32, #tpu.memory_space<hbm>>) dst(%arg10 : memref<79x128xi32, #tpu.memory_space<vmem>>)
      tpu.yield
    }) : () -> ()
    %barrier3A = arith.constant 0 : index
    tpu.barrier barrier_id(%barrier3A)
    %scan3A = arith.constant 0 : i32
    %scan3A_7 = arith.constant 0 : i32
    %scan3A_8 = arith.constant 79 : i32
    %scan3A_9 = arith.addi %scan3A_7, %scan3A_8 : i32
    %scan3A_10 = arith.constant 1 : i32
    scf.for %scan3A_130 = %scan3A_7 to %scan3A_9 step %scan3A_10  : i32 {
      %dma_start3A = arith.constant 0 : i32
      %dma_start3A_131 = tpu.memref_slice %arg9[%scan3A_130, %dma_start3A] : memref<79x128xi32, #tpu.memory_space<vmem>> -> memref<1x128xi32, #tpu.memory_space<vmem>>
      %dma_start3A_132 = tpu.memref_squeeze %dma_start3A_131 : memref<1x128xi32, #tpu.memory_space<vmem>> -> memref<128xi32, #tpu.memory_space<vmem>>
      %dma_start3A_133 = arith.constant 0 : i32
      %dma_start3A_134 = arith.constant 0 : i32
      %dma_start3A_135 = tpu.memref_slice %arg2[%dma_start3A_133, %dma_start3A_134] : memref<10000x128xf32, #tpu.memory_space<hbm>> -> memref<10000x128xf32, #tpu.memory_space<hbm>>
      tpu.enqueue_indirect_dma source(%dma_start3A_135 : memref<10000x128xf32, #tpu.memory_space<hbm>>) target(%arg11 : memref<128x128xf32, #tpu.memory_space<vmem>>) offsets(%dma_start3A_132 : memref<128xi32, #tpu.memory_space<vmem>>) semaphore(%arg16 : memref<!tpu.dma_semaphore, #tpu.memory_space<semaphore_mem>>)
      %dma_wait3A = arith.constant 0 : i32
      %dma_wait3A_136 = tpu.memref_slice %arg9[%scan3A_130, %dma_wait3A] : memref<79x128xi32, #tpu.memory_space<vmem>> -> memref<1x128xi32, #tpu.memory_space<vmem>>
      %dma_wait3A_137 = tpu.memref_squeeze %dma_wait3A_136 : memref<1x128xi32, #tpu.memory_space<vmem>> -> memref<128xi32, #tpu.memory_space<vmem>>
      %dma_wait3A_138 = arith.constant 0 : i32
      %dma_wait3A_139 = arith.constant 0 : i32
      %dma_wait3A_140 = tpu.memref_slice %arg2[%dma_wait3A_138, %dma_wait3A_139] : memref<10000x128xf32, #tpu.memory_space<hbm>> -> memref<10000x128xf32, #tpu.memory_space<hbm>>
      tpu.wait_indirect_dma semaphore(%arg16 : memref<!tpu.dma_semaphore, #tpu.memory_space<semaphore_mem>>) src(%dma_wait3A_140 : memref<10000x128xf32, #tpu.memory_space<hbm>>) dst(%arg11 : memref<128x128xf32, #tpu.memory_space<vmem>>)
      "tpu.region"() ({
        %run_scoped3A = tpu.sem_alloc : memref<!tpu.dma_semaphore, #tpu.memory_space<semaphore_mem>>
        %dma_start3A_141 = arith.constant 0 : i32
        %dma_start3A_142 = tpu.memref_slice %arg10[%scan3A_130, %dma_start3A_141] : memref<79x128xi32, #tpu.memory_space<vmem>> -> memref<1x128xi32, #tpu.memory_space<vmem>>
        %dma_start3A_143 = tpu.memref_squeeze %dma_start3A_142 : memref<1x128xi32, #tpu.memory_space<vmem>> -> memref<128xi32, #tpu.memory_space<vmem>>
        %dma_start3A_144 = arith.constant 0 : i32
        %dma_start3A_145 = arith.constant 0 : i32
        %dma_start3A_146 = tpu.memref_slice %arg13[%dma_start3A_144, %dma_start3A_145] : memref<2688x128xf32, #tpu.memory_space<vmem_shared>> -> memref<2688x128xf32, #tpu.memory_space<vmem_shared>>
        tpu.enqueue_indirect_dma source(%arg11 : memref<128x128xf32, #tpu.memory_space<vmem>>) target(%dma_start3A_146 : memref<2688x128xf32, #tpu.memory_space<vmem_shared>>) offsets(%dma_start3A_143 : memref<128xi32, #tpu.memory_space<vmem>>) semaphore(%run_scoped3A : memref<!tpu.dma_semaphore, #tpu.memory_space<semaphore_mem>>) {add = true}
        %dma_wait3A_147 = arith.constant 0 : i32
        %dma_wait3A_148 = tpu.memref_slice %arg10[%scan3A_130, %dma_wait3A_147] : memref<79x128xi32, #tpu.memory_space<vmem>> -> memref<1x128xi32, #tpu.memory_space<vmem>>
        %dma_wait3A_149 = tpu.memref_squeeze %dma_wait3A_148 : memref<1x128xi32, #tpu.memory_space<vmem>> -> memref<128xi32, #tpu.memory_space<vmem>>
        %dma_wait3A_150 = arith.constant 0 : i32
        %dma_wait3A_151 = arith.constant 0 : i32
        %dma_wait3A_152 = tpu.memref_slice %arg13[%dma_wait3A_150, %dma_wait3A_151] : memref<2688x128xf32, #tpu.memory_space<vmem_shared>> -> memref<2688x128xf32, #tpu.memory_space<vmem_shared>>
        tpu.wait_indirect_dma semaphore(%run_scoped3A : memref<!tpu.dma_semaphore, #tpu.memory_space<semaphore_mem>>) src(%arg11 : memref<128x128xf32, #tpu.memory_space<vmem>>) dst(%dma_wait3A_152 : memref<2688x128xf32, #tpu.memory_space<vmem_shared>>)
        tpu.yield
      }) : () -> ()
      "tpu.region"() ({
        %run_scoped3A = tpu.sem_alloc : memref<!tpu.dma_semaphore, #tpu.memory_space<semaphore_mem>>
        %dma_start3A_141 = arith.constant 0 : i32
        %dma_start3A_142 = tpu.memref_slice %arg10[%scan3A_130, %dma_start3A_141] : memref<79x128xi32, #tpu.memory_space<vmem>> -> memref<1x128xi32, #tpu.memory_space<vmem>>
        %dma_start3A_143 = tpu.memref_squeeze %dma_start3A_142 : memref<1x128xi32, #tpu.memory_space<vmem>> -> memref<128xi32, #tpu.memory_space<vmem>>
        %dma_start3A_144 = arith.constant 0 : i32
        %dma_start3A_145 = arith.constant 0 : i32
        %dma_start3A_146 = tpu.memref_slice %arg15[%dma_start3A_144, %dma_start3A_145] : memref<2688x128xf32, #tpu.memory_space<vmem_shared>> -> memref<2688x128xf32, #tpu.memory_space<vmem_shared>>
        tpu.enqueue_indirect_dma source(%arg14 : memref<128x128xf32, #tpu.memory_space<vmem>>) target(%dma_start3A_146 : memref<2688x128xf32, #tpu.memory_space<vmem_shared>>) offsets(%dma_start3A_143 : memref<128xi32, #tpu.memory_space<vmem>>) semaphore(%run_scoped3A : memref<!tpu.dma_semaphore, #tpu.memory_space<semaphore_mem>>) {add = true}
        %dma_wait3A_147 = arith.constant 0 : i32
        %dma_wait3A_148 = tpu.memref_slice %arg10[%scan3A_130, %dma_wait3A_147] : memref<79x128xi32, #tpu.memory_space<vmem>> -> memref<1x128xi32, #tpu.memory_space<vmem>>
        %dma_wait3A_149 = tpu.memref_squeeze %dma_wait3A_148 : memref<1x128xi32, #tpu.memory_space<vmem>> -> memref<128xi32, #tpu.memory_space<vmem>>
        %dma_wait3A_150 = arith.constant 0 : i32
        %dma_wait3A_151 = arith.constant 0 : i32
        %dma_wait3A_152 = tpu.memref_slice %arg15[%dma_wait3A_150, %dma_wait3A_151] : memref<2688x128xf32, #tpu.memory_space<vmem_shared>> -> memref<2688x128xf32, #tpu.memory_space<vmem_shared>>
        tpu.wait_indirect_dma semaphore(%run_scoped3A : memref<!tpu.dma_semaphore, #tpu.memory_space<semaphore_mem>>) src(%arg14 : memref<128x128xf32, #tpu.memory_space<vmem>>) dst(%dma_wait3A_152 : memref<2688x128xf32, #tpu.memory_space<vmem_shared>>)
        tpu.yield
      }) : () -> ()
    }
    %scan3A_11 = arith.constant 79 : i32
    %barrier3A_12 = arith.constant 0 : index
    tpu.barrier barrier_id(%barrier3A_12)
    %mul3A_13 = arith.constant 160 : i32
    %mul3A_14 = arith.muli %arg1, %mul3A_13 : i32
    "tpu.region"() ({
      %run_scoped3A = tpu.sem_alloc : memref<!tpu.dma_semaphore, #tpu.memory_space<semaphore_mem>>
      %dma_start3A = arith.constant 0 : i32
      %dma_start3A_130 = arith.constant 0 : i32
      %dma_start3A_131 = tpu.memref_slice %arg12[%dma_start3A, %dma_start3A_130] : memref<168x128xf32, #tpu.memory_space<vmem>> -> memref<160x128xf32, #tpu.memory_space<vmem>>
      %dma_start3A_132 = arith.constant 0 : i32
      %dma_start3A_133 = tpu.memref_slice %arg13[%mul3A_14, %dma_start3A_132] : memref<2688x128xf32, #tpu.memory_space<vmem_shared>> -> memref<160x128xf32, #tpu.memory_space<vmem_shared>>
      %dma_start3A_134 = arith.constant 0 : i32
      %dma_start3A_135 = arith.constant 0 : i32
      %dma_start3A_136 = tpu.memref_slice %arg12[%dma_start3A_134, %dma_start3A_135] : memref<168x128xf32, #tpu.memory_space<vmem>> -> memref<160x128xf32, #tpu.memory_space<vmem>>
      %dma_start3A_137 = arith.constant 0 : i32
      %dma_start3A_138 = tpu.memref_slice %arg13[%mul3A_14, %dma_start3A_137] : memref<2688x128xf32, #tpu.memory_space<vmem_shared>> -> memref<160x128xf32, #tpu.memory_space<vmem_shared>>
      tpu.enqueue_dma source(%dma_start3A_138 : memref<160x128xf32, #tpu.memory_space<vmem_shared>>) target(%dma_start3A_136 : memref<160x128xf32, #tpu.memory_space<vmem>>) target_semaphore(%run_scoped3A : memref<!tpu.dma_semaphore, #tpu.memory_space<semaphore_mem>>)
      %dma_wait3A = arith.constant 0 : i32
      %dma_wait3A_139 = arith.constant 0 : i32
      %dma_wait3A_140 = tpu.memref_slice %arg12[%dma_wait3A, %dma_wait3A_139] : memref<168x128xf32, #tpu.memory_space<vmem>> -> memref<160x128xf32, #tpu.memory_space<vmem>>
      %dma_wait3A_141 = arith.constant 0 : i32
      %dma_wait3A_142 = tpu.memref_slice %arg13[%mul3A_14, %dma_wait3A_141] : memref<2688x128xf32, #tpu.memory_space<vmem_shared>> -> memref<160x128xf32, #tpu.memory_space<vmem_shared>>
      %dma_wait3A_143 = arith.constant 0 : i32
      %dma_wait3A_144 = arith.constant 0 : i32
      %dma_wait3A_145 = tpu.memref_slice %arg12[%dma_wait3A_143, %dma_wait3A_144] : memref<168x128xf32, #tpu.memory_space<vmem>> -> memref<160x128xf32, #tpu.memory_space<vmem>>
      %dma_wait3A_146 = arith.constant 0 : i32
      %dma_wait3A_147 = tpu.memref_slice %arg13[%mul3A_14, %dma_wait3A_146] : memref<2688x128xf32, #tpu.memory_space<vmem_shared>> -> memref<160x128xf32, #tpu.memory_space<vmem_shared>>
      tpu.wait_dma2 semaphore(%run_scoped3A : memref<!tpu.dma_semaphore, #tpu.memory_space<semaphore_mem>>) src(%dma_wait3A_147 : memref<160x128xf32, #tpu.memory_space<vmem_shared>>) dst(%dma_wait3A_145 : memref<160x128xf32, #tpu.memory_space<vmem>>)
      tpu.yield
    }) : () -> ()
    %mul3A_15 = arith.constant 10240 : i32
    %mul3A_16 = arith.muli %arg0, %mul3A_15 : i32
    %add3A_17 = arith.constant 0 : i32
    %add3A_18 = arith.addi %mul3A_16, %add3A_17 : i32
    %mul3A_19 = arith.constant 160 : i32
    %mul3A_20 = arith.muli %arg1, %mul3A_19 : i32
    %add3A_21 = arith.addi %add3A_18, %mul3A_20 : i32
    "tpu.region"() ({
      %run_scoped3A = tpu.sem_alloc : memref<!tpu.dma_semaphore, #tpu.memory_space<semaphore_mem>>
      %dma_start3A = arith.constant 0 : i32
      %dma_start3A_130 = arith.constant 0 : i32
      %dma_start3A_131 = tpu.memref_slice %arg12[%dma_start3A, %dma_start3A_130] : memref<168x128xf32, #tpu.memory_space<vmem>> -> memref<160x128xf32, #tpu.memory_space<vmem>>
      %dma_start3A_132 = arith.constant 0 : i32
      %dma_start3A_133 = tpu.memref_slice %arg7[%add3A_21, %dma_start3A_132] : memref<20480x128xf32, #tpu.memory_space<hbm>> -> memref<160x128xf32, #tpu.memory_space<hbm>>
      %dma_start3A_134 = arith.constant 0 : i32
      %dma_start3A_135 = tpu.memref_slice %arg7[%add3A_21, %dma_start3A_134] : memref<20480x128xf32, #tpu.memory_space<hbm>> -> memref<160x128xf32, #tpu.memory_space<hbm>>
      %dma_start3A_136 = arith.constant 0 : i32
      %dma_start3A_137 = arith.constant 0 : i32
      %dma_start3A_138 = tpu.memref_slice %arg12[%dma_start3A_136, %dma_start3A_137] : memref<168x128xf32, #tpu.memory_space<vmem>> -> memref<160x128xf32, #tpu.memory_space<vmem>>
      tpu.enqueue_dma source(%dma_start3A_138 : memref<160x128xf32, #tpu.memory_space<vmem>>) target(%dma_start3A_135 : memref<160x128xf32, #tpu.memory_space<hbm>>) target_semaphore(%run_scoped3A : memref<!tpu.dma_semaphore, #tpu.memory_space<semaphore_mem>>)
      %dma_wait3A = arith.constant 0 : i32
      %dma_wait3A_139 = arith.constant 0 : i32
      %dma_wait3A_140 = tpu.memref_slice %arg12[%dma_wait3A, %dma_wait3A_139] : memref<168x128xf32, #tpu.memory_space<vmem>> -> memref<160x128xf32, #tpu.memory_space<vmem>>
      %dma_wait3A_141 = arith.constant 0 : i32
      %dma_wait3A_142 = tpu.memref_slice %arg7[%add3A_21, %dma_wait3A_141] : memref<20480x128xf32, #tpu.memory_space<hbm>> -> memref<160x128xf32, #tpu.memory_space<hbm>>
      %dma_wait3A_143 = arith.constant 0 : i32
      %dma_wait3A_144 = tpu.memref_slice %arg7[%add3A_21, %dma_wait3A_143] : memref<20480x128xf32, #tpu.memory_space<hbm>> -> memref<160x128xf32, #tpu.memory_space<hbm>>
      %dma_wait3A_145 = arith.constant 0 : i32
      %dma_wait3A_146 = arith.constant 0 : i32
      %dma_wait3A_147 = tpu.memref_slice %arg12[%dma_wait3A_145, %dma_wait3A_146] : memref<168x128xf32, #tpu.memory_space<vmem>> -> memref<160x128xf32, #tpu.memory_space<vmem>>
      tpu.wait_dma2 semaphore(%run_scoped3A : memref<!tpu.dma_semaphore, #tpu.memory_space<semaphore_mem>>) src(%dma_wait3A_147 : memref<160x128xf32, #tpu.memory_space<vmem>>) dst(%dma_wait3A_144 : memref<160x128xf32, #tpu.memory_space<hbm>>)
      tpu.yield
    }) : () -> ()
    %mul3A_22 = arith.constant 160 : i32
    %mul3A_23 = arith.muli %arg1, %mul3A_22 : i32
    "tpu.region"() ({
      %run_scoped3A = tpu.sem_alloc : memref<!tpu.dma_semaphore, #tpu.memory_space<semaphore_mem>>
      %dma_start3A = arith.constant 0 : i32
      %dma_start3A_130 = arith.constant 0 : i32
      %dma_start3A_131 = tpu.memref_slice %arg12[%dma_start3A, %dma_start3A_130] : memref<168x128xf32, #tpu.memory_space<vmem>> -> memref<160x128xf32, #tpu.memory_space<vmem>>
      %dma_start3A_132 = arith.constant 0 : i32
      %dma_start3A_133 = tpu.memref_slice %arg15[%mul3A_23, %dma_start3A_132] : memref<2688x128xf32, #tpu.memory_space<vmem_shared>> -> memref<160x128xf32, #tpu.memory_space<vmem_shared>>
      %dma_start3A_134 = arith.constant 0 : i32
      %dma_start3A_135 = arith.constant 0 : i32
      %dma_start3A_136 = tpu.memref_slice %arg12[%dma_start3A_134, %dma_start3A_135] : memref<168x128xf32, #tpu.memory_space<vmem>> -> memref<160x128xf32, #tpu.memory_space<vmem>>
      %dma_start3A_137 = arith.constant 0 : i32
      %dma_start3A_138 = tpu.memref_slice %arg15[%mul3A_23, %dma_start3A_137] : memref<2688x128xf32, #tpu.memory_space<vmem_shared>> -> memref<160x128xf32, #tpu.memory_space<vmem_shared>>
      tpu.enqueue_dma source(%dma_start3A_138 : memref<160x128xf32, #tpu.memory_space<vmem_shared>>) target(%dma_start3A_136 : memref<160x128xf32, #tpu.memory_space<vmem>>) target_semaphore(%run_scoped3A : memref<!tpu.dma_semaphore, #tpu.memory_space<semaphore_mem>>)
      %dma_wait3A = arith.constant 0 : i32
      %dma_wait3A_139 = arith.constant 0 : i32
      %dma_wait3A_140 = tpu.memref_slice %arg12[%dma_wait3A, %dma_wait3A_139] : memref<168x128xf32, #tpu.memory_space<vmem>> -> memref<160x128xf32, #tpu.memory_space<vmem>>
      %dma_wait3A_141 = arith.constant 0 : i32
      %dma_wait3A_142 = tpu.memref_slice %arg15[%mul3A_23, %dma_wait3A_141] : memref<2688x128xf32, #tpu.memory_space<vmem_shared>> -> memref<160x128xf32, #tpu.memory_space<vmem_shared>>
      %dma_wait3A_143 = arith.constant 0 : i32
      %dma_wait3A_144 = arith.constant 0 : i32
      %dma_wait3A_145 = tpu.memref_slice %arg12[%dma_wait3A_143, %dma_wait3A_144] : memref<168x128xf32, #tpu.memory_space<vmem>> -> memref<160x128xf32, #tpu.memory_space<vmem>>
      %dma_wait3A_146 = arith.constant 0 : i32
      %dma_wait3A_147 = tpu.memref_slice %arg15[%mul3A_23, %dma_wait3A_146] : memref<2688x128xf32, #tpu.memory_space<vmem_shared>> -> memref<160x128xf32, #tpu.memory_space<vmem_shared>>
      tpu.wait_dma2 semaphore(%run_scoped3A : memref<!tpu.dma_semaphore, #tpu.memory_space<semaphore_mem>>) src(%dma_wait3A_147 : memref<160x128xf32, #tpu.memory_space<vmem_shared>>) dst(%dma_wait3A_145 : memref<160x128xf32, #tpu.memory_space<vmem>>)
      tpu.yield
    }) : () -> ()
    %mul3A_24 = arith.constant 10240 : i32
    %mul3A_25 = arith.muli %arg0, %mul3A_24 : i32
    %add3A_26 = arith.constant 0 : i32
    %add3A_27 = arith.addi %mul3A_25, %add3A_26 : i32
    %mul3A_28 = arith.constant 160 : i32
    %mul3A_29 = arith.muli %arg1, %mul3A_28 : i32
    %add3A_30 = arith.addi %add3A_27, %mul3A_29 : i32
    "tpu.region"() ({
      %run_scoped3A = tpu.sem_alloc : memref<!tpu.dma_semaphore, #tpu.memory_space<semaphore_mem>>
      %dma_start3A = arith.constant 0 : i32
      %dma_start3A_130 = arith.constant 0 : i32
      %dma_start3A_131 = tpu.memref_slice %arg12[%dma_start3A, %dma_start3A_130] : memref<168x128xf32, #tpu.memory_space<vmem>> -> memref<160x128xf32, #tpu.memory_space<vmem>>
      %dma_start3A_132 = arith.constant 0 : i32
      %dma_start3A_133 = tpu.memref_slice %arg8[%add3A_30, %dma_start3A_132] : memref<20480x128xf32, #tpu.memory_space<hbm>> -> memref<160x128xf32, #tpu.memory_space<hbm>>
      %dma_start3A_134 = arith.constant 0 : i32
      %dma_start3A_135 = tpu.memref_slice %arg8[%add3A_30, %dma_start3A_134] : memref<20480x128xf32, #tpu.memory_space<hbm>> -> memref<160x128xf32, #tpu.memory_space<hbm>>
      %dma_start3A_136 = arith.constant 0 : i32
      %dma_start3A_137 = arith.constant 0 : i32
      %dma_start3A_138 = tpu.memref_slice %arg12[%dma_start3A_136, %dma_start3A_137] : memref<168x128xf32, #tpu.memory_space<vmem>> -> memref<160x128xf32, #tpu.memory_space<vmem>>
      tpu.enqueue_dma source(%dma_start3A_138 : memref<160x128xf32, #tpu.memory_space<vmem>>) target(%dma_start3A_135 : memref<160x128xf32, #tpu.memory_space<hbm>>) target_semaphore(%run_scoped3A : memref<!tpu.dma_semaphore, #tpu.memory_space<semaphore_mem>>)
      %dma_wait3A = arith.constant 0 : i32
      %dma_wait3A_139 = arith.constant 0 : i32
      %dma_wait3A_140 = tpu.memref_slice %arg12[%dma_wait3A, %dma_wait3A_139] : memref<168x128xf32, #tpu.memory_space<vmem>> -> memref<160x128xf32, #tpu.memory_space<vmem>>
      %dma_wait3A_141 = arith.constant 0 : i32
      %dma_wait3A_142 = tpu.memref_slice %arg8[%add3A_30, %dma_wait3A_141] : memref<20480x128xf32, #tpu.memory_space<hbm>> -> memref<160x128xf32, #tpu.memory_space<hbm>>
      %dma_wait3A_143 = arith.constant 0 : i32
      %dma_wait3A_144 = tpu.memref_slice %arg8[%add3A_30, %dma_wait3A_143] : memref<20480x128xf32, #tpu.memory_space<hbm>> -> memref<160x128xf32, #tpu.memory_space<hbm>>
      %dma_wait3A_145 = arith.constant 0 : i32
      %dma_wait3A_146 = arith.constant 0 : i32
      %dma_wait3A_147 = tpu.memref_slice %arg12[%dma_wait3A_145, %dma_wait3A_146] : memref<168x128xf32, #tpu.memory_space<vmem>> -> memref<160x128xf32, #tpu.memory_space<vmem>>
      tpu.wait_dma2 semaphore(%run_scoped3A : memref<!tpu.dma_semaphore, #tpu.memory_space<semaphore_mem>>) src(%dma_wait3A_147 : memref<160x128xf32, #tpu.memory_space<vmem>>) dst(%dma_wait3A_144 : memref<160x128xf32, #tpu.memory_space<hbm>>)
      tpu.yield
    }) : () -> ()
    "tpu.region"() ({
      %run_scoped3A = tpu.sem_alloc : memref<!tpu.dma_semaphore, #tpu.memory_space<semaphore_mem>>
      tpu.enqueue_dma source(%arg5 : memref<168x128xf32, #tpu.memory_space<hbm>>) target(%arg12 : memref<168x128xf32, #tpu.memory_space<vmem>>) target_semaphore(%run_scoped3A : memref<!tpu.dma_semaphore, #tpu.memory_space<semaphore_mem>>)
      tpu.wait_dma2 semaphore(%run_scoped3A : memref<!tpu.dma_semaphore, #tpu.memory_space<semaphore_mem>>) src(%arg5 : memref<168x128xf32, #tpu.memory_space<hbm>>) dst(%arg12 : memref<168x128xf32, #tpu.memory_space<vmem>>)
      tpu.yield
    }) : () -> ()
    %barrier3A_31 = arith.constant 0 : index
    tpu.barrier barrier_id(%barrier3A_31)
    %mul3A_32 = arith.constant 168 : i32
    %mul3A_33 = arith.muli %arg1, %mul3A_32 : i32
    "tpu.region"() ({
      %run_scoped3A = tpu.sem_alloc : memref<!tpu.dma_semaphore, #tpu.memory_space<semaphore_mem>>
      %dma_start3A = arith.constant 0 : i32
      %dma_start3A_130 = tpu.memref_slice %arg13[%mul3A_33, %dma_start3A] : memref<2688x128xf32, #tpu.memory_space<vmem_shared>> -> memref<168x128xf32, #tpu.memory_space<vmem_shared>>
      %dma_start3A_131 = arith.constant 0 : i32
      %dma_start3A_132 = tpu.memref_slice %arg13[%mul3A_33, %dma_start3A_131] : memref<2688x128xf32, #tpu.memory_space<vmem_shared>> -> memref<168x128xf32, #tpu.memory_space<vmem_shared>>
      tpu.enqueue_dma source(%arg12 : memref<168x128xf32, #tpu.memory_space<vmem>>) target(%dma_start3A_132 : memref<168x128xf32, #tpu.memory_space<vmem_shared>>) target_semaphore(%run_scoped3A : memref<!tpu.dma_semaphore, #tpu.memory_space<semaphore_mem>>)
      %dma_wait3A = arith.constant 0 : i32
      %dma_wait3A_133 = tpu.memref_slice %arg13[%mul3A_33, %dma_wait3A] : memref<2688x128xf32, #tpu.memory_space<vmem_shared>> -> memref<168x128xf32, #tpu.memory_space<vmem_shared>>
      %dma_wait3A_134 = arith.constant 0 : i32
      %dma_wait3A_135 = tpu.memref_slice %arg13[%mul3A_33, %dma_wait3A_134] : memref<2688x128xf32, #tpu.memory_space<vmem_shared>> -> memref<168x128xf32, #tpu.memory_space<vmem_shared>>
      tpu.wait_dma2 semaphore(%run_scoped3A : memref<!tpu.dma_semaphore, #tpu.memory_space<semaphore_mem>>) src(%arg12 : memref<168x128xf32, #tpu.memory_space<vmem>>) dst(%dma_wait3A_135 : memref<168x128xf32, #tpu.memory_space<vmem_shared>>)
      tpu.yield
    }) : () -> ()
    %mul3A_34 = arith.constant 168 : i32
    %mul3A_35 = arith.muli %arg1, %mul3A_34 : i32
    "tpu.region"() ({
      %run_scoped3A = tpu.sem_alloc : memref<!tpu.dma_semaphore, #tpu.memory_space<semaphore_mem>>
      %dma_start3A = arith.constant 0 : i32
      %dma_start3A_130 = tpu.memref_slice %arg15[%mul3A_35, %dma_start3A] : memref<2688x128xf32, #tpu.memory_space<vmem_shared>> -> memref<168x128xf32, #tpu.memory_space<vmem_shared>>
      %dma_start3A_131 = arith.constant 0 : i32
      %dma_start3A_132 = tpu.memref_slice %arg15[%mul3A_35, %dma_start3A_131] : memref<2688x128xf32, #tpu.memory_space<vmem_shared>> -> memref<168x128xf32, #tpu.memory_space<vmem_shared>>
      tpu.enqueue_dma source(%arg12 : memref<168x128xf32, #tpu.memory_space<vmem>>) target(%dma_start3A_132 : memref<168x128xf32, #tpu.memory_space<vmem_shared>>) target_semaphore(%run_scoped3A : memref<!tpu.dma_semaphore, #tpu.memory_space<semaphore_mem>>)
      %dma_wait3A = arith.constant 0 : i32
      %dma_wait3A_133 = tpu.memref_slice %arg15[%mul3A_35, %dma_wait3A] : memref<2688x128xf32, #tpu.memory_space<vmem_shared>> -> memref<168x128xf32, #tpu.memory_space<vmem_shared>>
      %dma_wait3A_134 = arith.constant 0 : i32
      %dma_wait3A_135 = tpu.memref_slice %arg15[%mul3A_35, %dma_wait3A_134] : memref<2688x128xf32, #tpu.memory_space<vmem_shared>> -> memref<168x128xf32, #tpu.memory_space<vmem_shared>>
      tpu.wait_dma2 semaphore(%run_scoped3A : memref<!tpu.dma_semaphore, #tpu.memory_space<semaphore_mem>>) src(%arg12 : memref<168x128xf32, #tpu.memory_space<vmem>>) dst(%dma_wait3A_135 : memref<168x128xf32, #tpu.memory_space<vmem_shared>>)
      tpu.yield
    }) : () -> ()
    %add3A_36 = arith.constant 32 : i32
    %add3A_37 = arith.addi %add3A_36, %add3A : i32
    "tpu.region"() ({
      %run_scoped3A = tpu.sem_alloc : memref<!tpu.dma_semaphore, #tpu.memory_space<semaphore_mem>>
      %dma_start3A = arith.constant 0 : i32
      %dma_start3A_130 = arith.constant 0 : i32
      %dma_start3A_131 = tpu.memref_slice %arg4[%add3A_37, %dma_start3A, %dma_start3A_130] : memref<128x79x128xi32, #tpu.memory_space<hbm>> -> memref<1x79x128xi32, #tpu.memory_space<hbm>>
      %dma_start3A_132 = tpu.memref_squeeze %dma_start3A_131 : memref<1x79x128xi32, #tpu.memory_space<hbm>> -> memref<79x128xi32, #tpu.memory_space<hbm>>
      %dma_start3A_133 = arith.constant 0 : i32
      %dma_start3A_134 = arith.constant 0 : i32
      %dma_start3A_135 = tpu.memref_slice %arg4[%add3A_37, %dma_start3A_133, %dma_start3A_134] : memref<128x79x128xi32, #tpu.memory_space<hbm>> -> memref<1x79x128xi32, #tpu.memory_space<hbm>>
      %dma_start3A_136 = tpu.memref_squeeze %dma_start3A_135 : memref<1x79x128xi32, #tpu.memory_space<hbm>> -> memref<79x128xi32, #tpu.memory_space<hbm>>
      tpu.enqueue_dma source(%dma_start3A_136 : memref<79x128xi32, #tpu.memory_space<hbm>>) target(%arg10 : memref<79x128xi32, #tpu.memory_space<vmem>>) target_semaphore(%run_scoped3A : memref<!tpu.dma_semaphore, #tpu.memory_space<semaphore_mem>>)
      %dma_wait3A = arith.constant 0 : i32
      %dma_wait3A_137 = arith.constant 0 : i32
      %dma_wait3A_138 = tpu.memref_slice %arg4[%add3A_37, %dma_wait3A, %dma_wait3A_137] : memref<128x79x128xi32, #tpu.memory_space<hbm>> -> memref<1x79x128xi32, #tpu.memory_space<hbm>>
      %dma_wait3A_139 = tpu.memref_squeeze %dma_wait3A_138 : memref<1x79x128xi32, #tpu.memory_space<hbm>> -> memref<79x128xi32, #tpu.memory_space<hbm>>
      %dma_wait3A_140 = arith.constant 0 : i32
      %dma_wait3A_141 = arith.constant 0 : i32
      %dma_wait3A_142 = tpu.memref_slice %arg4[%add3A_37, %dma_wait3A_140, %dma_wait3A_141] : memref<128x79x128xi32, #tpu.memory_space<hbm>> -> memref<1x79x128xi32, #tpu.memory_space<hbm>>
      %dma_wait3A_143 = tpu.memref_squeeze %dma_wait3A_142 : memref<1x79x128xi32, #tpu.memory_space<hbm>> -> memref<79x128xi32, #tpu.memory_space<hbm>>
      tpu.wait_dma2 semaphore(%run_scoped3A : memref<!tpu.dma_semaphore, #tpu.memory_space<semaphore_mem>>) src(%dma_wait3A_143 : memref<79x128xi32, #tpu.memory_space<hbm>>) dst(%arg10 : memref<79x128xi32, #tpu.memory_space<vmem>>)
      tpu.yield
    }) : () -> ()
    %barrier3A_38 = arith.constant 0 : index
    tpu.barrier barrier_id(%barrier3A_38)
    %scan3A_39 = arith.constant 0 : i32
    %scan3A_40 = arith.constant 0 : i32
    %scan3A_41 = arith.constant 79 : i32
    %scan3A_42 = arith.addi %scan3A_40, %scan3A_41 : i32
    %scan3A_43 = arith.constant 1 : i32
    scf.for %scan3A_130 = %scan3A_40 to %scan3A_42 step %scan3A_43  : i32 {
      %dma_start3A = arith.constant 0 : i32
      %dma_start3A_131 = tpu.memref_slice %arg9[%scan3A_130, %dma_start3A] : memref<79x128xi32, #tpu.memory_space<vmem>> -> memref<1x128xi32, #tpu.memory_space<vmem>>
      %dma_start3A_132 = tpu.memref_squeeze %dma_start3A_131 : memref<1x128xi32, #tpu.memory_space<vmem>> -> memref<128xi32, #tpu.memory_space<vmem>>
      %dma_start3A_133 = arith.constant 0 : i32
      %dma_start3A_134 = arith.constant 0 : i32
      %dma_start3A_135 = tpu.memref_slice %arg2[%dma_start3A_133, %dma_start3A_134] : memref<10000x128xf32, #tpu.memory_space<hbm>> -> memref<10000x128xf32, #tpu.memory_space<hbm>>
      tpu.enqueue_indirect_dma source(%dma_start3A_135 : memref<10000x128xf32, #tpu.memory_space<hbm>>) target(%arg11 : memref<128x128xf32, #tpu.memory_space<vmem>>) offsets(%dma_start3A_132 : memref<128xi32, #tpu.memory_space<vmem>>) semaphore(%arg16 : memref<!tpu.dma_semaphore, #tpu.memory_space<semaphore_mem>>)
      %dma_wait3A = arith.constant 0 : i32
      %dma_wait3A_136 = tpu.memref_slice %arg9[%scan3A_130, %dma_wait3A] : memref<79x128xi32, #tpu.memory_space<vmem>> -> memref<1x128xi32, #tpu.memory_space<vmem>>
      %dma_wait3A_137 = tpu.memref_squeeze %dma_wait3A_136 : memref<1x128xi32, #tpu.memory_space<vmem>> -> memref<128xi32, #tpu.memory_space<vmem>>
      %dma_wait3A_138 = arith.constant 0 : i32
      %dma_wait3A_139 = arith.constant 0 : i32
      %dma_wait3A_140 = tpu.memref_slice %arg2[%dma_wait3A_138, %dma_wait3A_139] : memref<10000x128xf32, #tpu.memory_space<hbm>> -> memref<10000x128xf32, #tpu.memory_space<hbm>>
      tpu.wait_indirect_dma semaphore(%arg16 : memref<!tpu.dma_semaphore, #tpu.memory_space<semaphore_mem>>) src(%dma_wait3A_140 : memref<10000x128xf32, #tpu.memory_space<hbm>>) dst(%arg11 : memref<128x128xf32, #tpu.memory_space<vmem>>)
      "tpu.region"() ({
        %run_scoped3A = tpu.sem_alloc : memref<!tpu.dma_semaphore, #tpu.memory_space<semaphore_mem>>
        %dma_start3A_141 = arith.constant 0 : i32
        %dma_start3A_142 = tpu.memref_slice %arg10[%scan3A_130, %dma_start3A_141] : memref<79x128xi32, #tpu.memory_space<vmem>> -> memref<1x128xi32, #tpu.memory_space<vmem>>
        %dma_start3A_143 = tpu.memref_squeeze %dma_start3A_142 : memref<1x128xi32, #tpu.memory_space<vmem>> -> memref<128xi32, #tpu.memory_space<vmem>>
        %dma_start3A_144 = arith.constant 0 : i32
        %dma_start3A_145 = arith.constant 0 : i32
        %dma_start3A_146 = tpu.memref_slice %arg13[%dma_start3A_144, %dma_start3A_145] : memref<2688x128xf32, #tpu.memory_space<vmem_shared>> -> memref<2688x128xf32, #tpu.memory_space<vmem_shared>>
        tpu.enqueue_indirect_dma source(%arg11 : memref<128x128xf32, #tpu.memory_space<vmem>>) target(%dma_start3A_146 : memref<2688x128xf32, #tpu.memory_space<vmem_shared>>) offsets(%dma_start3A_143 : memref<128xi32, #tpu.memory_space<vmem>>) semaphore(%run_scoped3A : memref<!tpu.dma_semaphore, #tpu.memory_space<semaphore_mem>>) {add = true}
        %dma_wait3A_147 = arith.constant 0 : i32
        %dma_wait3A_148 = tpu.memref_slice %arg10[%scan3A_130, %dma_wait3A_147] : memref<79x128xi32, #tpu.memory_space<vmem>> -> memref<1x128xi32, #tpu.memory_space<vmem>>
        %dma_wait3A_149 = tpu.memref_squeeze %dma_wait3A_148 : memref<1x128xi32, #tpu.memory_space<vmem>> -> memref<128xi32, #tpu.memory_space<vmem>>
        %dma_wait3A_150 = arith.constant 0 : i32
        %dma_wait3A_151 = arith.constant 0 : i32
        %dma_wait3A_152 = tpu.memref_slice %arg13[%dma_wait3A_150, %dma_wait3A_151] : memref<2688x128xf32, #tpu.memory_space<vmem_shared>> -> memref<2688x128xf32, #tpu.memory_space<vmem_shared>>
        tpu.wait_indirect_dma semaphore(%run_scoped3A : memref<!tpu.dma_semaphore, #tpu.memory_space<semaphore_mem>>) src(%arg11 : memref<128x128xf32, #tpu.memory_space<vmem>>) dst(%dma_wait3A_152 : memref<2688x128xf32, #tpu.memory_space<vmem_shared>>)
        tpu.yield
      }) : () -> ()
      "tpu.region"() ({
        %run_scoped3A = tpu.sem_alloc : memref<!tpu.dma_semaphore, #tpu.memory_space<semaphore_mem>>
        %dma_start3A_141 = arith.constant 0 : i32
        %dma_start3A_142 = tpu.memref_slice %arg10[%scan3A_130, %dma_start3A_141] : memref<79x128xi32, #tpu.memory_space<vmem>> -> memref<1x128xi32, #tpu.memory_space<vmem>>
        %dma_start3A_143 = tpu.memref_squeeze %dma_start3A_142 : memref<1x128xi32, #tpu.memory_space<vmem>> -> memref<128xi32, #tpu.memory_space<vmem>>
        %dma_start3A_144 = arith.constant 0 : i32
        %dma_start3A_145 = arith.constant 0 : i32
        %dma_start3A_146 = tpu.memref_slice %arg15[%dma_start3A_144, %dma_start3A_145] : memref<2688x128xf32, #tpu.memory_space<vmem_shared>> -> memref<2688x128xf32, #tpu.memory_space<vmem_shared>>
        tpu.enqueue_indirect_dma source(%arg14 : memref<128x128xf32, #tpu.memory_space<vmem>>) target(%dma_start3A_146 : memref<2688x128xf32, #tpu.memory_space<vmem_shared>>) offsets(%dma_start3A_143 : memref<128xi32, #tpu.memory_space<vmem>>) semaphore(%run_scoped3A : memref<!tpu.dma_semaphore, #tpu.memory_space<semaphore_mem>>) {add = true}
        %dma_wait3A_147 = arith.constant 0 : i32
        %dma_wait3A_148 = tpu.memref_slice %arg10[%scan3A_130, %dma_wait3A_147] : memref<79x128xi32, #tpu.memory_space<vmem>> -> memref<1x128xi32, #tpu.memory_space<vmem>>
        %dma_wait3A_149 = tpu.memref_squeeze %dma_wait3A_148 : memref<1x128xi32, #tpu.memory_space<vmem>> -> memref<128xi32, #tpu.memory_space<vmem>>
        %dma_wait3A_150 = arith.constant 0 : i32
        %dma_wait3A_151 = arith.constant 0 : i32
        %dma_wait3A_152 = tpu.memref_slice %arg15[%dma_wait3A_150, %dma_wait3A_151] : memref<2688x128xf32, #tpu.memory_space<vmem_shared>> -> memref<2688x128xf32, #tpu.memory_space<vmem_shared>>
        tpu.wait_indirect_dma semaphore(%run_scoped3A : memref<!tpu.dma_semaphore, #tpu.memory_space<semaphore_mem>>) src(%arg14 : memref<128x128xf32, #tpu.memory_space<vmem>>) dst(%dma_wait3A_152 : memref<2688x128xf32, #tpu.memory_space<vmem_shared>>)
        tpu.yield
      }) : () -> ()
    }
    %scan3A_44 = arith.constant 79 : i32
    %barrier3A_45 = arith.constant 0 : index
    tpu.barrier barrier_id(%barrier3A_45)
    %mul3A_46 = arith.constant 160 : i32
    %mul3A_47 = arith.muli %arg1, %mul3A_46 : i32
    "tpu.region"() ({
      %run_scoped3A = tpu.sem_alloc : memref<!tpu.dma_semaphore, #tpu.memory_space<semaphore_mem>>
      %dma_start3A = arith.constant 0 : i32
      %dma_start3A_130 = arith.constant 0 : i32
      %dma_start3A_131 = tpu.memref_slice %arg12[%dma_start3A, %dma_start3A_130] : memref<168x128xf32, #tpu.memory_space<vmem>> -> memref<160x128xf32, #tpu.memory_space<vmem>>
      %dma_start3A_132 = arith.constant 0 : i32
      %dma_start3A_133 = tpu.memref_slice %arg13[%mul3A_47, %dma_start3A_132] : memref<2688x128xf32, #tpu.memory_space<vmem_shared>> -> memref<160x128xf32, #tpu.memory_space<vmem_shared>>
      %dma_start3A_134 = arith.constant 0 : i32
      %dma_start3A_135 = arith.constant 0 : i32
      %dma_start3A_136 = tpu.memref_slice %arg12[%dma_start3A_134, %dma_start3A_135] : memref<168x128xf32, #tpu.memory_space<vmem>> -> memref<160x128xf32, #tpu.memory_space<vmem>>
      %dma_start3A_137 = arith.constant 0 : i32
      %dma_start3A_138 = tpu.memref_slice %arg13[%mul3A_47, %dma_start3A_137] : memref<2688x128xf32, #tpu.memory_space<vmem_shared>> -> memref<160x128xf32, #tpu.memory_space<vmem_shared>>
      tpu.enqueue_dma source(%dma_start3A_138 : memref<160x128xf32, #tpu.memory_space<vmem_shared>>) target(%dma_start3A_136 : memref<160x128xf32, #tpu.memory_space<vmem>>) target_semaphore(%run_scoped3A : memref<!tpu.dma_semaphore, #tpu.memory_space<semaphore_mem>>)
      %dma_wait3A = arith.constant 0 : i32
      %dma_wait3A_139 = arith.constant 0 : i32
      %dma_wait3A_140 = tpu.memref_slice %arg12[%dma_wait3A, %dma_wait3A_139] : memref<168x128xf32, #tpu.memory_space<vmem>> -> memref<160x128xf32, #tpu.memory_space<vmem>>
      %dma_wait3A_141 = arith.constant 0 : i32
      %dma_wait3A_142 = tpu.memref_slice %arg13[%mul3A_47, %dma_wait3A_141] : memref<2688x128xf32, #tpu.memory_space<vmem_shared>> -> memref<160x128xf32, #tpu.memory_space<vmem_shared>>
      %dma_wait3A_143 = arith.constant 0 : i32
      %dma_wait3A_144 = arith.constant 0 : i32
      %dma_wait3A_145 = tpu.memref_slice %arg12[%dma_wait3A_143, %dma_wait3A_144] : memref<168x128xf32, #tpu.memory_space<vmem>> -> memref<160x128xf32, #tpu.memory_space<vmem>>
      %dma_wait3A_146 = arith.constant 0 : i32
      %dma_wait3A_147 = tpu.memref_slice %arg13[%mul3A_47, %dma_wait3A_146] : memref<2688x128xf32, #tpu.memory_space<vmem_shared>> -> memref<160x128xf32, #tpu.memory_space<vmem_shared>>
      tpu.wait_dma2 semaphore(%run_scoped3A : memref<!tpu.dma_semaphore, #tpu.memory_space<semaphore_mem>>) src(%dma_wait3A_147 : memref<160x128xf32, #tpu.memory_space<vmem_shared>>) dst(%dma_wait3A_145 : memref<160x128xf32, #tpu.memory_space<vmem>>)
      tpu.yield
    }) : () -> ()
    %mul3A_48 = arith.constant 10240 : i32
    %mul3A_49 = arith.muli %arg0, %mul3A_48 : i32
    %add3A_50 = arith.constant 2560 : i32
    %add3A_51 = arith.addi %mul3A_49, %add3A_50 : i32
    %mul3A_52 = arith.constant 160 : i32
    %mul3A_53 = arith.muli %arg1, %mul3A_52 : i32
    %add3A_54 = arith.addi %add3A_51, %mul3A_53 : i32
    "tpu.region"() ({
      %run_scoped3A = tpu.sem_alloc : memref<!tpu.dma_semaphore, #tpu.memory_space<semaphore_mem>>
      %dma_start3A = arith.constant 0 : i32
      %dma_start3A_130 = arith.constant 0 : i32
      %dma_start3A_131 = tpu.memref_slice %arg12[%dma_start3A, %dma_start3A_130] : memref<168x128xf32, #tpu.memory_space<vmem>> -> memref<160x128xf32, #tpu.memory_space<vmem>>
      %dma_start3A_132 = arith.constant 0 : i32
      %dma_start3A_133 = tpu.memref_slice %arg7[%add3A_54, %dma_start3A_132] : memref<20480x128xf32, #tpu.memory_space<hbm>> -> memref<160x128xf32, #tpu.memory_space<hbm>>
      %dma_start3A_134 = arith.constant 0 : i32
      %dma_start3A_135 = tpu.memref_slice %arg7[%add3A_54, %dma_start3A_134] : memref<20480x128xf32, #tpu.memory_space<hbm>> -> memref<160x128xf32, #tpu.memory_space<hbm>>
      %dma_start3A_136 = arith.constant 0 : i32
      %dma_start3A_137 = arith.constant 0 : i32
      %dma_start3A_138 = tpu.memref_slice %arg12[%dma_start3A_136, %dma_start3A_137] : memref<168x128xf32, #tpu.memory_space<vmem>> -> memref<160x128xf32, #tpu.memory_space<vmem>>
      tpu.enqueue_dma source(%dma_start3A_138 : memref<160x128xf32, #tpu.memory_space<vmem>>) target(%dma_start3A_135 : memref<160x128xf32, #tpu.memory_space<hbm>>) target_semaphore(%run_scoped3A : memref<!tpu.dma_semaphore, #tpu.memory_space<semaphore_mem>>)
      %dma_wait3A = arith.constant 0 : i32
      %dma_wait3A_139 = arith.constant 0 : i32
      %dma_wait3A_140 = tpu.memref_slice %arg12[%dma_wait3A, %dma_wait3A_139] : memref<168x128xf32, #tpu.memory_space<vmem>> -> memref<160x128xf32, #tpu.memory_space<vmem>>
      %dma_wait3A_141 = arith.constant 0 : i32
      %dma_wait3A_142 = tpu.memref_slice %arg7[%add3A_54, %dma_wait3A_141] : memref<20480x128xf32, #tpu.memory_space<hbm>> -> memref<160x128xf32, #tpu.memory_space<hbm>>
      %dma_wait3A_143 = arith.constant 0 : i32
      %dma_wait3A_144 = tpu.memref_slice %arg7[%add3A_54, %dma_wait3A_143] : memref<20480x128xf32, #tpu.memory_space<hbm>> -> memref<160x128xf32, #tpu.memory_space<hbm>>
      %dma_wait3A_145 = arith.constant 0 : i32
      %dma_wait3A_146 = arith.constant 0 : i32
      %dma_wait3A_147 = tpu.memref_slice %arg12[%dma_wait3A_145, %dma_wait3A_146] : memref<168x128xf32, #tpu.memory_space<vmem>> -> memref<160x128xf32, #tpu.memory_space<vmem>>
      tpu.wait_dma2 semaphore(%run_scoped3A : memref<!tpu.dma_semaphore, #tpu.memory_space<semaphore_mem>>) src(%dma_wait3A_147 : memref<160x128xf32, #tpu.memory_space<vmem>>) dst(%dma_wait3A_144 : memref<160x128xf32, #tpu.memory_space<hbm>>)
      tpu.yield
    }) : () -> ()
    %mul3A_55 = arith.constant 160 : i32
    %mul3A_56 = arith.muli %arg1, %mul3A_55 : i32
    "tpu.region"() ({
      %run_scoped3A = tpu.sem_alloc : memref<!tpu.dma_semaphore, #tpu.memory_space<semaphore_mem>>
      %dma_start3A = arith.constant 0 : i32
      %dma_start3A_130 = arith.constant 0 : i32
      %dma_start3A_131 = tpu.memref_slice %arg12[%dma_start3A, %dma_start3A_130] : memref<168x128xf32, #tpu.memory_space<vmem>> -> memref<160x128xf32, #tpu.memory_space<vmem>>
      %dma_start3A_132 = arith.constant 0 : i32
      %dma_start3A_133 = tpu.memref_slice %arg15[%mul3A_56, %dma_start3A_132] : memref<2688x128xf32, #tpu.memory_space<vmem_shared>> -> memref<160x128xf32, #tpu.memory_space<vmem_shared>>
      %dma_start3A_134 = arith.constant 0 : i32
      %dma_start3A_135 = arith.constant 0 : i32
      %dma_start3A_136 = tpu.memref_slice %arg12[%dma_start3A_134, %dma_start3A_135] : memref<168x128xf32, #tpu.memory_space<vmem>> -> memref<160x128xf32, #tpu.memory_space<vmem>>
      %dma_start3A_137 = arith.constant 0 : i32
      %dma_start3A_138 = tpu.memref_slice %arg15[%mul3A_56, %dma_start3A_137] : memref<2688x128xf32, #tpu.memory_space<vmem_shared>> -> memref<160x128xf32, #tpu.memory_space<vmem_shared>>
      tpu.enqueue_dma source(%dma_start3A_138 : memref<160x128xf32, #tpu.memory_space<vmem_shared>>) target(%dma_start3A_136 : memref<160x128xf32, #tpu.memory_space<vmem>>) target_semaphore(%run_scoped3A : memref<!tpu.dma_semaphore, #tpu.memory_space<semaphore_mem>>)
      %dma_wait3A = arith.constant 0 : i32
      %dma_wait3A_139 = arith.constant 0 : i32
      %dma_wait3A_140 = tpu.memref_slice %arg12[%dma_wait3A, %dma_wait3A_139] : memref<168x128xf32, #tpu.memory_space<vmem>> -> memref<160x128xf32, #tpu.memory_space<vmem>>
      %dma_wait3A_141 = arith.constant 0 : i32
      %dma_wait3A_142 = tpu.memref_slice %arg15[%mul3A_56, %dma_wait3A_141] : memref<2688x128xf32, #tpu.memory_space<vmem_shared>> -> memref<160x128xf32, #tpu.memory_space<vmem_shared>>
      %dma_wait3A_143 = arith.constant 0 : i32
      %dma_wait3A_144 = arith.constant 0 : i32
      %dma_wait3A_145 = tpu.memref_slice %arg12[%dma_wait3A_143, %dma_wait3A_144] : memref<168x128xf32, #tpu.memory_space<vmem>> -> memref<160x128xf32, #tpu.memory_space<vmem>>
      %dma_wait3A_146 = arith.constant 0 : i32
      %dma_wait3A_147 = tpu.memref_slice %arg15[%mul3A_56, %dma_wait3A_146] : memref<2688x128xf32, #tpu.memory_space<vmem_shared>> -> memref<160x128xf32, #tpu.memory_space<vmem_shared>>
      tpu.wait_dma2 semaphore(%run_scoped3A : memref<!tpu.dma_semaphore, #tpu.memory_space<semaphore_mem>>) src(%dma_wait3A_147 : memref<160x128xf32, #tpu.memory_space<vmem_shared>>) dst(%dma_wait3A_145 : memref<160x128xf32, #tpu.memory_space<vmem>>)
      tpu.yield
    }) : () -> ()
    %mul3A_57 = arith.constant 10240 : i32
    %mul3A_58 = arith.muli %arg0, %mul3A_57 : i32
    %add3A_59 = arith.constant 2560 : i32
    %add3A_60 = arith.addi %mul3A_58, %add3A_59 : i32
    %mul3A_61 = arith.constant 160 : i32
    %mul3A_62 = arith.muli %arg1, %mul3A_61 : i32
    %add3A_63 = arith.addi %add3A_60, %mul3A_62 : i32
    "tpu.region"() ({
      %run_scoped3A = tpu.sem_alloc : memref<!tpu.dma_semaphore, #tpu.memory_space<semaphore_mem>>
      %dma_start3A = arith.constant 0 : i32
      %dma_start3A_130 = arith.constant 0 : i32
      %dma_start3A_131 = tpu.memref_slice %arg12[%dma_start3A, %dma_start3A_130] : memref<168x128xf32, #tpu.memory_space<vmem>> -> memref<160x128xf32, #tpu.memory_space<vmem>>
      %dma_start3A_132 = arith.constant 0 : i32
      %dma_start3A_133 = tpu.memref_slice %arg8[%add3A_63, %dma_start3A_132] : memref<20480x128xf32, #tpu.memory_space<hbm>> -> memref<160x128xf32, #tpu.memory_space<hbm>>
      %dma_start3A_134 = arith.constant 0 : i32
      %dma_start3A_135 = tpu.memref_slice %arg8[%add3A_63, %dma_start3A_134] : memref<20480x128xf32, #tpu.memory_space<hbm>> -> memref<160x128xf32, #tpu.memory_space<hbm>>
      %dma_start3A_136 = arith.constant 0 : i32
      %dma_start3A_137 = arith.constant 0 : i32
      %dma_start3A_138 = tpu.memref_slice %arg12[%dma_start3A_136, %dma_start3A_137] : memref<168x128xf32, #tpu.memory_space<vmem>> -> memref<160x128xf32, #tpu.memory_space<vmem>>
      tpu.enqueue_dma source(%dma_start3A_138 : memref<160x128xf32, #tpu.memory_space<vmem>>) target(%dma_start3A_135 : memref<160x128xf32, #tpu.memory_space<hbm>>) target_semaphore(%run_scoped3A : memref<!tpu.dma_semaphore, #tpu.memory_space<semaphore_mem>>)
      %dma_wait3A = arith.constant 0 : i32
      %dma_wait3A_139 = arith.constant 0 : i32
      %dma_wait3A_140 = tpu.memref_slice %arg12[%dma_wait3A, %dma_wait3A_139] : memref<168x128xf32, #tpu.memory_space<vmem>> -> memref<160x128xf32, #tpu.memory_space<vmem>>
      %dma_wait3A_141 = arith.constant 0 : i32
      %dma_wait3A_142 = tpu.memref_slice %arg8[%add3A_63, %dma_wait3A_141] : memref<20480x128xf32, #tpu.memory_space<hbm>> -> memref<160x128xf32, #tpu.memory_space<hbm>>
      %dma_wait3A_143 = arith.constant 0 : i32
      %dma_wait3A_144 = tpu.memref_slice %arg8[%add3A_63, %dma_wait3A_143] : memref<20480x128xf32, #tpu.memory_space<hbm>> -> memref<160x128xf32, #tpu.memory_space<hbm>>
      %dma_wait3A_145 = arith.constant 0 : i32
      %dma_wait3A_146 = arith.constant 0 : i32
      %dma_wait3A_147 = tpu.memref_slice %arg12[%dma_wait3A_145, %dma_wait3A_146] : memref<168x128xf32, #tpu.memory_space<vmem>> -> memref<160x128xf32, #tpu.memory_space<vmem>>
      tpu.wait_dma2 semaphore(%run_scoped3A : memref<!tpu.dma_semaphore, #tpu.memory_space<semaphore_mem>>) src(%dma_wait3A_147 : memref<160x128xf32, #tpu.memory_space<vmem>>) dst(%dma_wait3A_144 : memref<160x128xf32, #tpu.memory_space<hbm>>)
      tpu.yield
    }) : () -> ()
    "tpu.region"() ({
      %run_scoped3A = tpu.sem_alloc : memref<!tpu.dma_semaphore, #tpu.memory_space<semaphore_mem>>
      tpu.enqueue_dma source(%arg5 : memref<168x128xf32, #tpu.memory_space<hbm>>) target(%arg12 : memref<168x128xf32, #tpu.memory_space<vmem>>) target_semaphore(%run_scoped3A : memref<!tpu.dma_semaphore, #tpu.memory_space<semaphore_mem>>)
      tpu.wait_dma2 semaphore(%run_scoped3A : memref<!tpu.dma_semaphore, #tpu.memory_space<semaphore_mem>>) src(%arg5 : memref<168x128xf32, #tpu.memory_space<hbm>>) dst(%arg12 : memref<168x128xf32, #tpu.memory_space<vmem>>)
      tpu.yield
    }) : () -> ()
    %barrier3A_64 = arith.constant 0 : index
    tpu.barrier barrier_id(%barrier3A_64)
    %mul3A_65 = arith.constant 168 : i32
    %mul3A_66 = arith.muli %arg1, %mul3A_65 : i32
    "tpu.region"() ({
      %run_scoped3A = tpu.sem_alloc : memref<!tpu.dma_semaphore, #tpu.memory_space<semaphore_mem>>
      %dma_start3A = arith.constant 0 : i32
      %dma_start3A_130 = tpu.memref_slice %arg13[%mul3A_66, %dma_start3A] : memref<2688x128xf32, #tpu.memory_space<vmem_shared>> -> memref<168x128xf32, #tpu.memory_space<vmem_shared>>
      %dma_start3A_131 = arith.constant 0 : i32
      %dma_start3A_132 = tpu.memref_slice %arg13[%mul3A_66, %dma_start3A_131] : memref<2688x128xf32, #tpu.memory_space<vmem_shared>> -> memref<168x128xf32, #tpu.memory_space<vmem_shared>>
      tpu.enqueue_dma source(%arg12 : memref<168x128xf32, #tpu.memory_space<vmem>>) target(%dma_start3A_132 : memref<168x128xf32, #tpu.memory_space<vmem_shared>>) target_semaphore(%run_scoped3A : memref<!tpu.dma_semaphore, #tpu.memory_space<semaphore_mem>>)
      %dma_wait3A = arith.constant 0 : i32
      %dma_wait3A_133 = tpu.memref_slice %arg13[%mul3A_66, %dma_wait3A] : memref<2688x128xf32, #tpu.memory_space<vmem_shared>> -> memref<168x128xf32, #tpu.memory_space<vmem_shared>>
      %dma_wait3A_134 = arith.constant 0 : i32
      %dma_wait3A_135 = tpu.memref_slice %arg13[%mul3A_66, %dma_wait3A_134] : memref<2688x128xf32, #tpu.memory_space<vmem_shared>> -> memref<168x128xf32, #tpu.memory_space<vmem_shared>>
      tpu.wait_dma2 semaphore(%run_scoped3A : memref<!tpu.dma_semaphore, #tpu.memory_space<semaphore_mem>>) src(%arg12 : memref<168x128xf32, #tpu.memory_space<vmem>>) dst(%dma_wait3A_135 : memref<168x128xf32, #tpu.memory_space<vmem_shared>>)
      tpu.yield
    }) : () -> ()
    %mul3A_67 = arith.constant 168 : i32
    %mul3A_68 = arith.muli %arg1, %mul3A_67 : i32
    "tpu.region"() ({
      %run_scoped3A = tpu.sem_alloc : memref<!tpu.dma_semaphore, #tpu.memory_space<semaphore_mem>>
      %dma_start3A = arith.constant 0 : i32
      %dma_start3A_130 = tpu.memref_slice %arg15[%mul3A_68, %dma_start3A] : memref<2688x128xf32, #tpu.memory_space<vmem_shared>> -> memref<168x128xf32, #tpu.memory_space<vmem_shared>>
      %dma_start3A_131 = arith.constant 0 : i32
      %dma_start3A_132 = tpu.memref_slice %arg15[%mul3A_68, %dma_start3A_131] : memref<2688x128xf32, #tpu.memory_space<vmem_shared>> -> memref<168x128xf32, #tpu.memory_space<vmem_shared>>
      tpu.enqueue_dma source(%arg12 : memref<168x128xf32, #tpu.memory_space<vmem>>) target(%dma_start3A_132 : memref<168x128xf32, #tpu.memory_space<vmem_shared>>) target_semaphore(%run_scoped3A : memref<!tpu.dma_semaphore, #tpu.memory_space<semaphore_mem>>)
      %dma_wait3A = arith.constant 0 : i32
      %dma_wait3A_133 = tpu.memref_slice %arg15[%mul3A_68, %dma_wait3A] : memref<2688x128xf32, #tpu.memory_space<vmem_shared>> -> memref<168x128xf32, #tpu.memory_space<vmem_shared>>
      %dma_wait3A_134 = arith.constant 0 : i32
      %dma_wait3A_135 = tpu.memref_slice %arg15[%mul3A_68, %dma_wait3A_134] : memref<2688x128xf32, #tpu.memory_space<vmem_shared>> -> memref<168x128xf32, #tpu.memory_space<vmem_shared>>
      tpu.wait_dma2 semaphore(%run_scoped3A : memref<!tpu.dma_semaphore, #tpu.memory_space<semaphore_mem>>) src(%arg12 : memref<168x128xf32, #tpu.memory_space<vmem>>) dst(%dma_wait3A_135 : memref<168x128xf32, #tpu.memory_space<vmem_shared>>)
      tpu.yield
    }) : () -> ()
    %add3A_69 = arith.constant 64 : i32
    %add3A_70 = arith.addi %add3A_69, %add3A : i32
    "tpu.region"() ({
      %run_scoped3A = tpu.sem_alloc : memref<!tpu.dma_semaphore, #tpu.memory_space<semaphore_mem>>
      %dma_start3A = arith.constant 0 : i32
      %dma_start3A_130 = arith.constant 0 : i32
      %dma_start3A_131 = tpu.memref_slice %arg4[%add3A_70, %dma_start3A, %dma_start3A_130] : memref<128x79x128xi32, #tpu.memory_space<hbm>> -> memref<1x79x128xi32, #tpu.memory_space<hbm>>
      %dma_start3A_132 = tpu.memref_squeeze %dma_start3A_131 : memref<1x79x128xi32, #tpu.memory_space<hbm>> -> memref<79x128xi32, #tpu.memory_space<hbm>>
      %dma_start3A_133 = arith.constant 0 : i32
      %dma_start3A_134 = arith.constant 0 : i32
      %dma_start3A_135 = tpu.memref_slice %arg4[%add3A_70, %dma_start3A_133, %dma_start3A_134] : memref<128x79x128xi32, #tpu.memory_space<hbm>> -> memref<1x79x128xi32, #tpu.memory_space<hbm>>
      %dma_start3A_136 = tpu.memref_squeeze %dma_start3A_135 : memref<1x79x128xi32, #tpu.memory_space<hbm>> -> memref<79x128xi32, #tpu.memory_space<hbm>>
      tpu.enqueue_dma source(%dma_start3A_136 : memref<79x128xi32, #tpu.memory_space<hbm>>) target(%arg10 : memref<79x128xi32, #tpu.memory_space<vmem>>) target_semaphore(%run_scoped3A : memref<!tpu.dma_semaphore, #tpu.memory_space<semaphore_mem>>)
      %dma_wait3A = arith.constant 0 : i32
      %dma_wait3A_137 = arith.constant 0 : i32
      %dma_wait3A_138 = tpu.memref_slice %arg4[%add3A_70, %dma_wait3A, %dma_wait3A_137] : memref<128x79x128xi32, #tpu.memory_space<hbm>> -> memref<1x79x128xi32, #tpu.memory_space<hbm>>
      %dma_wait3A_139 = tpu.memref_squeeze %dma_wait3A_138 : memref<1x79x128xi32, #tpu.memory_space<hbm>> -> memref<79x128xi32, #tpu.memory_space<hbm>>
      %dma_wait3A_140 = arith.constant 0 : i32
      %dma_wait3A_141 = arith.constant 0 : i32
      %dma_wait3A_142 = tpu.memref_slice %arg4[%add3A_70, %dma_wait3A_140, %dma_wait3A_141] : memref<128x79x128xi32, #tpu.memory_space<hbm>> -> memref<1x79x128xi32, #tpu.memory_space<hbm>>
      %dma_wait3A_143 = tpu.memref_squeeze %dma_wait3A_142 : memref<1x79x128xi32, #tpu.memory_space<hbm>> -> memref<79x128xi32, #tpu.memory_space<hbm>>
      tpu.wait_dma2 semaphore(%run_scoped3A : memref<!tpu.dma_semaphore, #tpu.memory_space<semaphore_mem>>) src(%dma_wait3A_143 : memref<79x128xi32, #tpu.memory_space<hbm>>) dst(%arg10 : memref<79x128xi32, #tpu.memory_space<vmem>>)
      tpu.yield
    }) : () -> ()
    %barrier3A_71 = arith.constant 0 : index
    tpu.barrier barrier_id(%barrier3A_71)
    %scan3A_72 = arith.constant 0 : i32
    %scan3A_73 = arith.constant 0 : i32
    %scan3A_74 = arith.constant 79 : i32
    %scan3A_75 = arith.addi %scan3A_73, %scan3A_74 : i32
    %scan3A_76 = arith.constant 1 : i32
    scf.for %scan3A_130 = %scan3A_73 to %scan3A_75 step %scan3A_76  : i32 {
      %dma_start3A = arith.constant 0 : i32
      %dma_start3A_131 = tpu.memref_slice %arg9[%scan3A_130, %dma_start3A] : memref<79x128xi32, #tpu.memory_space<vmem>> -> memref<1x128xi32, #tpu.memory_space<vmem>>
      %dma_start3A_132 = tpu.memref_squeeze %dma_start3A_131 : memref<1x128xi32, #tpu.memory_space<vmem>> -> memref<128xi32, #tpu.memory_space<vmem>>
      %dma_start3A_133 = arith.constant 0 : i32
      %dma_start3A_134 = arith.constant 0 : i32
      %dma_start3A_135 = tpu.memref_slice %arg2[%dma_start3A_133, %dma_start3A_134] : memref<10000x128xf32, #tpu.memory_space<hbm>> -> memref<10000x128xf32, #tpu.memory_space<hbm>>
      tpu.enqueue_indirect_dma source(%dma_start3A_135 : memref<10000x128xf32, #tpu.memory_space<hbm>>) target(%arg11 : memref<128x128xf32, #tpu.memory_space<vmem>>) offsets(%dma_start3A_132 : memref<128xi32, #tpu.memory_space<vmem>>) semaphore(%arg16 : memref<!tpu.dma_semaphore, #tpu.memory_space<semaphore_mem>>)
      %dma_wait3A = arith.constant 0 : i32
      %dma_wait3A_136 = tpu.memref_slice %arg9[%scan3A_130, %dma_wait3A] : memref<79x128xi32, #tpu.memory_space<vmem>> -> memref<1x128xi32, #tpu.memory_space<vmem>>
      %dma_wait3A_137 = tpu.memref_squeeze %dma_wait3A_136 : memref<1x128xi32, #tpu.memory_space<vmem>> -> memref<128xi32, #tpu.memory_space<vmem>>
      %dma_wait3A_138 = arith.constant 0 : i32
      %dma_wait3A_139 = arith.constant 0 : i32
      %dma_wait3A_140 = tpu.memref_slice %arg2[%dma_wait3A_138, %dma_wait3A_139] : memref<10000x128xf32, #tpu.memory_space<hbm>> -> memref<10000x128xf32, #tpu.memory_space<hbm>>
      tpu.wait_indirect_dma semaphore(%arg16 : memref<!tpu.dma_semaphore, #tpu.memory_space<semaphore_mem>>) src(%dma_wait3A_140 : memref<10000x128xf32, #tpu.memory_space<hbm>>) dst(%arg11 : memref<128x128xf32, #tpu.memory_space<vmem>>)
      "tpu.region"() ({
        %run_scoped3A = tpu.sem_alloc : memref<!tpu.dma_semaphore, #tpu.memory_space<semaphore_mem>>
        %dma_start3A_141 = arith.constant 0 : i32
        %dma_start3A_142 = tpu.memref_slice %arg10[%scan3A_130, %dma_start3A_141] : memref<79x128xi32, #tpu.memory_space<vmem>> -> memref<1x128xi32, #tpu.memory_space<vmem>>
        %dma_start3A_143 = tpu.memref_squeeze %dma_start3A_142 : memref<1x128xi32, #tpu.memory_space<vmem>> -> memref<128xi32, #tpu.memory_space<vmem>>
        %dma_start3A_144 = arith.constant 0 : i32
        %dma_start3A_145 = arith.constant 0 : i32
        %dma_start3A_146 = tpu.memref_slice %arg13[%dma_start3A_144, %dma_start3A_145] : memref<2688x128xf32, #tpu.memory_space<vmem_shared>> -> memref<2688x128xf32, #tpu.memory_space<vmem_shared>>
        tpu.enqueue_indirect_dma source(%arg11 : memref<128x128xf32, #tpu.memory_space<vmem>>) target(%dma_start3A_146 : memref<2688x128xf32, #tpu.memory_space<vmem_shared>>) offsets(%dma_start3A_143 : memref<128xi32, #tpu.memory_space<vmem>>) semaphore(%run_scoped3A : memref<!tpu.dma_semaphore, #tpu.memory_space<semaphore_mem>>) {add = true}
        %dma_wait3A_147 = arith.constant 0 : i32
        %dma_wait3A_148 = tpu.memref_slice %arg10[%scan3A_130, %dma_wait3A_147] : memref<79x128xi32, #tpu.memory_space<vmem>> -> memref<1x128xi32, #tpu.memory_space<vmem>>
        %dma_wait3A_149 = tpu.memref_squeeze %dma_wait3A_148 : memref<1x128xi32, #tpu.memory_space<vmem>> -> memref<128xi32, #tpu.memory_space<vmem>>
        %dma_wait3A_150 = arith.constant 0 : i32
        %dma_wait3A_151 = arith.constant 0 : i32
        %dma_wait3A_152 = tpu.memref_slice %arg13[%dma_wait3A_150, %dma_wait3A_151] : memref<2688x128xf32, #tpu.memory_space<vmem_shared>> -> memref<2688x128xf32, #tpu.memory_space<vmem_shared>>
        tpu.wait_indirect_dma semaphore(%run_scoped3A : memref<!tpu.dma_semaphore, #tpu.memory_space<semaphore_mem>>) src(%arg11 : memref<128x128xf32, #tpu.memory_space<vmem>>) dst(%dma_wait3A_152 : memref<2688x128xf32, #tpu.memory_space<vmem_shared>>)
        tpu.yield
      }) : () -> ()
      "tpu.region"() ({
        %run_scoped3A = tpu.sem_alloc : memref<!tpu.dma_semaphore, #tpu.memory_space<semaphore_mem>>
        %dma_start3A_141 = arith.constant 0 : i32
        %dma_start3A_142 = tpu.memref_slice %arg10[%scan3A_130, %dma_start3A_141] : memref<79x128xi32, #tpu.memory_space<vmem>> -> memref<1x128xi32, #tpu.memory_space<vmem>>
        %dma_start3A_143 = tpu.memref_squeeze %dma_start3A_142 : memref<1x128xi32, #tpu.memory_space<vmem>> -> memref<128xi32, #tpu.memory_space<vmem>>
        %dma_start3A_144 = arith.constant 0 : i32
        %dma_start3A_145 = arith.constant 0 : i32
        %dma_start3A_146 = tpu.memref_slice %arg15[%dma_start3A_144, %dma_start3A_145] : memref<2688x128xf32, #tpu.memory_space<vmem_shared>> -> memref<2688x128xf32, #tpu.memory_space<vmem_shared>>
        tpu.enqueue_indirect_dma source(%arg14 : memref<128x128xf32, #tpu.memory_space<vmem>>) target(%dma_start3A_146 : memref<2688x128xf32, #tpu.memory_space<vmem_shared>>) offsets(%dma_start3A_143 : memref<128xi32, #tpu.memory_space<vmem>>) semaphore(%run_scoped3A : memref<!tpu.dma_semaphore, #tpu.memory_space<semaphore_mem>>) {add = true}
        %dma_wait3A_147 = arith.constant 0 : i32
        %dma_wait3A_148 = tpu.memref_slice %arg10[%scan3A_130, %dma_wait3A_147] : memref<79x128xi32, #tpu.memory_space<vmem>> -> memref<1x128xi32, #tpu.memory_space<vmem>>
        %dma_wait3A_149 = tpu.memref_squeeze %dma_wait3A_148 : memref<1x128xi32, #tpu.memory_space<vmem>> -> memref<128xi32, #tpu.memory_space<vmem>>
        %dma_wait3A_150 = arith.constant 0 : i32
        %dma_wait3A_151 = arith.constant 0 : i32
        %dma_wait3A_152 = tpu.memref_slice %arg15[%dma_wait3A_150, %dma_wait3A_151] : memref<2688x128xf32, #tpu.memory_space<vmem_shared>> -> memref<2688x128xf32, #tpu.memory_space<vmem_shared>>
        tpu.wait_indirect_dma semaphore(%run_scoped3A : memref<!tpu.dma_semaphore, #tpu.memory_space<semaphore_mem>>) src(%arg14 : memref<128x128xf32, #tpu.memory_space<vmem>>) dst(%dma_wait3A_152 : memref<2688x128xf32, #tpu.memory_space<vmem_shared>>)
        tpu.yield
      }) : () -> ()
    }
    %scan3A_77 = arith.constant 79 : i32
    %barrier3A_78 = arith.constant 0 : index
    tpu.barrier barrier_id(%barrier3A_78)
    %mul3A_79 = arith.constant 160 : i32
    %mul3A_80 = arith.muli %arg1, %mul3A_79 : i32
    "tpu.region"() ({
      %run_scoped3A = tpu.sem_alloc : memref<!tpu.dma_semaphore, #tpu.memory_space<semaphore_mem>>
      %dma_start3A = arith.constant 0 : i32
      %dma_start3A_130 = arith.constant 0 : i32
      %dma_start3A_131 = tpu.memref_slice %arg12[%dma_start3A, %dma_start3A_130] : memref<168x128xf32, #tpu.memory_space<vmem>> -> memref<160x128xf32, #tpu.memory_space<vmem>>
      %dma_start3A_132 = arith.constant 0 : i32
      %dma_start3A_133 = tpu.memref_slice %arg13[%mul3A_80, %dma_start3A_132] : memref<2688x128xf32, #tpu.memory_space<vmem_shared>> -> memref<160x128xf32, #tpu.memory_space<vmem_shared>>
      %dma_start3A_134 = arith.constant 0 : i32
      %dma_start3A_135 = arith.constant 0 : i32
      %dma_start3A_136 = tpu.memref_slice %arg12[%dma_start3A_134, %dma_start3A_135] : memref<168x128xf32, #tpu.memory_space<vmem>> -> memref<160x128xf32, #tpu.memory_space<vmem>>
      %dma_start3A_137 = arith.constant 0 : i32
      %dma_start3A_138 = tpu.memref_slice %arg13[%mul3A_80, %dma_start3A_137] : memref<2688x128xf32, #tpu.memory_space<vmem_shared>> -> memref<160x128xf32, #tpu.memory_space<vmem_shared>>
      tpu.enqueue_dma source(%dma_start3A_138 : memref<160x128xf32, #tpu.memory_space<vmem_shared>>) target(%dma_start3A_136 : memref<160x128xf32, #tpu.memory_space<vmem>>) target_semaphore(%run_scoped3A : memref<!tpu.dma_semaphore, #tpu.memory_space<semaphore_mem>>)
      %dma_wait3A = arith.constant 0 : i32
      %dma_wait3A_139 = arith.constant 0 : i32
      %dma_wait3A_140 = tpu.memref_slice %arg12[%dma_wait3A, %dma_wait3A_139] : memref<168x128xf32, #tpu.memory_space<vmem>> -> memref<160x128xf32, #tpu.memory_space<vmem>>
      %dma_wait3A_141 = arith.constant 0 : i32
      %dma_wait3A_142 = tpu.memref_slice %arg13[%mul3A_80, %dma_wait3A_141] : memref<2688x128xf32, #tpu.memory_space<vmem_shared>> -> memref<160x128xf32, #tpu.memory_space<vmem_shared>>
      %dma_wait3A_143 = arith.constant 0 : i32
      %dma_wait3A_144 = arith.constant 0 : i32
      %dma_wait3A_145 = tpu.memref_slice %arg12[%dma_wait3A_143, %dma_wait3A_144] : memref<168x128xf32, #tpu.memory_space<vmem>> -> memref<160x128xf32, #tpu.memory_space<vmem>>
      %dma_wait3A_146 = arith.constant 0 : i32
      %dma_wait3A_147 = tpu.memref_slice %arg13[%mul3A_80, %dma_wait3A_146] : memref<2688x128xf32, #tpu.memory_space<vmem_shared>> -> memref<160x128xf32, #tpu.memory_space<vmem_shared>>
      tpu.wait_dma2 semaphore(%run_scoped3A : memref<!tpu.dma_semaphore, #tpu.memory_space<semaphore_mem>>) src(%dma_wait3A_147 : memref<160x128xf32, #tpu.memory_space<vmem_shared>>) dst(%dma_wait3A_145 : memref<160x128xf32, #tpu.memory_space<vmem>>)
      tpu.yield
    }) : () -> ()
    %mul3A_81 = arith.constant 10240 : i32
    %mul3A_82 = arith.muli %arg0, %mul3A_81 : i32
    %add3A_83 = arith.constant 5120 : i32
    %add3A_84 = arith.addi %mul3A_82, %add3A_83 : i32
    %mul3A_85 = arith.constant 160 : i32
    %mul3A_86 = arith.muli %arg1, %mul3A_85 : i32
    %add3A_87 = arith.addi %add3A_84, %mul3A_86 : i32
    "tpu.region"() ({
      %run_scoped3A = tpu.sem_alloc : memref<!tpu.dma_semaphore, #tpu.memory_space<semaphore_mem>>
      %dma_start3A = arith.constant 0 : i32
      %dma_start3A_130 = arith.constant 0 : i32
      %dma_start3A_131 = tpu.memref_slice %arg12[%dma_start3A, %dma_start3A_130] : memref<168x128xf32, #tpu.memory_space<vmem>> -> memref<160x128xf32, #tpu.memory_space<vmem>>
      %dma_start3A_132 = arith.constant 0 : i32
      %dma_start3A_133 = tpu.memref_slice %arg7[%add3A_87, %dma_start3A_132] : memref<20480x128xf32, #tpu.memory_space<hbm>> -> memref<160x128xf32, #tpu.memory_space<hbm>>
      %dma_start3A_134 = arith.constant 0 : i32
      %dma_start3A_135 = tpu.memref_slice %arg7[%add3A_87, %dma_start3A_134] : memref<20480x128xf32, #tpu.memory_space<hbm>> -> memref<160x128xf32, #tpu.memory_space<hbm>>
      %dma_start3A_136 = arith.constant 0 : i32
      %dma_start3A_137 = arith.constant 0 : i32
      %dma_start3A_138 = tpu.memref_slice %arg12[%dma_start3A_136, %dma_start3A_137] : memref<168x128xf32, #tpu.memory_space<vmem>> -> memref<160x128xf32, #tpu.memory_space<vmem>>
      tpu.enqueue_dma source(%dma_start3A_138 : memref<160x128xf32, #tpu.memory_space<vmem>>) target(%dma_start3A_135 : memref<160x128xf32, #tpu.memory_space<hbm>>) target_semaphore(%run_scoped3A : memref<!tpu.dma_semaphore, #tpu.memory_space<semaphore_mem>>)
      %dma_wait3A = arith.constant 0 : i32
      %dma_wait3A_139 = arith.constant 0 : i32
      %dma_wait3A_140 = tpu.memref_slice %arg12[%dma_wait3A, %dma_wait3A_139] : memref<168x128xf32, #tpu.memory_space<vmem>> -> memref<160x128xf32, #tpu.memory_space<vmem>>
      %dma_wait3A_141 = arith.constant 0 : i32
      %dma_wait3A_142 = tpu.memref_slice %arg7[%add3A_87, %dma_wait3A_141] : memref<20480x128xf32, #tpu.memory_space<hbm>> -> memref<160x128xf32, #tpu.memory_space<hbm>>
      %dma_wait3A_143 = arith.constant 0 : i32
      %dma_wait3A_144 = tpu.memref_slice %arg7[%add3A_87, %dma_wait3A_143] : memref<20480x128xf32, #tpu.memory_space<hbm>> -> memref<160x128xf32, #tpu.memory_space<hbm>>
      %dma_wait3A_145 = arith.constant 0 : i32
      %dma_wait3A_146 = arith.constant 0 : i32
      %dma_wait3A_147 = tpu.memref_slice %arg12[%dma_wait3A_145, %dma_wait3A_146] : memref<168x128xf32, #tpu.memory_space<vmem>> -> memref<160x128xf32, #tpu.memory_space<vmem>>
      tpu.wait_dma2 semaphore(%run_scoped3A : memref<!tpu.dma_semaphore, #tpu.memory_space<semaphore_mem>>) src(%dma_wait3A_147 : memref<160x128xf32, #tpu.memory_space<vmem>>) dst(%dma_wait3A_144 : memref<160x128xf32, #tpu.memory_space<hbm>>)
      tpu.yield
    }) : () -> ()
    %mul3A_88 = arith.constant 160 : i32
    %mul3A_89 = arith.muli %arg1, %mul3A_88 : i32
    "tpu.region"() ({
      %run_scoped3A = tpu.sem_alloc : memref<!tpu.dma_semaphore, #tpu.memory_space<semaphore_mem>>
      %dma_start3A = arith.constant 0 : i32
      %dma_start3A_130 = arith.constant 0 : i32
      %dma_start3A_131 = tpu.memref_slice %arg12[%dma_start3A, %dma_start3A_130] : memref<168x128xf32, #tpu.memory_space<vmem>> -> memref<160x128xf32, #tpu.memory_space<vmem>>
      %dma_start3A_132 = arith.constant 0 : i32
      %dma_start3A_133 = tpu.memref_slice %arg15[%mul3A_89, %dma_start3A_132] : memref<2688x128xf32, #tpu.memory_space<vmem_shared>> -> memref<160x128xf32, #tpu.memory_space<vmem_shared>>
      %dma_start3A_134 = arith.constant 0 : i32
      %dma_start3A_135 = arith.constant 0 : i32
      %dma_start3A_136 = tpu.memref_slice %arg12[%dma_start3A_134, %dma_start3A_135] : memref<168x128xf32, #tpu.memory_space<vmem>> -> memref<160x128xf32, #tpu.memory_space<vmem>>
      %dma_start3A_137 = arith.constant 0 : i32
      %dma_start3A_138 = tpu.memref_slice %arg15[%mul3A_89, %dma_start3A_137] : memref<2688x128xf32, #tpu.memory_space<vmem_shared>> -> memref<160x128xf32, #tpu.memory_space<vmem_shared>>
      tpu.enqueue_dma source(%dma_start3A_138 : memref<160x128xf32, #tpu.memory_space<vmem_shared>>) target(%dma_start3A_136 : memref<160x128xf32, #tpu.memory_space<vmem>>) target_semaphore(%run_scoped3A : memref<!tpu.dma_semaphore, #tpu.memory_space<semaphore_mem>>)
      %dma_wait3A = arith.constant 0 : i32
      %dma_wait3A_139 = arith.constant 0 : i32
      %dma_wait3A_140 = tpu.memref_slice %arg12[%dma_wait3A, %dma_wait3A_139] : memref<168x128xf32, #tpu.memory_space<vmem>> -> memref<160x128xf32, #tpu.memory_space<vmem>>
      %dma_wait3A_141 = arith.constant 0 : i32
      %dma_wait3A_142 = tpu.memref_slice %arg15[%mul3A_89, %dma_wait3A_141] : memref<2688x128xf32, #tpu.memory_space<vmem_shared>> -> memref<160x128xf32, #tpu.memory_space<vmem_shared>>
      %dma_wait3A_143 = arith.constant 0 : i32
      %dma_wait3A_144 = arith.constant 0 : i32
      %dma_wait3A_145 = tpu.memref_slice %arg12[%dma_wait3A_143, %dma_wait3A_144] : memref<168x128xf32, #tpu.memory_space<vmem>> -> memref<160x128xf32, #tpu.memory_space<vmem>>
      %dma_wait3A_146 = arith.constant 0 : i32
      %dma_wait3A_147 = tpu.memref_slice %arg15[%mul3A_89, %dma_wait3A_146] : memref<2688x128xf32, #tpu.memory_space<vmem_shared>> -> memref<160x128xf32, #tpu.memory_space<vmem_shared>>
      tpu.wait_dma2 semaphore(%run_scoped3A : memref<!tpu.dma_semaphore, #tpu.memory_space<semaphore_mem>>) src(%dma_wait3A_147 : memref<160x128xf32, #tpu.memory_space<vmem_shared>>) dst(%dma_wait3A_145 : memref<160x128xf32, #tpu.memory_space<vmem>>)
      tpu.yield
    }) : () -> ()
    %mul3A_90 = arith.constant 10240 : i32
    %mul3A_91 = arith.muli %arg0, %mul3A_90 : i32
    %add3A_92 = arith.constant 5120 : i32
    %add3A_93 = arith.addi %mul3A_91, %add3A_92 : i32
    %mul3A_94 = arith.constant 160 : i32
    %mul3A_95 = arith.muli %arg1, %mul3A_94 : i32
    %add3A_96 = arith.addi %add3A_93, %mul3A_95 : i32
    "tpu.region"() ({
      %run_scoped3A = tpu.sem_alloc : memref<!tpu.dma_semaphore, #tpu.memory_space<semaphore_mem>>
      %dma_start3A = arith.constant 0 : i32
      %dma_start3A_130 = arith.constant 0 : i32
      %dma_start3A_131 = tpu.memref_slice %arg12[%dma_start3A, %dma_start3A_130] : memref<168x128xf32, #tpu.memory_space<vmem>> -> memref<160x128xf32, #tpu.memory_space<vmem>>
      %dma_start3A_132 = arith.constant 0 : i32
      %dma_start3A_133 = tpu.memref_slice %arg8[%add3A_96, %dma_start3A_132] : memref<20480x128xf32, #tpu.memory_space<hbm>> -> memref<160x128xf32, #tpu.memory_space<hbm>>
      %dma_start3A_134 = arith.constant 0 : i32
      %dma_start3A_135 = tpu.memref_slice %arg8[%add3A_96, %dma_start3A_134] : memref<20480x128xf32, #tpu.memory_space<hbm>> -> memref<160x128xf32, #tpu.memory_space<hbm>>
      %dma_start3A_136 = arith.constant 0 : i32
      %dma_start3A_137 = arith.constant 0 : i32
      %dma_start3A_138 = tpu.memref_slice %arg12[%dma_start3A_136, %dma_start3A_137] : memref<168x128xf32, #tpu.memory_space<vmem>> -> memref<160x128xf32, #tpu.memory_space<vmem>>
      tpu.enqueue_dma source(%dma_start3A_138 : memref<160x128xf32, #tpu.memory_space<vmem>>) target(%dma_start3A_135 : memref<160x128xf32, #tpu.memory_space<hbm>>) target_semaphore(%run_scoped3A : memref<!tpu.dma_semaphore, #tpu.memory_space<semaphore_mem>>)
      %dma_wait3A = arith.constant 0 : i32
      %dma_wait3A_139 = arith.constant 0 : i32
      %dma_wait3A_140 = tpu.memref_slice %arg12[%dma_wait3A, %dma_wait3A_139] : memref<168x128xf32, #tpu.memory_space<vmem>> -> memref<160x128xf32, #tpu.memory_space<vmem>>
      %dma_wait3A_141 = arith.constant 0 : i32
      %dma_wait3A_142 = tpu.memref_slice %arg8[%add3A_96, %dma_wait3A_141] : memref<20480x128xf32, #tpu.memory_space<hbm>> -> memref<160x128xf32, #tpu.memory_space<hbm>>
      %dma_wait3A_143 = arith.constant 0 : i32
      %dma_wait3A_144 = tpu.memref_slice %arg8[%add3A_96, %dma_wait3A_143] : memref<20480x128xf32, #tpu.memory_space<hbm>> -> memref<160x128xf32, #tpu.memory_space<hbm>>
      %dma_wait3A_145 = arith.constant 0 : i32
      %dma_wait3A_146 = arith.constant 0 : i32
      %dma_wait3A_147 = tpu.memref_slice %arg12[%dma_wait3A_145, %dma_wait3A_146] : memref<168x128xf32, #tpu.memory_space<vmem>> -> memref<160x128xf32, #tpu.memory_space<vmem>>
      tpu.wait_dma2 semaphore(%run_scoped3A : memref<!tpu.dma_semaphore, #tpu.memory_space<semaphore_mem>>) src(%dma_wait3A_147 : memref<160x128xf32, #tpu.memory_space<vmem>>) dst(%dma_wait3A_144 : memref<160x128xf32, #tpu.memory_space<hbm>>)
      tpu.yield
    }) : () -> ()
    "tpu.region"() ({
      %run_scoped3A = tpu.sem_alloc : memref<!tpu.dma_semaphore, #tpu.memory_space<semaphore_mem>>
      tpu.enqueue_dma source(%arg5 : memref<168x128xf32, #tpu.memory_space<hbm>>) target(%arg12 : memref<168x128xf32, #tpu.memory_space<vmem>>) target_semaphore(%run_scoped3A : memref<!tpu.dma_semaphore, #tpu.memory_space<semaphore_mem>>)
      tpu.wait_dma2 semaphore(%run_scoped3A : memref<!tpu.dma_semaphore, #tpu.memory_space<semaphore_mem>>) src(%arg5 : memref<168x128xf32, #tpu.memory_space<hbm>>) dst(%arg12 : memref<168x128xf32, #tpu.memory_space<vmem>>)
      tpu.yield
    }) : () -> ()
    %barrier3A_97 = arith.constant 0 : index
    tpu.barrier barrier_id(%barrier3A_97)
    %mul3A_98 = arith.constant 168 : i32
    %mul3A_99 = arith.muli %arg1, %mul3A_98 : i32
    "tpu.region"() ({
      %run_scoped3A = tpu.sem_alloc : memref<!tpu.dma_semaphore, #tpu.memory_space<semaphore_mem>>
      %dma_start3A = arith.constant 0 : i32
      %dma_start3A_130 = tpu.memref_slice %arg13[%mul3A_99, %dma_start3A] : memref<2688x128xf32, #tpu.memory_space<vmem_shared>> -> memref<168x128xf32, #tpu.memory_space<vmem_shared>>
      %dma_start3A_131 = arith.constant 0 : i32
      %dma_start3A_132 = tpu.memref_slice %arg13[%mul3A_99, %dma_start3A_131] : memref<2688x128xf32, #tpu.memory_space<vmem_shared>> -> memref<168x128xf32, #tpu.memory_space<vmem_shared>>
      tpu.enqueue_dma source(%arg12 : memref<168x128xf32, #tpu.memory_space<vmem>>) target(%dma_start3A_132 : memref<168x128xf32, #tpu.memory_space<vmem_shared>>) target_semaphore(%run_scoped3A : memref<!tpu.dma_semaphore, #tpu.memory_space<semaphore_mem>>)
      %dma_wait3A = arith.constant 0 : i32
      %dma_wait3A_133 = tpu.memref_slice %arg13[%mul3A_99, %dma_wait3A] : memref<2688x128xf32, #tpu.memory_space<vmem_shared>> -> memref<168x128xf32, #tpu.memory_space<vmem_shared>>
      %dma_wait3A_134 = arith.constant 0 : i32
      %dma_wait3A_135 = tpu.memref_slice %arg13[%mul3A_99, %dma_wait3A_134] : memref<2688x128xf32, #tpu.memory_space<vmem_shared>> -> memref<168x128xf32, #tpu.memory_space<vmem_shared>>
      tpu.wait_dma2 semaphore(%run_scoped3A : memref<!tpu.dma_semaphore, #tpu.memory_space<semaphore_mem>>) src(%arg12 : memref<168x128xf32, #tpu.memory_space<vmem>>) dst(%dma_wait3A_135 : memref<168x128xf32, #tpu.memory_space<vmem_shared>>)
      tpu.yield
    }) : () -> ()
    %mul3A_100 = arith.constant 168 : i32
    %mul3A_101 = arith.muli %arg1, %mul3A_100 : i32
    "tpu.region"() ({
      %run_scoped3A = tpu.sem_alloc : memref<!tpu.dma_semaphore, #tpu.memory_space<semaphore_mem>>
      %dma_start3A = arith.constant 0 : i32
      %dma_start3A_130 = tpu.memref_slice %arg15[%mul3A_101, %dma_start3A] : memref<2688x128xf32, #tpu.memory_space<vmem_shared>> -> memref<168x128xf32, #tpu.memory_space<vmem_shared>>
      %dma_start3A_131 = arith.constant 0 : i32
      %dma_start3A_132 = tpu.memref_slice %arg15[%mul3A_101, %dma_start3A_131] : memref<2688x128xf32, #tpu.memory_space<vmem_shared>> -> memref<168x128xf32, #tpu.memory_space<vmem_shared>>
      tpu.enqueue_dma source(%arg12 : memref<168x128xf32, #tpu.memory_space<vmem>>) target(%dma_start3A_132 : memref<168x128xf32, #tpu.memory_space<vmem_shared>>) target_semaphore(%run_scoped3A : memref<!tpu.dma_semaphore, #tpu.memory_space<semaphore_mem>>)
      %dma_wait3A = arith.constant 0 : i32
      %dma_wait3A_133 = tpu.memref_slice %arg15[%mul3A_101, %dma_wait3A] : memref<2688x128xf32, #tpu.memory_space<vmem_shared>> -> memref<168x128xf32, #tpu.memory_space<vmem_shared>>
      %dma_wait3A_134 = arith.constant 0 : i32
      %dma_wait3A_135 = tpu.memref_slice %arg15[%mul3A_101, %dma_wait3A_134] : memref<2688x128xf32, #tpu.memory_space<vmem_shared>> -> memref<168x128xf32, #tpu.memory_space<vmem_shared>>
      tpu.wait_dma2 semaphore(%run_scoped3A : memref<!tpu.dma_semaphore, #tpu.memory_space<semaphore_mem>>) src(%arg12 : memref<168x128xf32, #tpu.memory_space<vmem>>) dst(%dma_wait3A_135 : memref<168x128xf32, #tpu.memory_space<vmem_shared>>)
      tpu.yield
    }) : () -> ()
    %add3A_102 = arith.constant 96 : i32
    %add3A_103 = arith.addi %add3A_102, %add3A : i32
    "tpu.region"() ({
      %run_scoped3A = tpu.sem_alloc : memref<!tpu.dma_semaphore, #tpu.memory_space<semaphore_mem>>
      %dma_start3A = arith.constant 0 : i32
      %dma_start3A_130 = arith.constant 0 : i32
      %dma_start3A_131 = tpu.memref_slice %arg4[%add3A_103, %dma_start3A, %dma_start3A_130] : memref<128x79x128xi32, #tpu.memory_space<hbm>> -> memref<1x79x128xi32, #tpu.memory_space<hbm>>
      %dma_start3A_132 = tpu.memref_squeeze %dma_start3A_131 : memref<1x79x128xi32, #tpu.memory_space<hbm>> -> memref<79x128xi32, #tpu.memory_space<hbm>>
      %dma_start3A_133 = arith.constant 0 : i32
      %dma_start3A_134 = arith.constant 0 : i32
      %dma_start3A_135 = tpu.memref_slice %arg4[%add3A_103, %dma_start3A_133, %dma_start3A_134] : memref<128x79x128xi32, #tpu.memory_space<hbm>> -> memref<1x79x128xi32, #tpu.memory_space<hbm>>
      %dma_start3A_136 = tpu.memref_squeeze %dma_start3A_135 : memref<1x79x128xi32, #tpu.memory_space<hbm>> -> memref<79x128xi32, #tpu.memory_space<hbm>>
      tpu.enqueue_dma source(%dma_start3A_136 : memref<79x128xi32, #tpu.memory_space<hbm>>) target(%arg10 : memref<79x128xi32, #tpu.memory_space<vmem>>) target_semaphore(%run_scoped3A : memref<!tpu.dma_semaphore, #tpu.memory_space<semaphore_mem>>)
      %dma_wait3A = arith.constant 0 : i32
      %dma_wait3A_137 = arith.constant 0 : i32
      %dma_wait3A_138 = tpu.memref_slice %arg4[%add3A_103, %dma_wait3A, %dma_wait3A_137] : memref<128x79x128xi32, #tpu.memory_space<hbm>> -> memref<1x79x128xi32, #tpu.memory_space<hbm>>
      %dma_wait3A_139 = tpu.memref_squeeze %dma_wait3A_138 : memref<1x79x128xi32, #tpu.memory_space<hbm>> -> memref<79x128xi32, #tpu.memory_space<hbm>>
      %dma_wait3A_140 = arith.constant 0 : i32
      %dma_wait3A_141 = arith.constant 0 : i32
      %dma_wait3A_142 = tpu.memref_slice %arg4[%add3A_103, %dma_wait3A_140, %dma_wait3A_141] : memref<128x79x128xi32, #tpu.memory_space<hbm>> -> memref<1x79x128xi32, #tpu.memory_space<hbm>>
      %dma_wait3A_143 = tpu.memref_squeeze %dma_wait3A_142 : memref<1x79x128xi32, #tpu.memory_space<hbm>> -> memref<79x128xi32, #tpu.memory_space<hbm>>
      tpu.wait_dma2 semaphore(%run_scoped3A : memref<!tpu.dma_semaphore, #tpu.memory_space<semaphore_mem>>) src(%dma_wait3A_143 : memref<79x128xi32, #tpu.memory_space<hbm>>) dst(%arg10 : memref<79x128xi32, #tpu.memory_space<vmem>>)
      tpu.yield
    }) : () -> ()
    %barrier3A_104 = arith.constant 0 : index
    tpu.barrier barrier_id(%barrier3A_104)
    %scan3A_105 = arith.constant 0 : i32
    %scan3A_106 = arith.constant 0 : i32
    %scan3A_107 = arith.constant 79 : i32
    %scan3A_108 = arith.addi %scan3A_106, %scan3A_107 : i32
    %scan3A_109 = arith.constant 1 : i32
    scf.for %scan3A_130 = %scan3A_106 to %scan3A_108 step %scan3A_109  : i32 {
      %dma_start3A = arith.constant 0 : i32
      %dma_start3A_131 = tpu.memref_slice %arg9[%scan3A_130, %dma_start3A] : memref<79x128xi32, #tpu.memory_space<vmem>> -> memref<1x128xi32, #tpu.memory_space<vmem>>
      %dma_start3A_132 = tpu.memref_squeeze %dma_start3A_131 : memref<1x128xi32, #tpu.memory_space<vmem>> -> memref<128xi32, #tpu.memory_space<vmem>>
      %dma_start3A_133 = arith.constant 0 : i32
      %dma_start3A_134 = arith.constant 0 : i32
      %dma_start3A_135 = tpu.memref_slice %arg2[%dma_start3A_133, %dma_start3A_134] : memref<10000x128xf32, #tpu.memory_space<hbm>> -> memref<10000x128xf32, #tpu.memory_space<hbm>>
      tpu.enqueue_indirect_dma source(%dma_start3A_135 : memref<10000x128xf32, #tpu.memory_space<hbm>>) target(%arg11 : memref<128x128xf32, #tpu.memory_space<vmem>>) offsets(%dma_start3A_132 : memref<128xi32, #tpu.memory_space<vmem>>) semaphore(%arg16 : memref<!tpu.dma_semaphore, #tpu.memory_space<semaphore_mem>>)
      %dma_wait3A = arith.constant 0 : i32
      %dma_wait3A_136 = tpu.memref_slice %arg9[%scan3A_130, %dma_wait3A] : memref<79x128xi32, #tpu.memory_space<vmem>> -> memref<1x128xi32, #tpu.memory_space<vmem>>
      %dma_wait3A_137 = tpu.memref_squeeze %dma_wait3A_136 : memref<1x128xi32, #tpu.memory_space<vmem>> -> memref<128xi32, #tpu.memory_space<vmem>>
      %dma_wait3A_138 = arith.constant 0 : i32
      %dma_wait3A_139 = arith.constant 0 : i32
      %dma_wait3A_140 = tpu.memref_slice %arg2[%dma_wait3A_138, %dma_wait3A_139] : memref<10000x128xf32, #tpu.memory_space<hbm>> -> memref<10000x128xf32, #tpu.memory_space<hbm>>
      tpu.wait_indirect_dma semaphore(%arg16 : memref<!tpu.dma_semaphore, #tpu.memory_space<semaphore_mem>>) src(%dma_wait3A_140 : memref<10000x128xf32, #tpu.memory_space<hbm>>) dst(%arg11 : memref<128x128xf32, #tpu.memory_space<vmem>>)
      "tpu.region"() ({
        %run_scoped3A = tpu.sem_alloc : memref<!tpu.dma_semaphore, #tpu.memory_space<semaphore_mem>>
        %dma_start3A_141 = arith.constant 0 : i32
        %dma_start3A_142 = tpu.memref_slice %arg10[%scan3A_130, %dma_start3A_141] : memref<79x128xi32, #tpu.memory_space<vmem>> -> memref<1x128xi32, #tpu.memory_space<vmem>>
        %dma_start3A_143 = tpu.memref_squeeze %dma_start3A_142 : memref<1x128xi32, #tpu.memory_space<vmem>> -> memref<128xi32, #tpu.memory_space<vmem>>
        %dma_start3A_144 = arith.constant 0 : i32
        %dma_start3A_145 = arith.constant 0 : i32
        %dma_start3A_146 = tpu.memref_slice %arg13[%dma_start3A_144, %dma_start3A_145] : memref<2688x128xf32, #tpu.memory_space<vmem_shared>> -> memref<2688x128xf32, #tpu.memory_space<vmem_shared>>
        tpu.enqueue_indirect_dma source(%arg11 : memref<128x128xf32, #tpu.memory_space<vmem>>) target(%dma_start3A_146 : memref<2688x128xf32, #tpu.memory_space<vmem_shared>>) offsets(%dma_start3A_143 : memref<128xi32, #tpu.memory_space<vmem>>) semaphore(%run_scoped3A : memref<!tpu.dma_semaphore, #tpu.memory_space<semaphore_mem>>) {add = true}
        %dma_wait3A_147 = arith.constant 0 : i32
        %dma_wait3A_148 = tpu.memref_slice %arg10[%scan3A_130, %dma_wait3A_147] : memref<79x128xi32, #tpu.memory_space<vmem>> -> memref<1x128xi32, #tpu.memory_space<vmem>>
        %dma_wait3A_149 = tpu.memref_squeeze %dma_wait3A_148 : memref<1x128xi32, #tpu.memory_space<vmem>> -> memref<128xi32, #tpu.memory_space<vmem>>
        %dma_wait3A_150 = arith.constant 0 : i32
        %dma_wait3A_151 = arith.constant 0 : i32
        %dma_wait3A_152 = tpu.memref_slice %arg13[%dma_wait3A_150, %dma_wait3A_151] : memref<2688x128xf32, #tpu.memory_space<vmem_shared>> -> memref<2688x128xf32, #tpu.memory_space<vmem_shared>>
        tpu.wait_indirect_dma semaphore(%run_scoped3A : memref<!tpu.dma_semaphore, #tpu.memory_space<semaphore_mem>>) src(%arg11 : memref<128x128xf32, #tpu.memory_space<vmem>>) dst(%dma_wait3A_152 : memref<2688x128xf32, #tpu.memory_space<vmem_shared>>)
        tpu.yield
      }) : () -> ()
      "tpu.region"() ({
        %run_scoped3A = tpu.sem_alloc : memref<!tpu.dma_semaphore, #tpu.memory_space<semaphore_mem>>
        %dma_start3A_141 = arith.constant 0 : i32
        %dma_start3A_142 = tpu.memref_slice %arg10[%scan3A_130, %dma_start3A_141] : memref<79x128xi32, #tpu.memory_space<vmem>> -> memref<1x128xi32, #tpu.memory_space<vmem>>
        %dma_start3A_143 = tpu.memref_squeeze %dma_start3A_142 : memref<1x128xi32, #tpu.memory_space<vmem>> -> memref<128xi32, #tpu.memory_space<vmem>>
        %dma_start3A_144 = arith.constant 0 : i32
        %dma_start3A_145 = arith.constant 0 : i32
        %dma_start3A_146 = tpu.memref_slice %arg15[%dma_start3A_144, %dma_start3A_145] : memref<2688x128xf32, #tpu.memory_space<vmem_shared>> -> memref<2688x128xf32, #tpu.memory_space<vmem_shared>>
        tpu.enqueue_indirect_dma source(%arg14 : memref<128x128xf32, #tpu.memory_space<vmem>>) target(%dma_start3A_146 : memref<2688x128xf32, #tpu.memory_space<vmem_shared>>) offsets(%dma_start3A_143 : memref<128xi32, #tpu.memory_space<vmem>>) semaphore(%run_scoped3A : memref<!tpu.dma_semaphore, #tpu.memory_space<semaphore_mem>>) {add = true}
        %dma_wait3A_147 = arith.constant 0 : i32
        %dma_wait3A_148 = tpu.memref_slice %arg10[%scan3A_130, %dma_wait3A_147] : memref<79x128xi32, #tpu.memory_space<vmem>> -> memref<1x128xi32, #tpu.memory_space<vmem>>
        %dma_wait3A_149 = tpu.memref_squeeze %dma_wait3A_148 : memref<1x128xi32, #tpu.memory_space<vmem>> -> memref<128xi32, #tpu.memory_space<vmem>>
        %dma_wait3A_150 = arith.constant 0 : i32
        %dma_wait3A_151 = arith.constant 0 : i32
        %dma_wait3A_152 = tpu.memref_slice %arg15[%dma_wait3A_150, %dma_wait3A_151] : memref<2688x128xf32, #tpu.memory_space<vmem_shared>> -> memref<2688x128xf32, #tpu.memory_space<vmem_shared>>
        tpu.wait_indirect_dma semaphore(%run_scoped3A : memref<!tpu.dma_semaphore, #tpu.memory_space<semaphore_mem>>) src(%arg14 : memref<128x128xf32, #tpu.memory_space<vmem>>) dst(%dma_wait3A_152 : memref<2688x128xf32, #tpu.memory_space<vmem_shared>>)
        tpu.yield
      }) : () -> ()
    }
    %scan3A_110 = arith.constant 79 : i32
    %barrier3A_111 = arith.constant 0 : index
    tpu.barrier barrier_id(%barrier3A_111)
    %mul3A_112 = arith.constant 160 : i32
    %mul3A_113 = arith.muli %arg1, %mul3A_112 : i32
    "tpu.region"() ({
      %run_scoped3A = tpu.sem_alloc : memref<!tpu.dma_semaphore, #tpu.memory_space<semaphore_mem>>
      %dma_start3A = arith.constant 0 : i32
      %dma_start3A_130 = arith.constant 0 : i32
      %dma_start3A_131 = tpu.memref_slice %arg12[%dma_start3A, %dma_start3A_130] : memref<168x128xf32, #tpu.memory_space<vmem>> -> memref<160x128xf32, #tpu.memory_space<vmem>>
      %dma_start3A_132 = arith.constant 0 : i32
      %dma_start3A_133 = tpu.memref_slice %arg13[%mul3A_113, %dma_start3A_132] : memref<2688x128xf32, #tpu.memory_space<vmem_shared>> -> memref<160x128xf32, #tpu.memory_space<vmem_shared>>
      %dma_start3A_134 = arith.constant 0 : i32
      %dma_start3A_135 = arith.constant 0 : i32
      %dma_start3A_136 = tpu.memref_slice %arg12[%dma_start3A_134, %dma_start3A_135] : memref<168x128xf32, #tpu.memory_space<vmem>> -> memref<160x128xf32, #tpu.memory_space<vmem>>
      %dma_start3A_137 = arith.constant 0 : i32
      %dma_start3A_138 = tpu.memref_slice %arg13[%mul3A_113, %dma_start3A_137] : memref<2688x128xf32, #tpu.memory_space<vmem_shared>> -> memref<160x128xf32, #tpu.memory_space<vmem_shared>>
      tpu.enqueue_dma source(%dma_start3A_138 : memref<160x128xf32, #tpu.memory_space<vmem_shared>>) target(%dma_start3A_136 : memref<160x128xf32, #tpu.memory_space<vmem>>) target_semaphore(%run_scoped3A : memref<!tpu.dma_semaphore, #tpu.memory_space<semaphore_mem>>)
      %dma_wait3A = arith.constant 0 : i32
      %dma_wait3A_139 = arith.constant 0 : i32
      %dma_wait3A_140 = tpu.memref_slice %arg12[%dma_wait3A, %dma_wait3A_139] : memref<168x128xf32, #tpu.memory_space<vmem>> -> memref<160x128xf32, #tpu.memory_space<vmem>>
      %dma_wait3A_141 = arith.constant 0 : i32
      %dma_wait3A_142 = tpu.memref_slice %arg13[%mul3A_113, %dma_wait3A_141] : memref<2688x128xf32, #tpu.memory_space<vmem_shared>> -> memref<160x128xf32, #tpu.memory_space<vmem_shared>>
      %dma_wait3A_143 = arith.constant 0 : i32
      %dma_wait3A_144 = arith.constant 0 : i32
      %dma_wait3A_145 = tpu.memref_slice %arg12[%dma_wait3A_143, %dma_wait3A_144] : memref<168x128xf32, #tpu.memory_space<vmem>> -> memref<160x128xf32, #tpu.memory_space<vmem>>
      %dma_wait3A_146 = arith.constant 0 : i32
      %dma_wait3A_147 = tpu.memref_slice %arg13[%mul3A_113, %dma_wait3A_146] : memref<2688x128xf32, #tpu.memory_space<vmem_shared>> -> memref<160x128xf32, #tpu.memory_space<vmem_shared>>
      tpu.wait_dma2 semaphore(%run_scoped3A : memref<!tpu.dma_semaphore, #tpu.memory_space<semaphore_mem>>) src(%dma_wait3A_147 : memref<160x128xf32, #tpu.memory_space<vmem_shared>>) dst(%dma_wait3A_145 : memref<160x128xf32, #tpu.memory_space<vmem>>)
      tpu.yield
    }) : () -> ()
    %mul3A_114 = arith.constant 10240 : i32
    %mul3A_115 = arith.muli %arg0, %mul3A_114 : i32
    %add3A_116 = arith.constant 7680 : i32
    %add3A_117 = arith.addi %mul3A_115, %add3A_116 : i32
    %mul3A_118 = arith.constant 160 : i32
    %mul3A_119 = arith.muli %arg1, %mul3A_118 : i32
    %add3A_120 = arith.addi %add3A_117, %mul3A_119 : i32
    "tpu.region"() ({
      %run_scoped3A = tpu.sem_alloc : memref<!tpu.dma_semaphore, #tpu.memory_space<semaphore_mem>>
      %dma_start3A = arith.constant 0 : i32
      %dma_start3A_130 = arith.constant 0 : i32
      %dma_start3A_131 = tpu.memref_slice %arg12[%dma_start3A, %dma_start3A_130] : memref<168x128xf32, #tpu.memory_space<vmem>> -> memref<160x128xf32, #tpu.memory_space<vmem>>
      %dma_start3A_132 = arith.constant 0 : i32
      %dma_start3A_133 = tpu.memref_slice %arg7[%add3A_120, %dma_start3A_132] : memref<20480x128xf32, #tpu.memory_space<hbm>> -> memref<160x128xf32, #tpu.memory_space<hbm>>
      %dma_start3A_134 = arith.constant 0 : i32
      %dma_start3A_135 = tpu.memref_slice %arg7[%add3A_120, %dma_start3A_134] : memref<20480x128xf32, #tpu.memory_space<hbm>> -> memref<160x128xf32, #tpu.memory_space<hbm>>
      %dma_start3A_136 = arith.constant 0 : i32
      %dma_start3A_137 = arith.constant 0 : i32
      %dma_start3A_138 = tpu.memref_slice %arg12[%dma_start3A_136, %dma_start3A_137] : memref<168x128xf32, #tpu.memory_space<vmem>> -> memref<160x128xf32, #tpu.memory_space<vmem>>
      tpu.enqueue_dma source(%dma_start3A_138 : memref<160x128xf32, #tpu.memory_space<vmem>>) target(%dma_start3A_135 : memref<160x128xf32, #tpu.memory_space<hbm>>) target_semaphore(%run_scoped3A : memref<!tpu.dma_semaphore, #tpu.memory_space<semaphore_mem>>)
      %dma_wait3A = arith.constant 0 : i32
      %dma_wait3A_139 = arith.constant 0 : i32
      %dma_wait3A_140 = tpu.memref_slice %arg12[%dma_wait3A, %dma_wait3A_139] : memref<168x128xf32, #tpu.memory_space<vmem>> -> memref<160x128xf32, #tpu.memory_space<vmem>>
      %dma_wait3A_141 = arith.constant 0 : i32
      %dma_wait3A_142 = tpu.memref_slice %arg7[%add3A_120, %dma_wait3A_141] : memref<20480x128xf32, #tpu.memory_space<hbm>> -> memref<160x128xf32, #tpu.memory_space<hbm>>
      %dma_wait3A_143 = arith.constant 0 : i32
      %dma_wait3A_144 = tpu.memref_slice %arg7[%add3A_120, %dma_wait3A_143] : memref<20480x128xf32, #tpu.memory_space<hbm>> -> memref<160x128xf32, #tpu.memory_space<hbm>>
      %dma_wait3A_145 = arith.constant 0 : i32
      %dma_wait3A_146 = arith.constant 0 : i32
      %dma_wait3A_147 = tpu.memref_slice %arg12[%dma_wait3A_145, %dma_wait3A_146] : memref<168x128xf32, #tpu.memory_space<vmem>> -> memref<160x128xf32, #tpu.memory_space<vmem>>
      tpu.wait_dma2 semaphore(%run_scoped3A : memref<!tpu.dma_semaphore, #tpu.memory_space<semaphore_mem>>) src(%dma_wait3A_147 : memref<160x128xf32, #tpu.memory_space<vmem>>) dst(%dma_wait3A_144 : memref<160x128xf32, #tpu.memory_space<hbm>>)
      tpu.yield
    }) : () -> ()
    %mul3A_121 = arith.constant 160 : i32
    %mul3A_122 = arith.muli %arg1, %mul3A_121 : i32
    "tpu.region"() ({
      %run_scoped3A = tpu.sem_alloc : memref<!tpu.dma_semaphore, #tpu.memory_space<semaphore_mem>>
      %dma_start3A = arith.constant 0 : i32
      %dma_start3A_130 = arith.constant 0 : i32
      %dma_start3A_131 = tpu.memref_slice %arg12[%dma_start3A, %dma_start3A_130] : memref<168x128xf32, #tpu.memory_space<vmem>> -> memref<160x128xf32, #tpu.memory_space<vmem>>
      %dma_start3A_132 = arith.constant 0 : i32
      %dma_start3A_133 = tpu.memref_slice %arg15[%mul3A_122, %dma_start3A_132] : memref<2688x128xf32, #tpu.memory_space<vmem_shared>> -> memref<160x128xf32, #tpu.memory_space<vmem_shared>>
      %dma_start3A_134 = arith.constant 0 : i32
      %dma_start3A_135 = arith.constant 0 : i32
      %dma_start3A_136 = tpu.memref_slice %arg12[%dma_start3A_134, %dma_start3A_135] : memref<168x128xf32, #tpu.memory_space<vmem>> -> memref<160x128xf32, #tpu.memory_space<vmem>>
      %dma_start3A_137 = arith.constant 0 : i32
      %dma_start3A_138 = tpu.memref_slice %arg15[%mul3A_122, %dma_start3A_137] : memref<2688x128xf32, #tpu.memory_space<vmem_shared>> -> memref<160x128xf32, #tpu.memory_space<vmem_shared>>
      tpu.enqueue_dma source(%dma_start3A_138 : memref<160x128xf32, #tpu.memory_space<vmem_shared>>) target(%dma_start3A_136 : memref<160x128xf32, #tpu.memory_space<vmem>>) target_semaphore(%run_scoped3A : memref<!tpu.dma_semaphore, #tpu.memory_space<semaphore_mem>>)
      %dma_wait3A = arith.constant 0 : i32
      %dma_wait3A_139 = arith.constant 0 : i32
      %dma_wait3A_140 = tpu.memref_slice %arg12[%dma_wait3A, %dma_wait3A_139] : memref<168x128xf32, #tpu.memory_space<vmem>> -> memref<160x128xf32, #tpu.memory_space<vmem>>
      %dma_wait3A_141 = arith.constant 0 : i32
      %dma_wait3A_142 = tpu.memref_slice %arg15[%mul3A_122, %dma_wait3A_141] : memref<2688x128xf32, #tpu.memory_space<vmem_shared>> -> memref<160x128xf32, #tpu.memory_space<vmem_shared>>
      %dma_wait3A_143 = arith.constant 0 : i32
      %dma_wait3A_144 = arith.constant 0 : i32
      %dma_wait3A_145 = tpu.memref_slice %arg12[%dma_wait3A_143, %dma_wait3A_144] : memref<168x128xf32, #tpu.memory_space<vmem>> -> memref<160x128xf32, #tpu.memory_space<vmem>>
      %dma_wait3A_146 = arith.constant 0 : i32
      %dma_wait3A_147 = tpu.memref_slice %arg15[%mul3A_122, %dma_wait3A_146] : memref<2688x128xf32, #tpu.memory_space<vmem_shared>> -> memref<160x128xf32, #tpu.memory_space<vmem_shared>>
      tpu.wait_dma2 semaphore(%run_scoped3A : memref<!tpu.dma_semaphore, #tpu.memory_space<semaphore_mem>>) src(%dma_wait3A_147 : memref<160x128xf32, #tpu.memory_space<vmem_shared>>) dst(%dma_wait3A_145 : memref<160x128xf32, #tpu.memory_space<vmem>>)
      tpu.yield
    }) : () -> ()
    %mul3A_123 = arith.constant 10240 : i32
    %mul3A_124 = arith.muli %arg0, %mul3A_123 : i32
    %add3A_125 = arith.constant 7680 : i32
    %add3A_126 = arith.addi %mul3A_124, %add3A_125 : i32
    %mul3A_127 = arith.constant 160 : i32
    %mul3A_128 = arith.muli %arg1, %mul3A_127 : i32
    %add3A_129 = arith.addi %add3A_126, %mul3A_128 : i32
    "tpu.region"() ({
      %run_scoped3A = tpu.sem_alloc : memref<!tpu.dma_semaphore, #tpu.memory_space<semaphore_mem>>
      %dma_start3A = arith.constant 0 : i32
      %dma_start3A_130 = arith.constant 0 : i32
      %dma_start3A_131 = tpu.memref_slice %arg12[%dma_start3A, %dma_start3A_130] : memref<168x128xf32, #tpu.memory_space<vmem>> -> memref<160x128xf32, #tpu.memory_space<vmem>>
      %dma_start3A_132 = arith.constant 0 : i32
      %dma_start3A_133 = tpu.memref_slice %arg8[%add3A_129, %dma_start3A_132] : memref<20480x128xf32, #tpu.memory_space<hbm>> -> memref<160x128xf32, #tpu.memory_space<hbm>>
      %dma_start3A_134 = arith.constant 0 : i32
      %dma_start3A_135 = tpu.memref_slice %arg8[%add3A_129, %dma_start3A_134] : memref<20480x128xf32, #tpu.memory_space<hbm>> -> memref<160x128xf32, #tpu.memory_space<hbm>>
      %dma_start3A_136 = arith.constant 0 : i32
      %dma_start3A_137 = arith.constant 0 : i32
      %dma_start3A_138 = tpu.memref_slice %arg12[%dma_start3A_136, %dma_start3A_137] : memref<168x128xf32, #tpu.memory_space<vmem>> -> memref<160x128xf32, #tpu.memory_space<vmem>>
      tpu.enqueue_dma source(%dma_start3A_138 : memref<160x128xf32, #tpu.memory_space<vmem>>) target(%dma_start3A_135 : memref<160x128xf32, #tpu.memory_space<hbm>>) target_semaphore(%run_scoped3A : memref<!tpu.dma_semaphore, #tpu.memory_space<semaphore_mem>>)
      %dma_wait3A = arith.constant 0 : i32
      %dma_wait3A_139 = arith.constant 0 : i32
      %dma_wait3A_140 = tpu.memref_slice %arg12[%dma_wait3A, %dma_wait3A_139] : memref<168x128xf32, #tpu.memory_space<vmem>> -> memref<160x128xf32, #tpu.memory_space<vmem>>
      %dma_wait3A_141 = arith.constant 0 : i32
      %dma_wait3A_142 = tpu.memref_slice %arg8[%add3A_129, %dma_wait3A_141] : memref<20480x128xf32, #tpu.memory_space<hbm>> -> memref<160x128xf32, #tpu.memory_space<hbm>>
      %dma_wait3A_143 = arith.constant 0 : i32
      %dma_wait3A_144 = tpu.memref_slice %arg8[%add3A_129, %dma_wait3A_143] : memref<20480x128xf32, #tpu.memory_space<hbm>> -> memref<160x128xf32, #tpu.memory_space<hbm>>
      %dma_wait3A_145 = arith.constant 0 : i32
      %dma_wait3A_146 = arith.constant 0 : i32
      %dma_wait3A_147 = tpu.memref_slice %arg12[%dma_wait3A_145, %dma_wait3A_146] : memref<168x128xf32, #tpu.memory_space<vmem>> -> memref<160x128xf32, #tpu.memory_space<vmem>>
      tpu.wait_dma2 semaphore(%run_scoped3A : memref<!tpu.dma_semaphore, #tpu.memory_space<semaphore_mem>>) src(%dma_wait3A_147 : memref<160x128xf32, #tpu.memory_space<vmem>>) dst(%dma_wait3A_144 : memref<160x128xf32, #tpu.memory_space<hbm>>)
      tpu.yield
    }) : () -> ()
    return
  }
}

module attributes {stable_mosaic.version = 14 : i64} {
  func.func @_tc_in_body(%arg0: i32, %arg1: memref<1000x128xf32, #tpu.memory_space<vmem>>, %arg2: memref<128x128xf32, #tpu.memory_space<vmem>>, %arg3: memref<1x128xf32, #tpu.memory_space<vmem>>, %arg4: memref<1x128xf32, #tpu.memory_space<vmem>>, %arg5: memref<1x128xf32, #tpu.memory_space<vmem>>, %arg6: memref<1000x128xf32, #tpu.memory_space<vmem>>, %arg7: memref<1000x128xf32, #tpu.memory_space<vmem>>) attributes {dimension_semantics = [#tpu.dimension_semantics<arbitrary>], iteration_bounds = array<i64: 10>, scalar_prefetch = 0 : i64, scratch_operands = 0 : i64, tpu.core_type = #tpu.core_type<tc>, window_params = [{transform_indices = @transform_0, window_bounds = array<i64: 1000, 128>}, {pipeline_mode = #tpu.pipeline_mode<synchronous>, transform_indices = @transform_1, window_bounds = array<i64: 128, 128>}, {pipeline_mode = #tpu.pipeline_mode<synchronous>, transform_indices = @transform_2, window_bounds = array<i64: 1, 128>}, {pipeline_mode = #tpu.pipeline_mode<synchronous>, transform_indices = @transform_3, window_bounds = array<i64: 1, 128>}, {pipeline_mode = #tpu.pipeline_mode<synchronous>, transform_indices = @transform_4, window_bounds = array<i64: 1, 128>}, {transform_indices = @transform_5, window_bounds = array<i64: 1000, 128>}, {transform_indices = @transform_6, window_bounds = array<i64: 1000, 128>}]} {
    %get3A = arith.constant 0 : index
    %get3A_0 = arith.constant 0 : index
    %get3A_1 = vector.load %arg1[%get3A, %get3A_0] : memref<1000x128xf32, #tpu.memory_space<vmem>>, vector<1000x128xf32>
    %get3A_2 = arith.constant 0 : index
    %get3A_3 = arith.constant 0 : index
    %get3A_4 = vector.load %arg2[%get3A_2, %get3A_3] : memref<128x128xf32, #tpu.memory_space<vmem>>, vector<128x128xf32>
    %dot_general3A = arith.constant dense<0.000000e+00> : vector<1000x128xf32>
    %dot_general3A_5 = tpu.matmul %get3A_1, %get3A_4, %dot_general3A {dimension_numbers = #tpu.dot_dimension_numbers<[1], [0], [0], [1], [0, 0, 1, 1], [], []>, transpose_lhs_hint = false} : vector<1000x128xf32>, vector<128x128xf32>, vector<1000x128xf32> -> vector<1000x128xf32>
    %get3A_6 = arith.constant 0 : index
    %get3A_7 = arith.constant 0 : index
    %get3A_8 = vector.load %arg3[%get3A_6, %get3A_7] : memref<1x128xf32, #tpu.memory_space<vmem>>, vector<1x128xf32>
    %add3A = vector.broadcast %get3A_8 : vector<1x128xf32> to vector<1000x128xf32>
    %add3A_9 = arith.addf %dot_general3A_5, %add3A : vector<1000x128xf32>
    %swap3A = arith.constant 0 : index
    %swap3A_10 = arith.constant 0 : index
    %swap3A_11 = vector.load %arg6[%swap3A, %swap3A_10] : memref<1000x128xf32, #tpu.memory_space<vmem>>, vector<1000x128xf32>
    tpu.vector_store %arg6[%swap3A, %swap3A_10], %add3A_9 {strides = array<i32>} : memref<1000x128xf32, #tpu.memory_space<vmem>>, vector<1000x128xf32>,
    %get3A_12 = arith.constant 0 : index
    %get3A_13 = arith.constant 0 : index
    %get3A_14 = vector.load %arg4[%get3A_12, %get3A_13] : memref<1x128xf32, #tpu.memory_space<vmem>>, vector<1x128xf32>
    %get3A_15 = arith.constant 0 : index
    %get3A_16 = arith.constant 0 : index
    %get3A_17 = vector.load %arg5[%get3A_15, %get3A_16] : memref<1x128xf32, #tpu.memory_space<vmem>>, vector<1x128xf32>
    %reduce_sum3A = arith.constant dense<0.000000e+00> : vector<1000xf32>
    %reduce_sum3A_18 = vector.multi_reduction <add>, %add3A_9, %reduce_sum3A [1] : vector<1000x128xf32> to vector<1000xf32>
    %broadcast_in_dim3A = vector.shape_cast %reduce_sum3A_18 : vector<1000xf32> to vector<1000x1xf32>
    %div3A = arith.constant 1.280000e+02 : f32
    %div3A_19 = vector.broadcast %div3A : f32 to vector<1000x1xf32>
    %div3A_20 = arith.divf %broadcast_in_dim3A, %div3A_19 : vector<1000x1xf32>
    %sub3A = vector.broadcast %div3A_20 : vector<1000x1xf32> to vector<1000x128xf32>
    %sub3A_21 = arith.subf %add3A_9, %sub3A : vector<1000x128xf32>
    %mul3A = arith.mulf %sub3A_21, %sub3A_21 : vector<1000x128xf32>
    %reduce_sum3A_22 = arith.constant dense<0.000000e+00> : vector<1000xf32>
    %reduce_sum3A_23 = vector.multi_reduction <add>, %mul3A, %reduce_sum3A_22 [1] : vector<1000x128xf32> to vector<1000xf32>
    %broadcast_in_dim3A_24 = vector.shape_cast %reduce_sum3A_23 : vector<1000xf32> to vector<1000x1xf32>
    %div3A_25 = arith.constant 1.280000e+02 : f32
    %div3A_26 = vector.broadcast %div3A_25 : f32 to vector<1000x1xf32>
    %div3A_27 = arith.divf %broadcast_in_dim3A_24, %div3A_26 : vector<1000x1xf32>
    %add3A_28 = arith.constant 9.99999974E-6 : f32
    %add3A_29 = vector.broadcast %add3A_28 : f32 to vector<1000x1xf32>
    %add3A_30 = arith.addf %div3A_27, %add3A_29 : vector<1000x1xf32>
    %sqrt3A = math.sqrt %add3A_30 : vector<1000x1xf32>
    %div3A_31 = vector.broadcast %sqrt3A : vector<1000x1xf32> to vector<1000x128xf32>
    %div3A_32 = arith.divf %sub3A_21, %div3A_31 : vector<1000x128xf32>
    %mul3A_33 = vector.broadcast %get3A_14 : vector<1x128xf32> to vector<1000x128xf32>
    %mul3A_34 = arith.mulf %div3A_32, %mul3A_33 : vector<1000x128xf32>
    %add3A_35 = vector.broadcast %get3A_17 : vector<1x128xf32> to vector<1000x128xf32>
    %add3A_36 = arith.addf %mul3A_34, %add3A_35 : vector<1000x128xf32>
    %max3A = arith.constant 0.000000e+00 : f32
    %max3A_37 = vector.broadcast %max3A : f32 to vector<1000x128xf32>
    %max3A_38 = arith.maximumf %add3A_36, %max3A_37 : vector<1000x128xf32>
    %swap3A_39 = arith.constant 0 : index
    %swap3A_40 = arith.constant 0 : index
    %swap3A_41 = vector.load %arg7[%swap3A_39, %swap3A_40] : memref<1000x128xf32, #tpu.memory_space<vmem>>, vector<1000x128xf32>
    tpu.vector_store %arg7[%swap3A_39, %swap3A_40], %max3A_38 {strides = array<i32>} : memref<1000x128xf32, #tpu.memory_space<vmem>>, vector<1000x128xf32>,
    return
  }
  func.func @transform_0(%arg0: i32) -> (i32, i32) {
    %c0_i32 = arith.constant 0 : i32
    %c0_i32_0 = arith.constant 0 : i32
    return %arg0, %c0_i32 : i32, i32
  }
  func.func @transform_1(%arg0: i32) -> (i32, i32) {
    %c0_i32 = arith.constant 0 : i32
    %c0_i32_0 = arith.constant 0 : i32
    %c0_i32_1 = arith.constant 0 : i32
    return %c0_i32, %c0_i32_0 : i32, i32
  }
  func.func @transform_2(%arg0: i32) -> (i32, i32) {
    %c0_i32 = arith.constant 0 : i32
    %c0_i32_0 = arith.constant 0 : i32
    %c0_i32_1 = arith.constant 0 : i32
    return %c0_i32, %c0_i32_0 : i32, i32
  }
  func.func @transform_3(%arg0: i32) -> (i32, i32) {
    %c0_i32 = arith.constant 0 : i32
    %c0_i32_0 = arith.constant 0 : i32
    %c0_i32_1 = arith.constant 0 : i32
    return %c0_i32, %c0_i32_0 : i32, i32
  }
  func.func @transform_4(%arg0: i32) -> (i32, i32) {
    %c0_i32 = arith.constant 0 : i32
    %c0_i32_0 = arith.constant 0 : i32
    %c0_i32_1 = arith.constant 0 : i32
    return %c0_i32, %c0_i32_0 : i32, i32
  }
  func.func @transform_5(%arg0: i32) -> (i32, i32) {
    %c0_i32 = arith.constant 0 : i32
    %c0_i32_0 = arith.constant 0 : i32
    return %arg0, %c0_i32 : i32, i32
  }
  func.func @transform_6(%arg0: i32) -> (i32, i32) {
    %c0_i32 = arith.constant 0 : i32
    %c0_i32_0 = arith.constant 0 : i32
    return %arg0, %c0_i32 : i32, i32
  }
}

module attributes {stable_mosaic.version = 14 : i64} {
  func.func @_tc_mid_body(%arg0: i32, %arg1: memref<1000x128xf32, #tpu.memory_space<vmem>>, %arg2: memref<1000x128xf32, #tpu.memory_space<vmem>>, %arg3: memref<1x1000x128xf32, #tpu.memory_space<vmem>>, %arg4: memref<1x1000x128xf32, #tpu.memory_space<vmem>>, %arg5: memref<1x1000x128xf32, #tpu.memory_space<vmem>>, %arg6: memref<1x1000x128xf32, #tpu.memory_space<vmem>>, %arg7: memref<128x256xf32, #tpu.memory_space<vmem>>, %arg8: memref<1x256xf32, #tpu.memory_space<vmem>>, %arg9: memref<256x128xf32, #tpu.memory_space<vmem>>, %arg10: memref<1x128xf32, #tpu.memory_space<vmem>>, %arg11: memref<1x128xf32, #tpu.memory_space<vmem>>, %arg12: memref<1x128xf32, #tpu.memory_space<vmem>>, %arg13: memref<1000x128xf32, #tpu.memory_space<vmem>>, %arg14: memref<1000x128xf32, #tpu.memory_space<vmem>>) attributes {dimension_semantics = [#tpu.dimension_semantics<arbitrary>], iteration_bounds = array<i64: 10>, scalar_prefetch = 0 : i64, scratch_operands = 0 : i64, tpu.core_type = #tpu.core_type<tc>, window_params = [{transform_indices = @transform_0, window_bounds = array<i64: 1000, 128>}, {transform_indices = @transform_1, window_bounds = array<i64: 1000, 128>}, {transform_indices = @transform_2, window_bounds = array<i64: 1, 1000, 128>}, {transform_indices = @transform_3, window_bounds = array<i64: 1, 1000, 128>}, {transform_indices = @transform_4, window_bounds = array<i64: 1, 1000, 128>}, {transform_indices = @transform_5, window_bounds = array<i64: 1, 1000, 128>}, {pipeline_mode = #tpu.pipeline_mode<synchronous>, transform_indices = @transform_6, window_bounds = array<i64: 128, 256>}, {pipeline_mode = #tpu.pipeline_mode<synchronous>, transform_indices = @transform_7, window_bounds = array<i64: 1, 256>}, {pipeline_mode = #tpu.pipeline_mode<synchronous>, transform_indices = @transform_8, window_bounds = array<i64: 256, 128>}, {pipeline_mode = #tpu.pipeline_mode<synchronous>, transform_indices = @transform_9, window_bounds = array<i64: 1, 128>}, {pipeline_mode = #tpu.pipeline_mode<synchronous>, transform_indices = @transform_10, window_bounds = array<i64: 1, 128>}, {pipeline_mode = #tpu.pipeline_mode<synchronous>, transform_indices = @transform_11, window_bounds = array<i64: 1, 128>}, {transform_indices = @transform_12, window_bounds = array<i64: 1000, 128>}, {transform_indices = @transform_13, window_bounds = array<i64: 1000, 128>}]} {
    %get3A = arith.constant 0 : index
    %get3A_0 = arith.constant 0 : index
    %get3A_1 = arith.constant 0 : index
    %get3A_2 = vector.load %arg5[%get3A, %get3A_0, %get3A_1] : memref<1x1000x128xf32, #tpu.memory_space<vmem>>, vector<1x1000x128xf32>
    %get3A_3 = vector.shape_cast %get3A_2 : vector<1x1000x128xf32> to vector<1000x128xf32>
    %slice3A = vector.extract_strided_slice %get3A_3 {offsets = [0, 0], sizes = [1000, 1], strides = [1, 1]} : vector<1000x128xf32> to vector<1000x1xf32>
    %get3A_4 = arith.constant 0 : index
    %get3A_5 = arith.constant 0 : index
    %get3A_6 = arith.constant 0 : index
    %get3A_7 = vector.load %arg6[%get3A_4, %get3A_5, %get3A_6] : memref<1x1000x128xf32, #tpu.memory_space<vmem>>, vector<1x1000x128xf32>
    %get3A_8 = vector.shape_cast %get3A_7 : vector<1x1000x128xf32> to vector<1000x128xf32>
    %slice3A_9 = vector.extract_strided_slice %get3A_8 {offsets = [0, 0], sizes = [1000, 1], strides = [1, 1]} : vector<1000x128xf32> to vector<1000x1xf32>
    %add3A = arith.addf %slice3A, %slice3A_9 : vector<1000x1xf32>
    %get3A_10 = arith.constant 0 : index
    %get3A_11 = arith.constant 0 : index
    %get3A_12 = arith.constant 0 : index
    %get3A_13 = vector.load %arg3[%get3A_10, %get3A_11, %get3A_12] : memref<1x1000x128xf32, #tpu.memory_space<vmem>>, vector<1x1000x128xf32>
    %get3A_14 = vector.shape_cast %get3A_13 : vector<1x1000x128xf32> to vector<1000x128xf32>
    %get3A_15 = arith.constant 0 : index
    %get3A_16 = arith.constant 0 : index
    %get3A_17 = arith.constant 0 : index
    %get3A_18 = vector.load %arg4[%get3A_15, %get3A_16, %get3A_17] : memref<1x1000x128xf32, #tpu.memory_space<vmem>>, vector<1x1000x128xf32>
    %get3A_19 = vector.shape_cast %get3A_18 : vector<1x1000x128xf32> to vector<1000x128xf32>
    %add3A_20 = arith.addf %get3A_14, %get3A_19 : vector<1000x128xf32>
    %mul3A = arith.constant 1.000000e-07 : f32
    %mul3A_21 = vector.broadcast %mul3A : f32 to vector<1000x1xf32>
    %mul3A_22 = arith.mulf %mul3A_21, %add3A : vector<1000x1xf32>
    %add3A_23 = vector.broadcast %mul3A_22 : vector<1000x1xf32> to vector<1000x128xf32>
    %add3A_24 = arith.addf %add3A_20, %add3A_23 : vector<1000x128xf32>
    %max3A = arith.constant 1.000000e+00 : f32
    %max3A_25 = vector.broadcast %max3A : f32 to vector<1000x1xf32>
    %max3A_26 = arith.maximumf %add3A, %max3A_25 : vector<1000x1xf32>
    %div3A = vector.broadcast %max3A_26 : vector<1000x1xf32> to vector<1000x128xf32>
    %div3A_27 = arith.divf %add3A_24, %div3A : vector<1000x128xf32>
    %get3A_28 = arith.constant 0 : index
    %get3A_29 = arith.constant 0 : index
    %get3A_30 = vector.load %arg2[%get3A_28, %get3A_29] : memref<1000x128xf32, #tpu.memory_space<vmem>>, vector<1000x128xf32>
    %add3A_31 = arith.addf %get3A_30, %div3A_27 : vector<1000x128xf32>
    %get3A_32 = arith.constant 0 : index
    %get3A_33 = arith.constant 0 : index
    %get3A_34 = vector.load %arg7[%get3A_32, %get3A_33] : memref<128x256xf32, #tpu.memory_space<vmem>>, vector<128x256xf32>
    %dot_general3A = arith.constant dense<0.000000e+00> : vector<1000x256xf32>
    %dot_general3A_35 = tpu.matmul %add3A_31, %get3A_34, %dot_general3A {dimension_numbers = #tpu.dot_dimension_numbers<[1], [0], [0], [1], [0, 0, 1, 1], [], []>, transpose_lhs_hint = false} : vector<1000x128xf32>, vector<128x256xf32>, vector<1000x256xf32> -> vector<1000x256xf32>
    %get3A_36 = arith.constant 0 : index
    %get3A_37 = arith.constant 0 : index
    %get3A_38 = vector.load %arg8[%get3A_36, %get3A_37] : memref<1x256xf32, #tpu.memory_space<vmem>>, vector<1x256xf32>
    %add3A_39 = vector.broadcast %get3A_38 : vector<1x256xf32> to vector<1000x256xf32>
    %add3A_40 = arith.addf %dot_general3A_35, %add3A_39 : vector<1000x256xf32>
    %max3A_41 = arith.constant 0.000000e+00 : f32
    %max3A_42 = vector.broadcast %max3A_41 : f32 to vector<1000x256xf32>
    %max3A_43 = arith.maximumf %add3A_40, %max3A_42 : vector<1000x256xf32>
    %get3A_44 = arith.constant 0 : index
    %get3A_45 = arith.constant 0 : index
    %get3A_46 = vector.load %arg9[%get3A_44, %get3A_45] : memref<256x128xf32, #tpu.memory_space<vmem>>, vector<256x128xf32>
    %dot_general3A_47 = arith.constant dense<0.000000e+00> : vector<1000x128xf32>
    %dot_general3A_48 = tpu.matmul %max3A_43, %get3A_46, %dot_general3A_47 {dimension_numbers = #tpu.dot_dimension_numbers<[1], [0], [0], [1], [0, 0, 1, 1], [], []>, transpose_lhs_hint = false} : vector<1000x256xf32>, vector<256x128xf32>, vector<1000x128xf32> -> vector<1000x128xf32>
    %get3A_49 = arith.constant 0 : index
    %get3A_50 = arith.constant 0 : index
    %get3A_51 = vector.load %arg10[%get3A_49, %get3A_50] : memref<1x128xf32, #tpu.memory_space<vmem>>, vector<1x128xf32>
    %add3A_52 = vector.broadcast %get3A_51 : vector<1x128xf32> to vector<1000x128xf32>
    %add3A_53 = arith.addf %dot_general3A_48, %add3A_52 : vector<1000x128xf32>
    %get3A_54 = arith.constant 0 : index
    %get3A_55 = arith.constant 0 : index
    %get3A_56 = vector.load %arg1[%get3A_54, %get3A_55] : memref<1000x128xf32, #tpu.memory_space<vmem>>, vector<1000x128xf32>
    %add3A_57 = arith.addf %get3A_56, %add3A_53 : vector<1000x128xf32>
    %swap3A = arith.constant 0 : index
    %swap3A_58 = arith.constant 0 : index
    %swap3A_59 = vector.load %arg13[%swap3A, %swap3A_58] : memref<1000x128xf32, #tpu.memory_space<vmem>>, vector<1000x128xf32>
    tpu.vector_store %arg13[%swap3A, %swap3A_58], %add3A_57 {strides = array<i32>} : memref<1000x128xf32, #tpu.memory_space<vmem>>, vector<1000x128xf32>,
    %get3A_60 = arith.constant 0 : index
    %get3A_61 = arith.constant 0 : index
    %get3A_62 = vector.load %arg11[%get3A_60, %get3A_61] : memref<1x128xf32, #tpu.memory_space<vmem>>, vector<1x128xf32>
    %get3A_63 = arith.constant 0 : index
    %get3A_64 = arith.constant 0 : index
    %get3A_65 = vector.load %arg12[%get3A_63, %get3A_64] : memref<1x128xf32, #tpu.memory_space<vmem>>, vector<1x128xf32>
    %reduce_sum3A = arith.constant dense<0.000000e+00> : vector<1000xf32>
    %reduce_sum3A_66 = vector.multi_reduction <add>, %add3A_57, %reduce_sum3A [1] : vector<1000x128xf32> to vector<1000xf32>
    %broadcast_in_dim3A = vector.shape_cast %reduce_sum3A_66 : vector<1000xf32> to vector<1000x1xf32>
    %div3A_67 = arith.constant 1.280000e+02 : f32
    %div3A_68 = vector.broadcast %div3A_67 : f32 to vector<1000x1xf32>
    %div3A_69 = arith.divf %broadcast_in_dim3A, %div3A_68 : vector<1000x1xf32>
    %sub3A = vector.broadcast %div3A_69 : vector<1000x1xf32> to vector<1000x128xf32>
    %sub3A_70 = arith.subf %add3A_57, %sub3A : vector<1000x128xf32>
    %mul3A_71 = arith.mulf %sub3A_70, %sub3A_70 : vector<1000x128xf32>
    %reduce_sum3A_72 = arith.constant dense<0.000000e+00> : vector<1000xf32>
    %reduce_sum3A_73 = vector.multi_reduction <add>, %mul3A_71, %reduce_sum3A_72 [1] : vector<1000x128xf32> to vector<1000xf32>
    %broadcast_in_dim3A_74 = vector.shape_cast %reduce_sum3A_73 : vector<1000xf32> to vector<1000x1xf32>
    %div3A_75 = arith.constant 1.280000e+02 : f32
    %div3A_76 = vector.broadcast %div3A_75 : f32 to vector<1000x1xf32>
    %div3A_77 = arith.divf %broadcast_in_dim3A_74, %div3A_76 : vector<1000x1xf32>
    %add3A_78 = arith.constant 9.99999974E-6 : f32
    %add3A_79 = vector.broadcast %add3A_78 : f32 to vector<1000x1xf32>
    %add3A_80 = arith.addf %div3A_77, %add3A_79 : vector<1000x1xf32>
    %sqrt3A = math.sqrt %add3A_80 : vector<1000x1xf32>
    %div3A_81 = vector.broadcast %sqrt3A : vector<1000x1xf32> to vector<1000x128xf32>
    %div3A_82 = arith.divf %sub3A_70, %div3A_81 : vector<1000x128xf32>
    %mul3A_83 = vector.broadcast %get3A_62 : vector<1x128xf32> to vector<1000x128xf32>
    %mul3A_84 = arith.mulf %div3A_82, %mul3A_83 : vector<1000x128xf32>
    %add3A_85 = vector.broadcast %get3A_65 : vector<1x128xf32> to vector<1000x128xf32>
    %add3A_86 = arith.addf %mul3A_84, %add3A_85 : vector<1000x128xf32>
    %max3A_87 = arith.constant 0.000000e+00 : f32
    %max3A_88 = vector.broadcast %max3A_87 : f32 to vector<1000x128xf32>
    %max3A_89 = arith.maximumf %add3A_86, %max3A_88 : vector<1000x128xf32>
    %swap3A_90 = arith.constant 0 : index
    %swap3A_91 = arith.constant 0 : index
    %swap3A_92 = vector.load %arg14[%swap3A_90, %swap3A_91] : memref<1000x128xf32, #tpu.memory_space<vmem>>, vector<1000x128xf32>
    tpu.vector_store %arg14[%swap3A_90, %swap3A_91], %max3A_89 {strides = array<i32>} : memref<1000x128xf32, #tpu.memory_space<vmem>>, vector<1000x128xf32>,
    return
  }
  func.func @transform_0(%arg0: i32) -> (i32, i32) {
    %c0_i32 = arith.constant 0 : i32
    %c0_i32_0 = arith.constant 0 : i32
    return %arg0, %c0_i32 : i32, i32
  }
  func.func @transform_1(%arg0: i32) -> (i32, i32) {
    %c0_i32 = arith.constant 0 : i32
    %c0_i32_0 = arith.constant 0 : i32
    return %arg0, %c0_i32 : i32, i32
  }
  func.func @transform_2(%arg0: i32) -> (i32, i32, i32) {
    %c0_i32 = arith.constant 0 : i32
    %c0_i32_0 = arith.constant 0 : i32
    %c0_i32_1 = arith.constant 0 : i32
    return %c0_i32, %arg0, %c0_i32_0 : i32, i32, i32
  }
  func.func @transform_3(%arg0: i32) -> (i32, i32, i32) {
    %c1_i32 = arith.constant 1 : i32
    %c0_i32 = arith.constant 0 : i32
    %c0_i32_0 = arith.constant 0 : i32
    return %c1_i32, %arg0, %c0_i32 : i32, i32, i32
  }
  func.func @transform_4(%arg0: i32) -> (i32, i32, i32) {
    %c0_i32 = arith.constant 0 : i32
    %c0_i32_0 = arith.constant 0 : i32
    %c0_i32_1 = arith.constant 0 : i32
    return %c0_i32, %arg0, %c0_i32_0 : i32, i32, i32
  }
  func.func @transform_5(%arg0: i32) -> (i32, i32, i32) {
    %c1_i32 = arith.constant 1 : i32
    %c0_i32 = arith.constant 0 : i32
    %c0_i32_0 = arith.constant 0 : i32
    return %c1_i32, %arg0, %c0_i32 : i32, i32, i32
  }
  func.func @transform_6(%arg0: i32) -> (i32, i32) {
    %c0_i32 = arith.constant 0 : i32
    %c0_i32_0 = arith.constant 0 : i32
    %c0_i32_1 = arith.constant 0 : i32
    return %c0_i32, %c0_i32_0 : i32, i32
  }
  func.func @transform_7(%arg0: i32) -> (i32, i32) {
    %c0_i32 = arith.constant 0 : i32
    %c0_i32_0 = arith.constant 0 : i32
    %c0_i32_1 = arith.constant 0 : i32
    return %c0_i32, %c0_i32_0 : i32, i32
  }
  func.func @transform_8(%arg0: i32) -> (i32, i32) {
    %c0_i32 = arith.constant 0 : i32
    %c0_i32_0 = arith.constant 0 : i32
    %c0_i32_1 = arith.constant 0 : i32
    return %c0_i32, %c0_i32_0 : i32, i32
  }
  func.func @transform_9(%arg0: i32) -> (i32, i32) {
    %c0_i32 = arith.constant 0 : i32
    %c0_i32_0 = arith.constant 0 : i32
    %c0_i32_1 = arith.constant 0 : i32
    return %c0_i32, %c0_i32_0 : i32, i32
  }
  func.func @transform_10(%arg0: i32) -> (i32, i32) {
    %c0_i32 = arith.constant 0 : i32
    %c0_i32_0 = arith.constant 0 : i32
    %c0_i32_1 = arith.constant 0 : i32
    return %c0_i32, %c0_i32_0 : i32, i32
  }
  func.func @transform_11(%arg0: i32) -> (i32, i32) {
    %c0_i32 = arith.constant 0 : i32
    %c0_i32_0 = arith.constant 0 : i32
    %c0_i32_1 = arith.constant 0 : i32
    return %c0_i32, %c0_i32_0 : i32, i32
  }
  func.func @transform_12(%arg0: i32) -> (i32, i32) {
    %c0_i32 = arith.constant 0 : i32
    %c0_i32_0 = arith.constant 0 : i32
    return %arg0, %c0_i32 : i32, i32
  }
  func.func @transform_13(%arg0: i32) -> (i32, i32) {
    %c0_i32 = arith.constant 0 : i32
    %c0_i32_0 = arith.constant 0 : i32
    return %arg0, %c0_i32 : i32, i32
  }
}

module attributes {stable_mosaic.version = 14 : i64} {
  func.func @_tc_mid_body(%arg0: i32, %arg1: memref<1000x128xf32, #tpu.memory_space<vmem>>, %arg2: memref<1000x128xf32, #tpu.memory_space<vmem>>, %arg3: memref<1x1000x128xf32, #tpu.memory_space<vmem>>, %arg4: memref<1x1000x128xf32, #tpu.memory_space<vmem>>, %arg5: memref<1x1000x128xf32, #tpu.memory_space<vmem>>, %arg6: memref<1x1000x128xf32, #tpu.memory_space<vmem>>, %arg7: memref<128x256xf32, #tpu.memory_space<vmem>>, %arg8: memref<1x256xf32, #tpu.memory_space<vmem>>, %arg9: memref<256x128xf32, #tpu.memory_space<vmem>>, %arg10: memref<1x128xf32, #tpu.memory_space<vmem>>, %arg11: memref<1x128xf32, #tpu.memory_space<vmem>>, %arg12: memref<1x128xf32, #tpu.memory_space<vmem>>, %arg13: memref<1000x128xf32, #tpu.memory_space<vmem>>, %arg14: memref<1000x128xf32, #tpu.memory_space<vmem>>) attributes {dimension_semantics = [#tpu.dimension_semantics<arbitrary>], iteration_bounds = array<i64: 10>, scalar_prefetch = 0 : i64, scratch_operands = 0 : i64, tpu.core_type = #tpu.core_type<tc>, window_params = [{transform_indices = @transform_0, window_bounds = array<i64: 1000, 128>}, {transform_indices = @transform_1, window_bounds = array<i64: 1000, 128>}, {transform_indices = @transform_2, window_bounds = array<i64: 1, 1000, 128>}, {transform_indices = @transform_3, window_bounds = array<i64: 1, 1000, 128>}, {transform_indices = @transform_4, window_bounds = array<i64: 1, 1000, 128>}, {transform_indices = @transform_5, window_bounds = array<i64: 1, 1000, 128>}, {pipeline_mode = #tpu.pipeline_mode<synchronous>, transform_indices = @transform_6, window_bounds = array<i64: 128, 256>}, {pipeline_mode = #tpu.pipeline_mode<synchronous>, transform_indices = @transform_7, window_bounds = array<i64: 1, 256>}, {pipeline_mode = #tpu.pipeline_mode<synchronous>, transform_indices = @transform_8, window_bounds = array<i64: 256, 128>}, {pipeline_mode = #tpu.pipeline_mode<synchronous>, transform_indices = @transform_9, window_bounds = array<i64: 1, 128>}, {pipeline_mode = #tpu.pipeline_mode<synchronous>, transform_indices = @transform_10, window_bounds = array<i64: 1, 128>}, {pipeline_mode = #tpu.pipeline_mode<synchronous>, transform_indices = @transform_11, window_bounds = array<i64: 1, 128>}, {transform_indices = @transform_12, window_bounds = array<i64: 1000, 128>}, {transform_indices = @transform_13, window_bounds = array<i64: 1000, 128>}]} {
    %get3A = arith.constant 0 : index
    %get3A_0 = arith.constant 0 : index
    %get3A_1 = arith.constant 0 : index
    %get3A_2 = vector.load %arg5[%get3A, %get3A_0, %get3A_1] : memref<1x1000x128xf32, #tpu.memory_space<vmem>>, vector<1x1000x128xf32>
    %get3A_3 = vector.shape_cast %get3A_2 : vector<1x1000x128xf32> to vector<1000x128xf32>
    %slice3A = vector.extract_strided_slice %get3A_3 {offsets = [0, 0], sizes = [1000, 1], strides = [1, 1]} : vector<1000x128xf32> to vector<1000x1xf32>
    %get3A_4 = arith.constant 0 : index
    %get3A_5 = arith.constant 0 : index
    %get3A_6 = arith.constant 0 : index
    %get3A_7 = vector.load %arg6[%get3A_4, %get3A_5, %get3A_6] : memref<1x1000x128xf32, #tpu.memory_space<vmem>>, vector<1x1000x128xf32>
    %get3A_8 = vector.shape_cast %get3A_7 : vector<1x1000x128xf32> to vector<1000x128xf32>
    %slice3A_9 = vector.extract_strided_slice %get3A_8 {offsets = [0, 0], sizes = [1000, 1], strides = [1, 1]} : vector<1000x128xf32> to vector<1000x1xf32>
    %add3A = arith.addf %slice3A, %slice3A_9 : vector<1000x1xf32>
    %get3A_10 = arith.constant 0 : index
    %get3A_11 = arith.constant 0 : index
    %get3A_12 = arith.constant 0 : index
    %get3A_13 = vector.load %arg3[%get3A_10, %get3A_11, %get3A_12] : memref<1x1000x128xf32, #tpu.memory_space<vmem>>, vector<1x1000x128xf32>
    %get3A_14 = vector.shape_cast %get3A_13 : vector<1x1000x128xf32> to vector<1000x128xf32>
    %get3A_15 = arith.constant 0 : index
    %get3A_16 = arith.constant 0 : index
    %get3A_17 = arith.constant 0 : index
    %get3A_18 = vector.load %arg4[%get3A_15, %get3A_16, %get3A_17] : memref<1x1000x128xf32, #tpu.memory_space<vmem>>, vector<1x1000x128xf32>
    %get3A_19 = vector.shape_cast %get3A_18 : vector<1x1000x128xf32> to vector<1000x128xf32>
    %add3A_20 = arith.addf %get3A_14, %get3A_19 : vector<1000x128xf32>
    %mul3A = arith.constant 1.000000e-07 : f32
    %mul3A_21 = vector.broadcast %mul3A : f32 to vector<1000x1xf32>
    %mul3A_22 = arith.mulf %mul3A_21, %add3A : vector<1000x1xf32>
    %add3A_23 = vector.broadcast %mul3A_22 : vector<1000x1xf32> to vector<1000x128xf32>
    %add3A_24 = arith.addf %add3A_20, %add3A_23 : vector<1000x128xf32>
    %max3A = arith.constant 1.000000e+00 : f32
    %max3A_25 = vector.broadcast %max3A : f32 to vector<1000x1xf32>
    %max3A_26 = arith.maximumf %add3A, %max3A_25 : vector<1000x1xf32>
    %div3A = vector.broadcast %max3A_26 : vector<1000x1xf32> to vector<1000x128xf32>
    %div3A_27 = arith.divf %add3A_24, %div3A : vector<1000x128xf32>
    %get3A_28 = arith.constant 0 : index
    %get3A_29 = arith.constant 0 : index
    %get3A_30 = vector.load %arg2[%get3A_28, %get3A_29] : memref<1000x128xf32, #tpu.memory_space<vmem>>, vector<1000x128xf32>
    %add3A_31 = arith.addf %get3A_30, %div3A_27 : vector<1000x128xf32>
    %get3A_32 = arith.constant 0 : index
    %get3A_33 = arith.constant 0 : index
    %get3A_34 = vector.load %arg7[%get3A_32, %get3A_33] : memref<128x256xf32, #tpu.memory_space<vmem>>, vector<128x256xf32>
    %dot_general3A = arith.constant dense<0.000000e+00> : vector<1000x256xf32>
    %dot_general3A_35 = tpu.matmul %add3A_31, %get3A_34, %dot_general3A {dimension_numbers = #tpu.dot_dimension_numbers<[1], [0], [0], [1], [0, 0, 1, 1], [], []>, transpose_lhs_hint = false} : vector<1000x128xf32>, vector<128x256xf32>, vector<1000x256xf32> -> vector<1000x256xf32>
    %get3A_36 = arith.constant 0 : index
    %get3A_37 = arith.constant 0 : index
    %get3A_38 = vector.load %arg8[%get3A_36, %get3A_37] : memref<1x256xf32, #tpu.memory_space<vmem>>, vector<1x256xf32>
    %add3A_39 = vector.broadcast %get3A_38 : vector<1x256xf32> to vector<1000x256xf32>
    %add3A_40 = arith.addf %dot_general3A_35, %add3A_39 : vector<1000x256xf32>
    %max3A_41 = arith.constant 0.000000e+00 : f32
    %max3A_42 = vector.broadcast %max3A_41 : f32 to vector<1000x256xf32>
    %max3A_43 = arith.maximumf %add3A_40, %max3A_42 : vector<1000x256xf32>
    %get3A_44 = arith.constant 0 : index
    %get3A_45 = arith.constant 0 : index
    %get3A_46 = vector.load %arg9[%get3A_44, %get3A_45] : memref<256x128xf32, #tpu.memory_space<vmem>>, vector<256x128xf32>
    %dot_general3A_47 = arith.constant dense<0.000000e+00> : vector<1000x128xf32>
    %dot_general3A_48 = tpu.matmul %max3A_43, %get3A_46, %dot_general3A_47 {dimension_numbers = #tpu.dot_dimension_numbers<[1], [0], [0], [1], [0, 0, 1, 1], [], []>, transpose_lhs_hint = false} : vector<1000x256xf32>, vector<256x128xf32>, vector<1000x128xf32> -> vector<1000x128xf32>
    %get3A_49 = arith.constant 0 : index
    %get3A_50 = arith.constant 0 : index
    %get3A_51 = vector.load %arg10[%get3A_49, %get3A_50] : memref<1x128xf32, #tpu.memory_space<vmem>>, vector<1x128xf32>
    %add3A_52 = vector.broadcast %get3A_51 : vector<1x128xf32> to vector<1000x128xf32>
    %add3A_53 = arith.addf %dot_general3A_48, %add3A_52 : vector<1000x128xf32>
    %get3A_54 = arith.constant 0 : index
    %get3A_55 = arith.constant 0 : index
    %get3A_56 = vector.load %arg1[%get3A_54, %get3A_55] : memref<1000x128xf32, #tpu.memory_space<vmem>>, vector<1000x128xf32>
    %add3A_57 = arith.addf %get3A_56, %add3A_53 : vector<1000x128xf32>
    %swap3A = arith.constant 0 : index
    %swap3A_58 = arith.constant 0 : index
    %swap3A_59 = vector.load %arg13[%swap3A, %swap3A_58] : memref<1000x128xf32, #tpu.memory_space<vmem>>, vector<1000x128xf32>
    tpu.vector_store %arg13[%swap3A, %swap3A_58], %add3A_57 {strides = array<i32>} : memref<1000x128xf32, #tpu.memory_space<vmem>>, vector<1000x128xf32>,
    %get3A_60 = arith.constant 0 : index
    %get3A_61 = arith.constant 0 : index
    %get3A_62 = vector.load %arg11[%get3A_60, %get3A_61] : memref<1x128xf32, #tpu.memory_space<vmem>>, vector<1x128xf32>
    %get3A_63 = arith.constant 0 : index
    %get3A_64 = arith.constant 0 : index
    %get3A_65 = vector.load %arg12[%get3A_63, %get3A_64] : memref<1x128xf32, #tpu.memory_space<vmem>>, vector<1x128xf32>
    %reduce_sum3A = arith.constant dense<0.000000e+00> : vector<1000xf32>
    %reduce_sum3A_66 = vector.multi_reduction <add>, %add3A_57, %reduce_sum3A [1] : vector<1000x128xf32> to vector<1000xf32>
    %broadcast_in_dim3A = vector.shape_cast %reduce_sum3A_66 : vector<1000xf32> to vector<1000x1xf32>
    %div3A_67 = arith.constant 1.280000e+02 : f32
    %div3A_68 = vector.broadcast %div3A_67 : f32 to vector<1000x1xf32>
    %div3A_69 = arith.divf %broadcast_in_dim3A, %div3A_68 : vector<1000x1xf32>
    %sub3A = vector.broadcast %div3A_69 : vector<1000x1xf32> to vector<1000x128xf32>
    %sub3A_70 = arith.subf %add3A_57, %sub3A : vector<1000x128xf32>
    %mul3A_71 = arith.mulf %sub3A_70, %sub3A_70 : vector<1000x128xf32>
    %reduce_sum3A_72 = arith.constant dense<0.000000e+00> : vector<1000xf32>
    %reduce_sum3A_73 = vector.multi_reduction <add>, %mul3A_71, %reduce_sum3A_72 [1] : vector<1000x128xf32> to vector<1000xf32>
    %broadcast_in_dim3A_74 = vector.shape_cast %reduce_sum3A_73 : vector<1000xf32> to vector<1000x1xf32>
    %div3A_75 = arith.constant 1.280000e+02 : f32
    %div3A_76 = vector.broadcast %div3A_75 : f32 to vector<1000x1xf32>
    %div3A_77 = arith.divf %broadcast_in_dim3A_74, %div3A_76 : vector<1000x1xf32>
    %add3A_78 = arith.constant 9.99999974E-6 : f32
    %add3A_79 = vector.broadcast %add3A_78 : f32 to vector<1000x1xf32>
    %add3A_80 = arith.addf %div3A_77, %add3A_79 : vector<1000x1xf32>
    %sqrt3A = math.sqrt %add3A_80 : vector<1000x1xf32>
    %div3A_81 = vector.broadcast %sqrt3A : vector<1000x1xf32> to vector<1000x128xf32>
    %div3A_82 = arith.divf %sub3A_70, %div3A_81 : vector<1000x128xf32>
    %mul3A_83 = vector.broadcast %get3A_62 : vector<1x128xf32> to vector<1000x128xf32>
    %mul3A_84 = arith.mulf %div3A_82, %mul3A_83 : vector<1000x128xf32>
    %add3A_85 = vector.broadcast %get3A_65 : vector<1x128xf32> to vector<1000x128xf32>
    %add3A_86 = arith.addf %mul3A_84, %add3A_85 : vector<1000x128xf32>
    %max3A_87 = arith.constant 0.000000e+00 : f32
    %max3A_88 = vector.broadcast %max3A_87 : f32 to vector<1000x128xf32>
    %max3A_89 = arith.maximumf %add3A_86, %max3A_88 : vector<1000x128xf32>
    %swap3A_90 = arith.constant 0 : index
    %swap3A_91 = arith.constant 0 : index
    %swap3A_92 = vector.load %arg14[%swap3A_90, %swap3A_91] : memref<1000x128xf32, #tpu.memory_space<vmem>>, vector<1000x128xf32>
    tpu.vector_store %arg14[%swap3A_90, %swap3A_91], %max3A_89 {strides = array<i32>} : memref<1000x128xf32, #tpu.memory_space<vmem>>, vector<1000x128xf32>,
    return
  }
  func.func @transform_0(%arg0: i32) -> (i32, i32) {
    %c0_i32 = arith.constant 0 : i32
    %c0_i32_0 = arith.constant 0 : i32
    return %arg0, %c0_i32 : i32, i32
  }
  func.func @transform_1(%arg0: i32) -> (i32, i32) {
    %c0_i32 = arith.constant 0 : i32
    %c0_i32_0 = arith.constant 0 : i32
    return %arg0, %c0_i32 : i32, i32
  }
  func.func @transform_2(%arg0: i32) -> (i32, i32, i32) {
    %c0_i32 = arith.constant 0 : i32
    %c0_i32_0 = arith.constant 0 : i32
    %c0_i32_1 = arith.constant 0 : i32
    return %c0_i32, %arg0, %c0_i32_0 : i32, i32, i32
  }
  func.func @transform_3(%arg0: i32) -> (i32, i32, i32) {
    %c1_i32 = arith.constant 1 : i32
    %c0_i32 = arith.constant 0 : i32
    %c0_i32_0 = arith.constant 0 : i32
    return %c1_i32, %arg0, %c0_i32 : i32, i32, i32
  }
  func.func @transform_4(%arg0: i32) -> (i32, i32, i32) {
    %c0_i32 = arith.constant 0 : i32
    %c0_i32_0 = arith.constant 0 : i32
    %c0_i32_1 = arith.constant 0 : i32
    return %c0_i32, %arg0, %c0_i32_0 : i32, i32, i32
  }
  func.func @transform_5(%arg0: i32) -> (i32, i32, i32) {
    %c1_i32 = arith.constant 1 : i32
    %c0_i32 = arith.constant 0 : i32
    %c0_i32_0 = arith.constant 0 : i32
    return %c1_i32, %arg0, %c0_i32 : i32, i32, i32
  }
  func.func @transform_6(%arg0: i32) -> (i32, i32) {
    %c0_i32 = arith.constant 0 : i32
    %c0_i32_0 = arith.constant 0 : i32
    %c0_i32_1 = arith.constant 0 : i32
    return %c0_i32, %c0_i32_0 : i32, i32
  }
  func.func @transform_7(%arg0: i32) -> (i32, i32) {
    %c0_i32 = arith.constant 0 : i32
    %c0_i32_0 = arith.constant 0 : i32
    %c0_i32_1 = arith.constant 0 : i32
    return %c0_i32, %c0_i32_0 : i32, i32
  }
  func.func @transform_8(%arg0: i32) -> (i32, i32) {
    %c0_i32 = arith.constant 0 : i32
    %c0_i32_0 = arith.constant 0 : i32
    %c0_i32_1 = arith.constant 0 : i32
    return %c0_i32, %c0_i32_0 : i32, i32
  }
  func.func @transform_9(%arg0: i32) -> (i32, i32) {
    %c0_i32 = arith.constant 0 : i32
    %c0_i32_0 = arith.constant 0 : i32
    %c0_i32_1 = arith.constant 0 : i32
    return %c0_i32, %c0_i32_0 : i32, i32
  }
  func.func @transform_10(%arg0: i32) -> (i32, i32) {
    %c0_i32 = arith.constant 0 : i32
    %c0_i32_0 = arith.constant 0 : i32
    %c0_i32_1 = arith.constant 0 : i32
    return %c0_i32, %c0_i32_0 : i32, i32
  }
  func.func @transform_11(%arg0: i32) -> (i32, i32) {
    %c0_i32 = arith.constant 0 : i32
    %c0_i32_0 = arith.constant 0 : i32
    %c0_i32_1 = arith.constant 0 : i32
    return %c0_i32, %c0_i32_0 : i32, i32
  }
  func.func @transform_12(%arg0: i32) -> (i32, i32) {
    %c0_i32 = arith.constant 0 : i32
    %c0_i32_0 = arith.constant 0 : i32
    return %arg0, %c0_i32 : i32, i32
  }
  func.func @transform_13(%arg0: i32) -> (i32, i32) {
    %c0_i32 = arith.constant 0 : i32
    %c0_i32_0 = arith.constant 0 : i32
    return %arg0, %c0_i32 : i32, i32
  }
}

module attributes {stable_mosaic.version = 14 : i64} {
  func.func @_tc_pool_body(%arg0: i32, %arg1: memref<1000x128xf32, #tpu.memory_space<vmem>>, %arg2: memref<1x1x128xf32, #tpu.memory_space<vmem>>) attributes {dimension_semantics = [#tpu.dimension_semantics<arbitrary>], iteration_bounds = array<i64: 10>, scalar_prefetch = 0 : i64, scratch_operands = 0 : i64, tpu.core_type = #tpu.core_type<tc>, window_params = [{transform_indices = @transform_0, window_bounds = array<i64: 1000, 128>}, {transform_indices = @transform_1, window_bounds = array<i64: 1, 1, 128>}]} {
    %get3A = arith.constant 0 : index
    %get3A_0 = arith.constant 0 : index
    %get3A_1 = vector.load %arg1[%get3A, %get3A_0] : memref<1000x128xf32, #tpu.memory_space<vmem>>, vector<1000x128xf32>
    %reduce_sum3A = arith.constant dense<0.000000e+00> : vector<128xf32>
    %reduce_sum3A_2 = vector.multi_reduction <add>, %get3A_1, %reduce_sum3A [0] : vector<1000x128xf32> to vector<128xf32>
    %broadcast_in_dim3A = vector.shape_cast %reduce_sum3A_2 : vector<128xf32> to vector<1x128xf32>
    %mul3A = arith.constant 1.000000e-03 : f32
    %mul3A_3 = vector.broadcast %mul3A : f32 to vector<1x128xf32>
    %mul3A_4 = arith.mulf %broadcast_in_dim3A, %mul3A_3 : vector<1x128xf32>
    %broadcast_in_dim3A_5 = vector.shape_cast %mul3A_4 : vector<1x128xf32> to vector<1x1x128xf32>
    %swap3A = arith.constant 0 : index
    %swap3A_6 = arith.constant 0 : index
    %swap3A_7 = arith.constant 0 : index
    %swap3A_8 = vector.load %arg2[%swap3A, %swap3A_6, %swap3A_7] : memref<1x1x128xf32, #tpu.memory_space<vmem>>, vector<1x1x128xf32>
    tpu.vector_store %arg2[%swap3A, %swap3A_6, %swap3A_7], %broadcast_in_dim3A_5 {strides = array<i32>} : memref<1x1x128xf32, #tpu.memory_space<vmem>>, vector<1x1x128xf32>,
    return
  }
  func.func @transform_0(%arg0: i32) -> (i32, i32) {
    %c0_i32 = arith.constant 0 : i32
    %c0_i32_0 = arith.constant 0 : i32
    return %arg0, %c0_i32 : i32, i32
  }
  func.func @transform_1(%arg0: i32) -> (i32, i32, i32) {
    %c0_i32 = arith.constant 0 : i32
    %c0_i32_0 = arith.constant 0 : i32
    %c0_i32_1 = arith.constant 0 : i32
    return %arg0, %c0_i32, %c0_i32_0 : i32, i32, i32
  }
}

</mosaic_0001>

<sc_bundles>
// kernel: kernel.11.cloned.1.call-start
scs
__scs_entry_jumppad:
0x0: {  	(pc) =	sbr.rel $0x88, $3  }
0x1: {  	(tag) =	ssettag $0x0;
	lr =	simm.s32 $0x1  }
0x2: {  	[smem:$0x3F91] =	sst lr;
	_ =	strace $0xD0000000  }
0x3: {  	_ = 	snop  }
0x4: {  	_ = 	snop  }
0x5: {  	_ = 	snop  }
0x6: {  	_ = 	snop  }
0x7: {  	_ = 	snop  }
__scs_overlays_trampoline_lowered:
0x8: {  	[smem:$0x3FA0] =	sst s0  }
0x9: {  	[smem:$0x3FA1] =	sst s1  }
0xa: {  	[smem:$0x3FA2] =	sst s2  }
0xb: {  	[smem:$0x3FA3] =	sst s3  }
0xc: {  	[smem:$0x3FA4] =	sst s4  }
0xd: {  	[smem:$0x3FA5] =	sst s5  }
0xe: {  	[smem:$0x3FA6] =	sst s6  }
0xf: {  	[smem:$0x3FA7] =	sst s7  }
0x10: {  	[smem:$0x3FA8] =	sst s8  }
0x11: {  	[smem:$0x3FA9] =	sst s9;
	s0 =	simm.s32 @!p0 $0x0  }
0x12: {  	s1 =	sld [smem:$0x3F8F];
	s0 =	simm.s32 @p0 $0x1  }
0x13: {  	[smem:$0x3FAA] =	sst s0;
	s0 =	simm.s32 @!p1 $0x0  }
0x14: {  	s2 =	sld [smem:$0x3F8E];
	s0 =	simm.s32 @p1 $0x1  }
0x15: {  	[smem:$0x3FAB] =	sst s0;
	s0 =	simm.s32 @!p2 $0x0  }
0x16: {  	s3 =	sld [smem:$0x3FDB];
	s0 =	simm.s32 @p2 $0x1  }
0x17: {  	s4 =	simm.s32 $0x1BF5;
	[smem:$0x3FAD] =	sst s0  }
0x18: {  	s0 =	sld [smem:$0x3F90];
	_ =	swait.ge [sflag:s4], $0x0  }
0x19: {  	s7 =	sld [smem:$0x3F91]  }
0x1a: {  	s8 =	sadd.s32 $0xFFFFE003, lr  }
0x1b: {  	s9 =	sadd.s32 $0xFFFFFEF7, lr;
	s5 =	simm.s32 $0xFFFFFFFF;
	p2 =	slt.u32 s8, $0xFFFFF086  }
0x1c: {  	p1 =	slt.u32 s9, $0xF7A;
	s5 =	simm.s32 @!p2 $0x0  }
0x1d: {  	s5 =	simm.s32 @p1 $0x1;
	p0 =	seq.s32 s7, s2  }
0x1e: {  	s7 =	smul.u32 @!p0 $0xF7A, s2;
	p2 =	seq.s32 @!p0 s5, $0x0  }
0x1f: {  	s9 =	smul.u32 $0xF7A, s1;
	s8 =	simm.s32 @!p0 $0x1BF5;
	p2 =	por !p2, p0  }
0x20: {  	[sflag:s8] =	ssyncset.s32 @!p0 $0xFFFFF086;
	s6 =	sadd.s32 @!p0 s3, s7;
	s7 =	simm.s32 @!p0 $0x108  }
0x21: {  	s3 =	sadd.s32 s3, s9;
	s6 =	sadd.s32 @!p0 $0x88, s6;
	s7 =	simm.s32 @p2 $0x1082  }
0x22: {  	[simem:s7], [sflag:s8] =	dma.local @!p0 [hbm:s6], $0xF7A  }
0x23: {  	s9 =	sor.u32 $0xD0000000, s2;
	s6 =	simm.s32 $0x108;
	_ =	swait.ge @!p0 [sflag:s8], $0x0  }
0x24: {  	s3 =	sadd.s32 $0x88, s3;
	s6 =	simm.s32 @!p1 $0x1082;
	[sflag:s4] =	ssyncset.s32 $0xFFFFF086  }
0x25: {  	[simem:s6], [sflag:s4] =	dma.local [hbm:s3], $0xF7A  }
0x26: {  	[smem:$0x3F91] =	sst s1;
	(tag) =	ssettag s2;
	_ =	strace s9  }
0x27: {  	s1 =	sld [smem:$0x3FA1]  }
0x28: {  	s2 =	sld [smem:$0x3FA2]  }
0x29: {  	s4 =	sld [smem:$0x3FA4]  }
0x2a: {  	p0 =	seq.s32 s5, $0x0;
	s5 =	sld [smem:$0x3FA5]  }
0x2b: {  	s6 =	sld [smem:$0x3FA6]  }
0x2c: {  	s7 =	sld [smem:$0x3FA7]  }
0x2d: {  	s3 =	simm.s32 $0x108;
	s8 =	sld [smem:$0x3FA8]  }
0x2e: {  	s3 =	simm.s32 @!p0 $0x1082;
	s9 =	sld [smem:$0x3FA9]  }
0x2f: {  	lr =	sadd.s32 s0, s3;
	s0 =	sld [smem:$0x3FA0]  }
0x30: {  	s3 =	sld [smem:$0x3FA3]  }
0x31: {  	[smem:$0x3FAC] =	sst s10  }
0x32: {  	s10 =	sld [smem:$0x3FAA];
	_ =	sdelay $0x3  }
0x33: {  	p0 =	seq.s32 s10, $0x1;
	s10 =	sld [smem:$0x3FAC];
	_ =	sdelay $0x3  }
0x34: {  	[smem:$0x3FAC] =	sst s10  }
0x35: {  	s10 =	sld [smem:$0x3FAB];
	_ =	sdelay $0x3  }
0x36: {  	p1 =	seq.s32 s10, $0x1;
	s10 =	sld [smem:$0x3FAC];
	_ =	sdelay $0x3  }
0x37: {  	[smem:$0x3FAC] =	sst s10  }
0x38: {  	s10 =	sld [smem:$0x3FAD]  }
0x39: {  	_ = 	snop;
	(pc) =	sbr.ind lr, $3  }
0x3a: {  	_ = 	snop  }
0x3b: {  	_ = 	snop  }
0x3c: {  	p2 =	seq.s32 s10, $0x1;
	s10 =	sld [smem:$0x3FAC]  }
0x3d: {  	_ =	shalt  }
0x3e: {  	_ =	shalt  }
0x3f: {  	_ =	shalt  }
0x40: {  	_ =	shalt  }
0x41: {  	_ =	shalt  }
0x42: {  	_ =	shalt  }
0x43: {  	_ =	shalt  }
0x44: {  	_ =	shalt  }
0x45: {  	_ =	shalt  }
0x46: {  	_ =	shalt  }
0x47: {  	_ =	shalt  }
0x48: {  	_ =	shalt  }
0x49: {  	_ =	shalt  }
0x4a: {  	_ =	shalt  }
0x4b: {  	_ =	shalt  }
0x4c: {  	_ =	shalt  }
0x4d: {  	_ =	shalt  }
0x4e: {  	_ =	shalt  }
0x4f: {  	_ =	shalt  }
0x50: {  	_ =	shalt  }
0x51: {  	_ =	shalt  }
0x52: {  	_ =	shalt  }
0x53: {  	_ =	shalt  }
0x54: {  	_ =	shalt  }
0x55: {  	_ =	shalt  }
0x56: {  	_ =	shalt  }
0x57: {  	_ =	shalt  }
0x58: {  	_ =	shalt  }
0x59: {  	_ =	shalt  }
0x5a: {  	_ =	shalt  }
0x5b: {  	_ =	shalt  }
0x5c: {  	_ =	shalt  }
0x5d: {  	_ =	shalt  }
0x5e: {  	_ =	shalt  }
0x5f: {  	_ =	shalt  }
0x60: {  	_ =	shalt  }
0x61: {  	_ =	shalt  }
0x62: {  	_ =	shalt  }
0x63: {  	_ =	shalt  }
0x64: {  	_ =	shalt  }
0x65: {  	_ =	shalt  }
0x66: {  	_ =	shalt  }
0x67: {  	_ =	shalt  }
0x68: {  	_ =	shalt  }
0x69: {  	_ =	shalt  }
0x6a: {  	_ =	shalt  }
0x6b: {  	_ =	shalt  }
0x6c: {  	_ =	shalt  }
0x6d: {  	_ =	shalt  }
0x6e: {  	_ =	shalt  }
0x6f: {  	_ =	shalt  }
0x70: {  	_ =	shalt  }
0x71: {  	_ =	shalt  }
0x72: {  	_ =	shalt  }
0x73: {  	_ =	shalt  }
0x74: {  	_ =	shalt  }
0x75: {  	_ =	shalt  }
0x76: {  	_ =	shalt  }
0x77: {  	_ =	shalt  }
0x78: {  	_ =	shalt  }
0x79: {  	_ =	shalt  }
0x7a: {  	_ =	shalt  }
0x7b: {  	_ =	shalt  }
0x7c: {  	_ =	shalt  }
0x7d: {  	_ =	shalt  }
0x7e: {  	_ =	shalt  }
0x7f: {  	_ =	shalt  }
0x80: {  	_ =	shalt  }
0x81: {  	_ =	shalt  }
0x82: {  	_ =	shalt  }
0x83: {  	_ =	shalt  }
0x84: {  	_ =	shalt  }
0x85: {  	_ =	shalt  }
0x86: {  	_ =	shalt  }
0x87: {  	_ =	shalt  }
.Lfunc_end0:
.L_simem_size_0:
called_computation.1_lowered:
.L_overlay_start_0:
0x88: {  	s2 =	sld [smem:$0x3FD9]  }
0x89: {  	s3 =	sld [smem:$0x3FFE];
	_ =	sdelay $0x1  }
0x8a: {  	s1 =	srdreg.scid  }
0x8b: {  	s0 =	sand.u32 $0x1, s1  }
0x8c: {  	s16 =	sshll.u32 s0, $0xA;
	s2 =	sadd.s32 s3, s2  }
0x8d: {  	s2 =	sadd.s32 s2, s16  }
0x8e: {  	[smem:$0x3FB8] =	sst s2  }
0x8f: {  	_ = 	snop  }
0x90: {  	(tm) =	ssettm $0x1  }
0x91: {  	s17 =	sld [smem:$0x3FFB];
	_ =	sdelay $0x3  }
0x92: {  	_ =	strace s17  }
0x93: {  	s2 =	sld [smem:$0x3FFC];
	_ =	sdelay $0x3  }
0x94: {  	_ =	strace s2  }
0x95: {  	s2 =	sld [smem:$0x3FFD];
	_ =	sdelay $0x3  }
0x96: {  	_ =	strace s2  }
0x97: {  	_ =	strace $0x8FFFFFFF  }
0x98: {  	s18 =	sld [smem:$0x3FDB];
	_ =	sdelay $0x1  }
0x99: {  	s19 =	simm.s32 $_scs_section_size  }
0x9a: {  	s4 =	simm.s32 $_size__tile_overlayer_lowered;
	s5 =	simm.s32 $_tile_overlayer_lowered  }
0x9b: {  	s22 =	simm.s32 $0x1BFF;
	s21 =	sshll.u32 s5, $0x1;
	s2 =	sadd.s32 s19, s18  }
0x9c: {  	s6 =	simm.s32 $0x0;
	s20 =	sshll.u32 s4, $0x1;
	s4 =	sadd.s32 s21, s2  }
0x9d: {  	[timem:s6], [sflag:s22] =	dma.local [hbm:s4], s20  }
0x9e: {  	_ =	swait.ge [sflag:s22], s20  }
0x9f: {  	s3 =	ssub.s32 $0x0, s20;
	[sflag:s22] =	ssyncset.done $0x0  }
0xa0: {  	[sflag:s22] =	ssyncadd.s32 s3;
	_ =	sdelay $0x1  }
0xa1: {  	s23 =	simm.s32 $0x1B8B  }
0xa2: {  	_ =	swait.ge [sflag:s23], $0x1  }
0xa3: {  	[sflag:s23] =	ssyncset.done $0x0  }
0xa4: {  	s25 =	simm.s32 $0x1B8E;
	s24 =	sld [smem:$0x3FFE];
	[sflag:s23] =	ssyncadd.s32 $0xFFFFFFFF  }
0xa5: {  	s26 =	simm.s32 $execute0_lowered;
	[smem:$0x3FD2] =	sst s25  }
0xa6: {  	s4 =	sshll.u32 s26, $0x1;
	_ =	strace $0x80000049;
	[dreg:$0x1] =	wrdreg $0xFFFFFFFF  }
0xa7: {  	s28 =	simm.s32 $_size_execute0_lowered;
	s2 =	sadd.s32 s2, s4;
	[dreg:$0x0] =	wrdreg $0x0  }
0xa8: {  	s4 =	sshll.u32 s28, $0x1;
	[dreg:$0x2] =	wrdreg s2  }
0xa9: {  	[dreg:$0x3] =	wrdreg s4  }
0xaa: {  	[dreg:$0x4] =	wrdreg $0xC0  }
0xab: {  	_ =	task [dreg:s6], $0x5FFFF  }
0xac: {  	[dreg:$0x1] =	wrdreg $0xFFFFFFFF  }
0xad: {  	[dreg:$0x0] =	wrdreg $0x60  }
0xae: {  	[dreg:$0x2] =	wrdreg s24  }
0xaf: {  	[dreg:$0x3] =	wrdreg $0x134000  }
0xb0: {  	[dreg:$0x4] =	wrdreg $0x9  }
0xb1: {  	_ =	task.clear_ibuf [dreg:s6], $0x5FFFF;
	_ =	strace $0x90000049  }
0xb2: {  	s29 =	simm.s32 $0x9;
	_ =	strace $0x8000004B  }
0xb3: {  	_ =	swait.ge [sflag:s29], $0x1  }
0xb4: {  	[sflag:s29] =	ssyncadd.s32 $0xFFFFFFFF  }
0xb5: {  	_ =	strace $0x9000004B  }
0xb6: {  	_ =	sfence  }
0xb7: {  	s30 =	sld [smem:$0x0];
	_ =	sdelay $0x2  }
0xb8: {  	s31 =	sshll.u32 s1, $0xD;
	s1 =	sshrl.u32 s1, $0x2  }
0xb9: {  	s3 =	sand.u32 $0x4000, s31;
	s1 =	sadd.s32 s1, s30  }
0xba: {  	s0 =	sor.u32 s3, s0;
	s1 =	sshll.u32 s1, $0x11  }
0xbb: {  	s0 =	sor.u32 s1, s0  }
0xbc: {  	s0 =	sadd.s32 $0x8F2B, s0  }
0xbd: {  	[sflag:s0] =	ssyncadd.remote.s32 $0x1  }
0xbe: {  	_ =	sfence.sel $0xFFFF  }
0xbf: {  	[dreg:$0x0] =	wrdreg $0xFFFFFFFF;
	(pc) =	sbr.abs _section_cstart, $3  }
0xc0: {  	[dreg:$0x1] =	wrdreg $0xFFFFFFFF  }
0xc1: {  	_ =	task.clear_ibuf [dreg:s6], $0x2FFFF;
	_ =	strace $0x9FFFFFFF  }
0xc2: {  	(tm) =	ssettm $0x7FFFFFFF  }
0xc3: {  	_ =	shalt  }
tec
execute0_lowered:
.L_overlay_start_1:
0x0: {  	(tag) =	ssettag $0x1  }
0x1: {  	s7 =	rddreg [dreg:$0x0]  }
0x2: {  	s0 =	srdreg.scid;
	s2 =	rddreg [dreg:$0x1];
	s3 =	simm.s32 $0x0  }
0x3: {  	s16 =	simm.s32 $0x2800;
	s17 =	simm.s32 $0x80;
	s18 =	simm.s32 $0x5000  }
0x4: {  	s19 =	simm.s32 $0x1;
	s6 =	sand.u32 $0x1, s0;
	s0 =	stileid.u32  }
0x5: {  	s20 =	simm.s32 $0x0;
	[smem:$0x7FF] =	sst s3;
	s10 =	smul.u32 $0x140, s0  }
0x6: {  	s4 =	sadd.s32 $0xE400, s7;
	s13 =	sadd.s32 $0xFEA00, s7;
	s11 =	smul.u32 $0x2800, s6  }
0x7: {  	s5 =	sadd.s32 $0x35600, s7;
	s1 =	sshll.u32 s6, $0x4;
	s25 =	smul.u32 $0x29000, s0  }
0x8: {  	s6 =	ssub.s32 $0x2, s6;
	s29 =	smul.u32 $0x28000, s0;
	s8 =	sor.u32 s0, s1  }
0x9: {  	s1 =	rddreg [dreg:$0x2];
	_ =	strace $0x8000004A;
	s9 =	smul.u32 $0x500, s8  }
0xa: {  	s26 =	sshrl.u32 s6, $0x1;
	s10 =	sadd.s32 s10, s11;
	s8 =	smul.u32 $0x2800, s8  }
0xb: {  	s15 =	ssub.s32 s6, s26;
	s28 =	sshrl.u32 s25, $0x2;
	s10 =	sshll.u32 s10, $0x4  }
0xc: {  	s31 =	sshrl.u32 s29, $0x2;
	s12 =	sadd.s32 s9, s7;
	s14 =	sadd.s32 s10, s7  }
0xd: {  	s7 =	sadd.s32 s28, s2;
	s30 =	sshrl.u32 s8, $0x3;
	s8 =	sadd.s32 s13, s9  }
0xe: {  	s9 =	sadd.s32 s31, s2;
	s6 =	sadd.s32 $0x4400, s12;
	s11 =	sadd.s32 s13, s30  }
0xf: {  	s10 =	sadd.s32 $0x5DE00, s14;
	s12 =	sadd.s32 $0x71E00, s14;
	s13 =	smax.u32 s15, $0x1  }
0x10: {  	s14 =	simm.s32 $0x2;
	s15 =	simm.s32 $0x9000;
	s11 =	sadd.s32 $0xA000, s11  }
.LBB2_1:
0x11: {  	[tilespmem:s3], [sflag:$0x2] =	stream.linear.gather [hbm4b:s6+s3], $0x2780, $0x38;
	[tilespmem:$0x1D800] =	vst v63  }
0x12: {  	_ =	swait.ge [sflag:s14], $0x2780  }
0x13: {  	[sflag:s14] =	ssyncset.done $0x0  }
0x14: {  	[sflag:s14] =	ssyncadd.s32 $0xFFFFD880  }
0x15: {  	[tilespmem:s15], [sflag:$0x2] =	stream.linear.gather [hbm4b:s5+s3], $0xA400, $0x38;
	[tilespmem:$0x1D800] =	vst v63  }
0x16: {  	_ =	swait.ge [sflag:s14], $0xA400  }
0x17: {  	[sflag:s14] =	ssyncset.done $0x0  }
0x18: {  	[sflag:s14] =	ssyncadd.s32 $0xFFFF5C00  }
0x19: {  	[spmem:s7] =	stream.linear.scatter [tilespmem:s15], [sflag:$0x2], $0xA400, $0x38;
	[tilespmem:$0x1D800] =	vst v63  }
0x1a: {  	_ =	swait.ge [sflag:s14], $0xA400  }
0x1b: {  	[sflag:s14] =	ssyncset.done $0x0  }
0x1c: {  	[sflag:s14] =	ssyncadd.s32 $0xFFFF5C00  }
0x1d: {  	[tilespmem:s16], [sflag:$0x2] =	stream.linear.gather [hbm4b:s8+s3], $0x2780, $0x38;
	[tilespmem:$0x1D800] =	vst v63  }
0x1e: {  	_ =	swait.ge [sflag:s14], $0x2780  }
0x1f: {  	[sflag:s14] =	ssyncset.done $0x0  }
0x20: {  	[sflag:s14] =	ssyncadd.s32 $0xFFFFD880  }
0x21: {  	s21 =	simm.s32 $0x0;
	[bflag:$0x0] =	sbarrier.arrive $0xFFFF  }
0x22: {  	[tilespmem:s18], [sflag:$0x1] =	stream.indirect.gather [hbm4b:s4+s17], $0x80, s21, s17, $0xb8;
	[tilespmem:$0x1D800] =	vst v63  }
0x23: {  	_ =	swait.ge [sflag:s19], $0x4000  }
0x24: {  	[sflag:s19] =	ssyncset.done $0x0  }
0x25: {  	s31 =	simm.s32 $0x2800;
	[sflag:s19] =	ssyncadd.s32 $0xFFFFC000  }
0x26: {  	[spmem:s2] =	stream.indirect.scatter.add.f32 [tilespmem:s18], [sflag:$0x2], $0x80, s31, s17, $0xb8;
	[tilespmem:$0x1D800] =	vst v63  }
0x27: {  	_ =	swait.ge [sflag:s14], $0x4000  }
0x28: {  	s22 =	simm.s32 $0x400;
	s21 =	simm.s32 $0x200;
	[sflag:s14] =	ssyncset.done $0x0  }
.LBB2_2:
0x29: {  	s23 =	sshra.s32 s21, $0x2  }
0x2a: {  	[sflag:s14] =	ssyncadd.s32 $0xFFFFC000;
	s21 =	smov.u32 s22;
	s24 =	sadd.s32 $0x200, s22  }
0x2b: {  	[tilespmem:s18], [sflag:$0x1] =	stream.indirect.gather [hbm4b:s4+s17], $0x80, s23, s17, $0xb8;
	[tilespmem:$0x1D800] =	vst v63  }
0x2c: {  	p0 =	sne.s32 s22, $0x9C00;
	_ =	swait.ge [sflag:s19], $0x4000  }
.Ltmp0:
0x2d: {  	[sflag:s19] =	ssyncset.done $0x0;
	(pc) =	sbr.rel @p0 .LBB2_2-.Ltmp0, $4  }
0x2e: {  	s22 =	sadd.s32 $0x2800, s23;
	[sflag:s19] =	ssyncadd.s32 $0xFFFFC000  }
0x2f: {  	[spmem:s2] =	stream.indirect.scatter.add.f32 [tilespmem:s18], [sflag:$0x2], $0x80, s22, s17, $0xb8;
	[tilespmem:$0x1D800] =	vst v63  }
0x30: {  	_ =	swait.ge [sflag:s14], $0x4000  }
0x31: {  	s22 =	smov.u32 s24;
	[sflag:s14] =	ssyncset.done $0x0  }
0x32: {  	s21 =	sshra.s32 s21, $0x2;
	[sflag:s14] =	ssyncadd.s32 $0xFFFFC000  }
0x33: {  	[tilespmem:s18], [sflag:$0x1] =	stream.indirect.gather [hbm4b:s4+s17], $0x80, s21, s17, $0xb8;
	[tilespmem:$0x1D800] =	vst v63  }
0x34: {  	_ =	swait.ge [sflag:s19], $0x4000  }
0x35: {  	[sflag:s19] =	ssyncset.done $0x0  }
0x36: {  	s21 =	sadd.s32 $0x2800, s21;
	[sflag:s19] =	ssyncadd.s32 $0xFFFFC000  }
0x37: {  	[spmem:s2] =	stream.indirect.scatter.add.f32 [tilespmem:s18], [sflag:$0x2], $0x80, s21, s17, $0xb8;
	[tilespmem:$0x1D800] =	vst v63  }
0x38: {  	_ =	swait.ge [sflag:s14], $0x4000  }
0x39: {  	[sflag:s14] =	ssyncset.done $0x0  }
0x3a: {  	[sflag:s14] =	ssyncadd.s32 $0xFFFFC000  }
0x3b: {  	[bflag:$0x0] =	sbarrier.arrive $0xFFFF  }
0x3c: {  	[tilespmem:s15], [sflag:$0x2] =	stream.linear.gather [spmem:s9], $0xA000, $0x38;
	[tilespmem:$0x1D800] =	vst v63  }
0x3d: {  	_ =	swait.ge [sflag:s14], $0xA000  }
0x3e: {  	[sflag:s14] =	ssyncset.done $0x0  }
0x3f: {  	s29 =	simm.s32 $0x0;
	[sflag:s14] =	ssyncadd.s32 $0xFFFF6000  }
0x40: {  	[hbm4b:s10+s29] =	stream.linear.scatter [tilespmem:s15], [sflag:$0x2], $0xA000, $0x38;
	[tilespmem:$0x1D800] =	vst v63  }
0x41: {  	_ =	swait.ge [sflag:s14], $0xA000  }
0x42: {  	[sflag:s14] =	ssyncset.done $0x0  }
0x43: {  	[sflag:s14] =	ssyncadd.s32 $0xFFFF6000  }
0x44: {  	[tilespmem:s15], [sflag:$0x2] =	stream.linear.gather [hbm4b:s5+s29], $0xA400, $0x38;
	[tilespmem:$0x1D800] =	vst v63  }
0x45: {  	_ =	swait.ge [sflag:s14], $0xA400  }
0x46: {  	[sflag:s14] =	ssyncset.done $0x0  }
0x47: {  	[sflag:s14] =	ssyncadd.s32 $0xFFFF5C00  }
0x48: {  	[bflag:$0x0] =	sbarrier.arrive $0xFFFF  }
0x49: {  	[spmem:s7] =	stream.linear.scatter [tilespmem:s15], [sflag:$0x2], $0xA400, $0x38;
	[tilespmem:$0x1D800] =	vst v63  }
0x4a: {  	_ =	swait.ge [sflag:s14], $0xA400  }
0x4b: {  	[sflag:s14] =	ssyncset.done $0x0  }
0x4c: {  	[sflag:s14] =	ssyncadd.s32 $0xFFFF5C00  }
0x4d: {  	[tilespmem:s16], [sflag:$0x2] =	stream.linear.gather [hbm4b:s11+s29], $0x2780, $0x38;
	[tilespmem:$0x1D800] =	vst v63  }
0x4e: {  	_ =	swait.ge [sflag:s14], $0x2780  }
0x4f: {  	[sflag:s14] =	ssyncset.done $0x0  }
0x50: {  	[sflag:s14] =	ssyncadd.s32 $0xFFFFD880  }
0x51: {  	s30 =	simm.s32 $0x0;
	[bflag:$0x0] =	sbarrier.arrive $0xFFFF  }
0x52: {  	[tilespmem:s18], [sflag:$0x1] =	stream.indirect.gather [hbm4b:s4+s17], $0x80, s30, s17, $0xb8;
	[tilespmem:$0x1D800] =	vst v63  }
0x53: {  	_ =	swait.ge [sflag:s19], $0x4000  }
0x54: {  	[sflag:s19] =	ssyncset.done $0x0  }
0x55: {  	s31 =	simm.s32 $0x2800;
	[sflag:s19] =	ssyncadd.s32 $0xFFFFC000  }
0x56: {  	[spmem:s2] =	stream.indirect.scatter.add.f32 [tilespmem:s18], [sflag:$0x2], $0x80, s31, s17, $0xb8;
	[tilespmem:$0x1D800] =	vst v63  }
0x57: {  	_ =	swait.ge [sflag:s14], $0x4000  }
0x58: {  	s22 =	simm.s32 $0x400;
	s21 =	simm.s32 $0x200;
	[sflag:s14] =	ssyncset.done $0x0  }
.LBB2_4:
0x59: {  	s23 =	sshra.s32 s21, $0x2  }
0x5a: {  	[sflag:s14] =	ssyncadd.s32 $0xFFFFC000;
	s21 =	smov.u32 s22;
	s24 =	sadd.s32 $0x200, s22  }
0x5b: {  	[tilespmem:s18], [sflag:$0x1] =	stream.indirect.gather [hbm4b:s4+s17], $0x80, s23, s17, $0xb8;
	[tilespmem:$0x1D800] =	vst v63  }
0x5c: {  	p0 =	sne.s32 s22, $0x9C00;
	_ =	swait.ge [sflag:s19], $0x4000  }
.Ltmp1:
0x5d: {  	[sflag:s19] =	ssyncset.done $0x0;
	(pc) =	sbr.rel @p0 .LBB2_4-.Ltmp1, $4  }
0x5e: {  	s22 =	sadd.s32 $0x2800, s23;
	[sflag:s19] =	ssyncadd.s32 $0xFFFFC000  }
0x5f: {  	[spmem:s2] =	stream.indirect.scatter.add.f32 [tilespmem:s18], [sflag:$0x2], $0x80, s22, s17, $0xb8;
	[tilespmem:$0x1D800] =	vst v63  }
0x60: {  	_ =	swait.ge [sflag:s14], $0x4000  }
0x61: {  	s22 =	smov.u32 s24;
	[sflag:s14] =	ssyncset.done $0x0  }
0x62: {  	s21 =	sshra.s32 s21, $0x2;
	[sflag:s14] =	ssyncadd.s32 $0xFFFFC000  }
0x63: {  	[tilespmem:s18], [sflag:$0x1] =	stream.indirect.gather [hbm4b:s4+s17], $0x80, s21, s17, $0xb8;
	[tilespmem:$0x1D800] =	vst v63  }
0x64: {  	_ =	swait.ge [sflag:s19], $0x4000  }
0x65: {  	[sflag:s19] =	ssyncset.done $0x0  }
0x66: {  	s21 =	sadd.s32 $0x2800, s21;
	[sflag:s19] =	ssyncadd.s32 $0xFFFFC000  }
0x67: {  	[spmem:s2] =	stream.indirect.scatter.add.f32 [tilespmem:s18], [sflag:$0x2], $0x80, s21, s17, $0xb8;
	[tilespmem:$0x1D800] =	vst v63  }
0x68: {  	_ =	swait.ge [sflag:s14], $0x4000  }
0x69: {  	[sflag:s14] =	ssyncset.done $0x0  }
0x6a: {  	[sflag:s14] =	ssyncadd.s32 $0xFFFFC000  }
0x6b: {  	[bflag:$0x0] =	sbarrier.arrive $0xFFFF  }
0x6c: {  	[tilespmem:s15], [sflag:$0x2] =	stream.linear.gather [spmem:s9], $0xA000, $0x38;
	[tilespmem:$0x1D800] =	vst v63  }
0x6d: {  	s20 =	sadd.s32 $0x1, s20;
	_ =	swait.ge [sflag:s14], $0xA000  }
0x6e: {  	p0 =	sne.s32 s20, s13;
	[sflag:s14] =	ssyncset.done $0x0  }
.Ltmp2:
0x6f: {  	[sflag:s14] =	ssyncadd.s32 $0xFFFF6000;
	(pc) =	sbr.rel @p0 .LBB2_1-.Ltmp2, $4  }
0x70: {  	[hbm4b:s12+s3] =	stream.linear.scatter [tilespmem:s15], [sflag:$0x2], $0xA000, $0x38;
	[tilespmem:$0x1D800] =	vst v63  }
0x71: {  	_ =	swait.ge [sflag:s14], $0xA000  }
0x72: {  	[sflag:s14] =	ssyncset.done $0x0  }
0x73: {  	[sflag:s14] =	ssyncadd.s32 $0xFFFF6000  }
0x74: {  	_ =	sfence.sel $0x180000  }
0x75: {  	[bflag:$0x0] =	sbarrier.arrive $0xFFFF  }
0x76: {  	p0 =	sne.s32 s0, $0x0;
	_ =	strace $0x9000004A  }
0x77: {  	s0 =	sadd.s32 @!p0 $0x100000, s1;
	[bflag:$0x2] =	sbarrier.arrive $0xFFFF  }
0x78: {  	[sflag:s0] =	ssyncadd.tile.s32 @!p0 $0x1;
	_ =	shalt  }
.Lfunc_end2:
_tile_overlayer_lowered:
.L_overlay_start_2:
0x79: {  	(tag) =	ssettag $0x2  }
0x7a: {  	s0 =	rddreg [dreg:$0x0];
	s2 =	stileid.u32  }
0x7b: {  	s1 =	rddreg [dreg:$0x1];
	p0 =	sne.s32 s2, $0x0  }
0x7c: {  	s3 =	rddreg [dreg:$0x2];
	[bflag:$0x3] =	sbarrier.arrive $0xFFFF;
	s2 =	simm.s32 @!p0 $0x1C02  }
0x7d: {  	[timem:s3], [sflag:s2] =	dma.local @!p0 [hbm:s0], s1  }
0x7e: {  	s0 =	simm.s32 @!p0 $0x2  }
0x7f: {  	_ =	swait.ge @!p0 [sflag:s0], s1  }
0x80: {  	s1 =	ssub.s32 @!p0 $0x0, s1;
	[sflag:s0] =	ssyncset.done @!p0 $0x0  }
0x81: {  	[sflag:s0] =	ssyncadd.s32 @!p0 s1  }
0x82: {  	[bflag:$0x3] =	sbarrier.arrive $0xFFFF  }
0x83: {  	_ =	shalt  }

// kernel: kernel.8.cloned.1.call-start
scs
__scs_entry_jumppad:
0x0: {  	(pc) =	sbr.rel $0x88, $3  }
0x1: {  	(tag) =	ssettag $0x0;
	lr =	simm.s32 $0x1  }
0x2: {  	[smem:$0x3F91] =	sst lr;
	_ =	strace $0xD0000000  }
0x3: {  	_ = 	snop  }
0x4: {  	_ = 	snop  }
0x5: {  	_ = 	snop  }
0x6: {  	_ = 	snop  }
0x7: {  	_ = 	snop  }
__scs_overlays_trampoline_lowered:
0x8: {  	[smem:$0x3FA0] =	sst s0  }
0x9: {  	[smem:$0x3FA1] =	sst s1  }
0xa: {  	[smem:$0x3FA2] =	sst s2  }
0xb: {  	[smem:$0x3FA3] =	sst s3  }
0xc: {  	[smem:$0x3FA4] =	sst s4  }
0xd: {  	[smem:$0x3FA5] =	sst s5  }
0xe: {  	[smem:$0x3FA6] =	sst s6  }
0xf: {  	[smem:$0x3FA7] =	sst s7  }
0x10: {  	[smem:$0x3FA8] =	sst s8  }
0x11: {  	[smem:$0x3FA9] =	sst s9;
	s0 =	simm.s32 @!p0 $0x0  }
0x12: {  	s1 =	sld [smem:$0x3F8F];
	s0 =	simm.s32 @p0 $0x1  }
0x13: {  	[smem:$0x3FAA] =	sst s0;
	s0 =	simm.s32 @!p1 $0x0  }
0x14: {  	s2 =	sld [smem:$0x3F8E];
	s0 =	simm.s32 @p1 $0x1  }
0x15: {  	[smem:$0x3FAB] =	sst s0;
	s0 =	simm.s32 @!p2 $0x0  }
0x16: {  	s3 =	sld [smem:$0x3FDB];
	s0 =	simm.s32 @p2 $0x1  }
0x17: {  	s4 =	simm.s32 $0x1BF5;
	[smem:$0x3FAD] =	sst s0  }
0x18: {  	s0 =	sld [smem:$0x3F90];
	_ =	swait.ge [sflag:s4], $0x0  }
0x19: {  	s7 =	sld [smem:$0x3F91]  }
0x1a: {  	s8 =	sadd.s32 $0xFFFFE003, lr  }
0x1b: {  	s9 =	sadd.s32 $0xFFFFFEF7, lr;
	s5 =	simm.s32 $0xFFFFFFFF;
	p2 =	slt.u32 s8, $0xFFFFF086  }
0x1c: {  	p1 =	slt.u32 s9, $0xF7A;
	s5 =	simm.s32 @!p2 $0x0  }
0x1d: {  	s5 =	simm.s32 @p1 $0x1;
	p0 =	seq.s32 s7, s2  }
0x1e: {  	s7 =	smul.u32 @!p0 $0xF7A, s2;
	p2 =	seq.s32 @!p0 s5, $0x0  }
0x1f: {  	s9 =	smul.u32 $0xF7A, s1;
	s8 =	simm.s32 @!p0 $0x1BF5;
	p2 =	por !p2, p0  }
0x20: {  	[sflag:s8] =	ssyncset.s32 @!p0 $0xFFFFF086;
	s6 =	sadd.s32 @!p0 s3, s7;
	s7 =	simm.s32 @!p0 $0x108  }
0x21: {  	s3 =	sadd.s32 s3, s9;
	s6 =	sadd.s32 @!p0 $0x88, s6;
	s7 =	simm.s32 @p2 $0x1082  }
0x22: {  	[simem:s7], [sflag:s8] =	dma.local @!p0 [hbm:s6], $0xF7A  }
0x23: {  	s9 =	sor.u32 $0xD0000000, s2;
	s6 =	simm.s32 $0x108;
	_ =	swait.ge @!p0 [sflag:s8], $0x0  }
0x24: {  	s3 =	sadd.s32 $0x88, s3;
	s6 =	simm.s32 @!p1 $0x1082;
	[sflag:s4] =	ssyncset.s32 $0xFFFFF086  }
0x25: {  	[simem:s6], [sflag:s4] =	dma.local [hbm:s3], $0xF7A  }
0x26: {  	[smem:$0x3F91] =	sst s1;
	(tag) =	ssettag s2;
	_ =	strace s9  }
0x27: {  	s1 =	sld [smem:$0x3FA1]  }
0x28: {  	s2 =	sld [smem:$0x3FA2]  }
0x29: {  	s4 =	sld [smem:$0x3FA4]  }
0x2a: {  	p0 =	seq.s32 s5, $0x0;
	s5 =	sld [smem:$0x3FA5]  }
0x2b: {  	s6 =	sld [smem:$0x3FA6]  }
0x2c: {  	s7 =	sld [smem:$0x3FA7]  }
0x2d: {  	s3 =	simm.s32 $0x108;
	s8 =	sld [smem:$0x3FA8]  }
0x2e: {  	s3 =	simm.s32 @!p0 $0x1082;
	s9 =	sld [smem:$0x3FA9]  }
0x2f: {  	lr =	sadd.s32 s0, s3;
	s0 =	sld [smem:$0x3FA0]  }
0x30: {  	s3 =	sld [smem:$0x3FA3]  }
0x31: {  	[smem:$0x3FAC] =	sst s10  }
0x32: {  	s10 =	sld [smem:$0x3FAA];
	_ =	sdelay $0x3  }
0x33: {  	p0 =	seq.s32 s10, $0x1;
	s10 =	sld [smem:$0x3FAC];
	_ =	sdelay $0x3  }
0x34: {  	[smem:$0x3FAC] =	sst s10  }
0x35: {  	s10 =	sld [smem:$0x3FAB];
	_ =	sdelay $0x3  }
0x36: {  	p1 =	seq.s32 s10, $0x1;
	s10 =	sld [smem:$0x3FAC];
	_ =	sdelay $0x3  }
0x37: {  	[smem:$0x3FAC] =	sst s10  }
0x38: {  	s10 =	sld [smem:$0x3FAD]  }
0x39: {  	_ = 	snop;
	(pc) =	sbr.ind lr, $3  }
0x3a: {  	_ = 	snop  }
0x3b: {  	_ = 	snop  }
0x3c: {  	p2 =	seq.s32 s10, $0x1;
	s10 =	sld [smem:$0x3FAC]  }
0x3d: {  	_ =	shalt  }
0x3e: {  	_ =	shalt  }
0x3f: {  	_ =	shalt  }
0x40: {  	_ =	shalt  }
0x41: {  	_ =	shalt  }
0x42: {  	_ =	shalt  }
0x43: {  	_ =	shalt  }
0x44: {  	_ =	shalt  }
0x45: {  	_ =	shalt  }
0x46: {  	_ =	shalt  }
0x47: {  	_ =	shalt  }
0x48: {  	_ =	shalt  }
0x49: {  	_ =	shalt  }
0x4a: {  	_ =	shalt  }
0x4b: {  	_ =	shalt  }
0x4c: {  	_ =	shalt  }
0x4d: {  	_ =	shalt  }
0x4e: {  	_ =	shalt  }
0x4f: {  	_ =	shalt  }
0x50: {  	_ =	shalt  }
0x51: {  	_ =	shalt  }
0x52: {  	_ =	shalt  }
0x53: {  	_ =	shalt  }
0x54: {  	_ =	shalt  }
0x55: {  	_ =	shalt  }
0x56: {  	_ =	shalt  }
0x57: {  	_ =	shalt  }
0x58: {  	_ =	shalt  }
0x59: {  	_ =	shalt  }
0x5a: {  	_ =	shalt  }
0x5b: {  	_ =	shalt  }
0x5c: {  	_ =	shalt  }
0x5d: {  	_ =	shalt  }
0x5e: {  	_ =	shalt  }
0x5f: {  	_ =	shalt  }
0x60: {  	_ =	shalt  }
0x61: {  	_ =	shalt  }
0x62: {  	_ =	shalt  }
0x63: {  	_ =	shalt  }
0x64: {  	_ =	shalt  }
0x65: {  	_ =	shalt  }
0x66: {  	_ =	shalt  }
0x67: {  	_ =	shalt  }
0x68: {  	_ =	shalt  }
0x69: {  	_ =	shalt  }
0x6a: {  	_ =	shalt  }
0x6b: {  	_ =	shalt  }
0x6c: {  	_ =	shalt  }
0x6d: {  	_ =	shalt  }
0x6e: {  	_ =	shalt  }
0x6f: {  	_ =	shalt  }
0x70: {  	_ =	shalt  }
0x71: {  	_ =	shalt  }
0x72: {  	_ =	shalt  }
0x73: {  	_ =	shalt  }
0x74: {  	_ =	shalt  }
0x75: {  	_ =	shalt  }
0x76: {  	_ =	shalt  }
0x77: {  	_ =	shalt  }
0x78: {  	_ =	shalt  }
0x79: {  	_ =	shalt  }
0x7a: {  	_ =	shalt  }
0x7b: {  	_ =	shalt  }
0x7c: {  	_ =	shalt  }
0x7d: {  	_ =	shalt  }
0x7e: {  	_ =	shalt  }
0x7f: {  	_ =	shalt  }
0x80: {  	_ =	shalt  }
0x81: {  	_ =	shalt  }
0x82: {  	_ =	shalt  }
0x83: {  	_ =	shalt  }
0x84: {  	_ =	shalt  }
0x85: {  	_ =	shalt  }
0x86: {  	_ =	shalt  }
0x87: {  	_ =	shalt  }
.Lfunc_end0:
.L_simem_size_0:
called_computation_lowered:
.L_overlay_start_0:
0x88: {  	s2 =	sld [smem:$0x3FD9]  }
0x89: {  	s3 =	sld [smem:$0x3FFE];
	_ =	sdelay $0x1  }
0x8a: {  	s1 =	srdreg.scid  }
0x8b: {  	s0 =	sand.u32 $0x1, s1  }
0x8c: {  	s16 =	sshll.u32 s0, $0xA;
	s2 =	sadd.s32 s3, s2  }
0x8d: {  	s2 =	sadd.s32 s2, s16  }
0x8e: {  	[smem:$0x3FB8] =	sst s2  }
0x8f: {  	_ = 	snop  }
0x90: {  	(tm) =	ssettm $0x1  }
0x91: {  	s17 =	sld [smem:$0x3FFB];
	_ =	sdelay $0x3  }
0x92: {  	_ =	strace s17  }
0x93: {  	s2 =	sld [smem:$0x3FFC];
	_ =	sdelay $0x3  }
0x94: {  	_ =	strace s2  }
0x95: {  	s2 =	sld [smem:$0x3FFD];
	_ =	sdelay $0x3  }
0x96: {  	_ =	strace s2  }
0x97: {  	_ =	strace $0x8FFFFFFF  }
0x98: {  	s18 =	sld [smem:$0x3FDB];
	_ =	sdelay $0x1  }
0x99: {  	s19 =	simm.s32 $_scs_section_size  }
0x9a: {  	s4 =	simm.s32 $_size__tile_overlayer_lowered;
	s5 =	simm.s32 $_tile_overlayer_lowered  }
0x9b: {  	s22 =	simm.s32 $0x1BFF;
	s21 =	sshll.u32 s5, $0x1;
	s2 =	sadd.s32 s19, s18  }
0x9c: {  	s6 =	simm.s32 $0x0;
	s20 =	sshll.u32 s4, $0x1;
	s4 =	sadd.s32 s21, s2  }
0x9d: {  	[timem:s6], [sflag:s22] =	dma.local [hbm:s4], s20  }
0x9e: {  	_ =	swait.ge [sflag:s22], s20  }
0x9f: {  	s3 =	ssub.s32 $0x0, s20;
	[sflag:s22] =	ssyncset.done $0x0  }
0xa0: {  	[sflag:s22] =	ssyncadd.s32 s3;
	_ =	sdelay $0x1  }
0xa1: {  	s23 =	simm.s32 $0x1B8B  }
0xa2: {  	_ =	swait.ge [sflag:s23], $0x1  }
0xa3: {  	[sflag:s23] =	ssyncset.done $0x0  }
0xa4: {  	s25 =	simm.s32 $0x1B8E;
	s24 =	sld [smem:$0x3FFE];
	[sflag:s23] =	ssyncadd.s32 $0xFFFFFFFF  }
0xa5: {  	s26 =	simm.s32 $execute0_lowered;
	[smem:$0x3FD2] =	sst s25  }
0xa6: {  	s4 =	sshll.u32 s26, $0x1;
	_ =	strace $0x80000046;
	[dreg:$0x1] =	wrdreg $0xFFFFFFFF  }
0xa7: {  	s28 =	simm.s32 $_size_execute0_lowered;
	s2 =	sadd.s32 s2, s4;
	[dreg:$0x0] =	wrdreg $0x0  }
0xa8: {  	s4 =	sshll.u32 s28, $0x1;
	[dreg:$0x2] =	wrdreg s2  }
0xa9: {  	[dreg:$0x3] =	wrdreg s4  }
0xaa: {  	[dreg:$0x4] =	wrdreg $0xC0  }
0xab: {  	_ =	task [dreg:s6], $0x5FFFF  }
0xac: {  	[dreg:$0x1] =	wrdreg $0xFFFFFFFF  }
0xad: {  	[dreg:$0x0] =	wrdreg $0x60  }
0xae: {  	[dreg:$0x2] =	wrdreg s24  }
0xaf: {  	[dreg:$0x3] =	wrdreg $0xE4000  }
0xb0: {  	[dreg:$0x4] =	wrdreg $0x178000  }
0xb1: {  	[dreg:$0x5] =	wrdreg $0x9  }
0xb2: {  	_ =	task.clear_ibuf [dreg:s6], $0x6FFFF;
	_ =	strace $0x90000046  }
0xb3: {  	s29 =	simm.s32 $0x9;
	_ =	strace $0x80000048  }
0xb4: {  	_ =	swait.ge [sflag:s29], $0x1  }
0xb5: {  	[sflag:s29] =	ssyncadd.s32 $0xFFFFFFFF  }
0xb6: {  	_ =	strace $0x90000048  }
0xb7: {  	_ =	sfence  }
0xb8: {  	s30 =	sld [smem:$0x0];
	_ =	sdelay $0x2  }
0xb9: {  	s31 =	sshll.u32 s1, $0xD;
	s1 =	sshrl.u32 s1, $0x2  }
0xba: {  	s3 =	sand.u32 $0x4000, s31;
	s1 =	sadd.s32 s1, s30  }
0xbb: {  	s0 =	sor.u32 s3, s0;
	s1 =	sshll.u32 s1, $0x11  }
0xbc: {  	s0 =	sor.u32 s1, s0  }
0xbd: {  	s0 =	sadd.s32 $0x8F2B, s0  }
0xbe: {  	[sflag:s0] =	ssyncadd.remote.s32 $0x1  }
0xbf: {  	_ =	sfence.sel $0xFFFF  }
0xc0: {  	[dreg:$0x0] =	wrdreg $0xFFFFFFFF;
	(pc) =	sbr.abs _section_cstart, $3  }
0xc1: {  	[dreg:$0x1] =	wrdreg $0xFFFFFFFF  }
0xc2: {  	_ =	task.clear_ibuf [dreg:s6], $0x2FFFF;
	_ =	strace $0x9FFFFFFF  }
0xc3: {  	(tm) =	ssettm $0x7FFFFFFF  }
tec
execute0_lowered:
.L_overlay_start_1:
0x0: {  	(tag) =	ssettag $0x1  }
0x1: {  	s0 =	rddreg [dreg:$0x0]  }
0x2: {  	s1 =	srdreg.scid;
	s2 =	rddreg [dreg:$0x1]  }
0x3: {  	s3 =	rddreg [dreg:$0x2];
	s15 =	stileid.u32  }
0x4: {  	s4 =	simm.s32 $0x0;
	s28 =	simm.s32 $0x9000;
	s29 =	simm.s32 $0x13800  }
0x5: {  	s30 =	simm.s32 $0x2800;
	s31 =	simm.s32 $0x80;
	s1 =	sand.u32 $0x1, s1  }
0x6: {  	[smem:$0x7FF] =	sst s4;
	s11 =	sadd.s32 $0xE400, s0;
	s19 =	smul.u32 $0x5400, s15  }
0x7: {  	s6 =	sadd.s32 $0x5DE00, s0;
	s10 =	sadd.s32 $0x5D600, s0;
	s13 =	smul.u32 $0xA0, s15  }
0x8: {  	s21 =	sadd.s32 $0x5EA00, s0;
	s20 =	smul.u32 $0x5000, s15;
	s5 =	sshll.u32 s1, $0x4  }
0x9: {  	_ =	strace $0x80000047;
	[dreg:$0x4] =	wrdreg s10;
	s12 =	ssub.s32 $0x2, s1  }
0xa: {  	s1 =	smul.u32 $0x2800, s1;
	s7 =	sor.u32 s15, s5;
	s5 =	sadd.s32 $0x36400, s0  }
0xb: {  	s14 =	sshrl.u32 s12, $0x1;
	s10 =	sadd.s32 s19, s3;
	s8 =	smul.u32 $0x500, s7  }
0xc: {  	s25 =	ssub.s32 s12, s14;
	s1 =	sadd.s32 s13, s1;
	s7 =	smul.u32 $0x2800, s7  }
0xd: {  	s12 =	sadd.s32 s20, s2;
	s14 =	sadd.s32 s20, s3;
	s1 =	sshll.u32 s1, $0x4  }
0xe: {  	s25 =	smax.u32 s25, $0x1;
	s9 =	sadd.s32 s8, s0;
	s0 =	sadd.s32 $0xAEA00, s0  }
0xf: {  	s8 =	sadd.s32 s11, s8;
	s22 =	sadd.s32 s21, s1;
	s7 =	sshrl.u32 s7, $0x3  }
0x10: {  	s23 =	sadd.s32 $0xA000, s1;
	s26 =	sadd.s32 $0x14000, s1;
	[dreg:$0x6] =	wrdreg s8  }
0x11: {  	s9 =	sadd.s32 $0x4400, s9;
	[dreg:$0x7] =	wrdreg s22;
	s7 =	sadd.s32 s11, s7  }
0x12: {  	s24 =	sadd.s32 s0, s1;
	s17 =	sadd.s32 s21, s23;
	s18 =	sadd.s32 s0, s23  }
0x13: {  	s1 =	sadd.s32 $0x1E000, s1;
	s20 =	sadd.s32 s0, s26;
	[dreg:$0x5] =	wrdreg s9  }
0x14: {  	s9 =	sadd.s32 s19, s2;
	[dreg:$0x8] =	wrdreg s24;
	s16 =	sadd.s32 $0xA000, s7  }
0x15: {  	s19 =	sadd.s32 s21, s26;
	s21 =	sadd.s32 s21, s1;
	s22 =	sadd.s32 s0, s1  }
0x16: {  	s23 =	sadd.s32 $0x14000, s7;
	s24 =	sadd.s32 $0x1E000, s7;
	s26 =	simm.s32 $0x2  }
0x17: {  	s0 =	simm.s32 $0x5000;
	s1 =	simm.s32 $0x1;
	s7 =	simm.s32 $0x0  }
.LBB2_1:
0x18: {  	s8 =	rddreg [dreg:$0x5]  }
0x19: {  	[tilespmem:s4], [sflag:$0x2] =	stream.linear.gather [hbm4b:s8+s4], $0x2780, $0x38;
	[tilespmem:$0x1CC00] =	vst v63  }
0x1a: {  	_ =	swait.ge [sflag:s26], $0x2780  }
0x1b: {  	[sflag:s26] =	ssyncset.done $0x0  }
0x1c: {  	[sflag:s26] =	ssyncadd.s32 $0xFFFFD880  }
0x1d: {  	[tilespmem:s28], [sflag:$0x2] =	stream.linear.gather [hbm4b:s6+s4], $0x5400, $0x38;
	[tilespmem:$0x1CC00] =	vst v63  }
0x1e: {  	_ =	swait.ge [sflag:s26], $0x5400  }
0x1f: {  	[sflag:s26] =	ssyncset.done $0x0  }
0x20: {  	s15 =	rddreg [dreg:$0x4];
	[sflag:s26] =	ssyncadd.s32 $0xFFFFAC00  }
0x21: {  	[tilespmem:s29], [sflag:$0x2] =	stream.linear.gather [hbm4b:s15+s4], $0x4000, $0x38;
	[tilespmem:$0x1CC00] =	vst v63  }
0x22: {  	_ =	swait.ge [sflag:s26], $0x4000  }
0x23: {  	[sflag:s26] =	ssyncset.done $0x0  }
0x24: {  	[sflag:s26] =	ssyncadd.s32 $0xFFFFC000  }
0x25: {  	[spmem:s9] =	stream.linear.scatter [tilespmem:s28], [sflag:$0x2], $0x5400, $0x38;
	[tilespmem:$0x1CC00] =	vst v63  }
0x26: {  	_ =	swait.ge [sflag:s26], $0x5400  }
0x27: {  	[sflag:s26] =	ssyncset.done $0x0  }
0x28: {  	[sflag:s26] =	ssyncadd.s32 $0xFFFFAC00  }
0x29: {  	[spmem:s10] =	stream.linear.scatter [tilespmem:s28], [sflag:$0x2], $0x5400, $0x38;
	[tilespmem:$0x1CC00] =	vst v63  }
0x2a: {  	_ =	swait.ge [sflag:s26], $0x5400  }
0x2b: {  	[sflag:s26] =	ssyncset.done $0x0  }
0x2c: {  	s11 =	rddreg [dreg:$0x6];
	[sflag:s26] =	ssyncadd.s32 $0xFFFFAC00  }
0x2d: {  	[tilespmem:s30], [sflag:$0x2] =	stream.linear.gather [hbm4b:s11+s4], $0x2780, $0x38;
	[tilespmem:$0x1CC00] =	vst v63  }
0x2e: {  	_ =	swait.ge [sflag:s26], $0x2780  }
0x2f: {  	[sflag:s26] =	ssyncset.done $0x0  }
0x30: {  	[sflag:s26] =	ssyncadd.s32 $0xFFFFD880  }
0x31: {  	s13 =	simm.s32 $0x0;
	[bflag:$0x0] =	sbarrier.arrive $0xFFFF  }
0x32: {  	[tilespmem:s0], [sflag:$0x1] =	stream.indirect.gather [hbm4b:s5+s31], $0x80, s13, s31, $0xb8;
	[tilespmem:$0x1CC00] =	vst v63  }
0x33: {  	_ =	swait.ge [sflag:s1], $0x4000  }
0x34: {  	[sflag:s1] =	ssyncset.done $0x0  }
0x35: {  	s15 =	simm.s32 $0x2800;
	[sflag:s1] =	ssyncadd.s32 $0xFFFFC000  }
0x36: {  	[spmem:s2] =	stream.indirect.scatter.add.f32 [tilespmem:s0], [sflag:$0x2], $0x80, s15, s31, $0xb8;
	[tilespmem:$0x1CC00] =	vst v63  }
0x37: {  	_ =	swait.ge [sflag:s26], $0x4000  }
0x38: {  	[sflag:s26] =	ssyncset.done $0x0  }
0x39: {  	[sflag:s26] =	ssyncadd.s32 $0xFFFFC000  }
0x3a: {  	[spmem:s3] =	stream.indirect.scatter.add.f32 [tilespmem:s29], [sflag:$0x2], $0x80, s15, s31, $0xb8;
	[tilespmem:$0x1CC00] =	vst v63  }
0x3b: {  	_ =	swait.ge [sflag:s26], $0x4000  }
0x3c: {  	s8 =	simm.s32 $0x200;
	s11 =	simm.s32 $0x400;
	[sflag:s26] =	ssyncset.done $0x0  }
.LBB2_2:
0x3d: {  	s13 =	sshra.s32 s8, $0x2  }
0x3e: {  	[sflag:s26] =	ssyncadd.s32 $0xFFFFC000;
	s8 =	smov.u32 s11;
	s15 =	sadd.s32 $0x200, s11  }
0x3f: {  	[tilespmem:s0], [sflag:$0x1] =	stream.indirect.gather [hbm4b:s5+s31], $0x80, s13, s31, $0xb8;
	[tilespmem:$0x1CC00] =	vst v63  }
0x40: {  	p0 =	sne.s32 s11, $0x9C00;
	_ =	swait.ge [sflag:s1], $0x4000  }
0x41: {  	[sflag:s1] =	ssyncset.done $0x0  }
0x42: {  	s11 =	sadd.s32 $0x2800, s13;
	[sflag:s1] =	ssyncadd.s32 $0xFFFFC000  }
0x43: {  	[spmem:s2] =	stream.indirect.scatter.add.f32 [tilespmem:s0], [sflag:$0x2], $0x80, s11, s31, $0xb8;
	[tilespmem:$0x1CC00] =	vst v63  }
0x44: {  	_ =	swait.ge [sflag:s26], $0x4000  }
.Ltmp0:
0x45: {  	[sflag:s26] =	ssyncset.done $0x0;
	(pc) =	sbr.rel @p0 .LBB2_2-.Ltmp0, $4  }
0x46: {  	[sflag:s26] =	ssyncadd.s32 $0xFFFFC000  }
0x47: {  	[spmem:s3] =	stream.indirect.scatter.add.f32 [tilespmem:s29], [sflag:$0x2], $0x80, s11, s31, $0xb8;
	[tilespmem:$0x1CC00] =	vst v63  }
0x48: {  	_ =	swait.ge [sflag:s26], $0x4000  }
0x49: {  	s11 =	smov.u32 s15;
	[sflag:s26] =	ssyncset.done $0x0  }
0x4a: {  	s8 =	sshra.s32 s8, $0x2;
	[sflag:s26] =	ssyncadd.s32 $0xFFFFC000  }
0x4b: {  	[tilespmem:s0], [sflag:$0x1] =	stream.indirect.gather [hbm4b:s5+s31], $0x80, s8, s31, $0xb8;
	[tilespmem:$0x1CC00] =	vst v63  }
0x4c: {  	_ =	swait.ge [sflag:s1], $0x4000  }
0x4d: {  	[sflag:s1] =	ssyncset.done $0x0  }
0x4e: {  	s8 =	sadd.s32 $0x2800, s8;
	[sflag:s1] =	ssyncadd.s32 $0xFFFFC000  }
0x4f: {  	[spmem:s2] =	stream.indirect.scatter.add.f32 [tilespmem:s0], [sflag:$0x2], $0x80, s8, s31, $0xb8;
	[tilespmem:$0x1CC00] =	vst v63  }
0x50: {  	_ =	swait.ge [sflag:s26], $0x4000  }
0x51: {  	[sflag:s26] =	ssyncset.done $0x0  }
0x52: {  	[sflag:s26] =	ssyncadd.s32 $0xFFFFC000  }
0x53: {  	[spmem:s3] =	stream.indirect.scatter.add.f32 [tilespmem:s29], [sflag:$0x2], $0x80, s8, s31, $0xb8;
	[tilespmem:$0x1CC00] =	vst v63  }
0x54: {  	_ =	swait.ge [sflag:s26], $0x4000  }
0x55: {  	[sflag:s26] =	ssyncset.done $0x0  }
0x56: {  	[sflag:s26] =	ssyncadd.s32 $0xFFFFC000  }
0x57: {  	[bflag:$0x0] =	sbarrier.arrive $0xFFFF  }
0x58: {  	[tilespmem:s28], [sflag:$0x2] =	stream.linear.gather [spmem:s12], $0x5000, $0x38;
	[tilespmem:$0x1CC00] =	vst v63  }
0x59: {  	_ =	swait.ge [sflag:s26], $0x5000  }
0x5a: {  	[sflag:s26] =	ssyncset.done $0x0  }
0x5b: {  	s13 =	simm.s32 $0x0;
	s11 =	rddreg [dreg:$0x7];
	[sflag:s26] =	ssyncadd.s32 $0xFFFFB000  }
0x5c: {  	[hbm4b:s11+s13] =	stream.linear.scatter [tilespmem:s28], [sflag:$0x2], $0x5000, $0x38;
	[tilespmem:$0x1CC00] =	vst v63  }
0x5d: {  	_ =	swait.ge [sflag:s26], $0x5000  }
0x5e: {  	[sflag:s26] =	ssyncset.done $0x0  }
0x5f: {  	[sflag:s26] =	ssyncadd.s32 $0xFFFFB000  }
0x60: {  	[tilespmem:s28], [sflag:$0x2] =	stream.linear.gather [spmem:s14], $0x5000, $0x38;
	[tilespmem:$0x1CC00] =	vst v63  }
0x61: {  	_ =	swait.ge [sflag:s26], $0x5000  }
0x62: {  	[sflag:s26] =	ssyncset.done $0x0  }
0x63: {  	s15 =	rddreg [dreg:$0x8];
	[sflag:s26] =	ssyncadd.s32 $0xFFFFB000  }
0x64: {  	[hbm4b:s15+s13] =	stream.linear.scatter [tilespmem:s28], [sflag:$0x2], $0x5000, $0x38;
	[tilespmem:$0x1CC00] =	vst v63  }
0x65: {  	_ =	swait.ge [sflag:s26], $0x5000  }
0x66: {  	[sflag:s26] =	ssyncset.done $0x0  }
0x67: {  	[sflag:s26] =	ssyncadd.s32 $0xFFFFB000  }
0x68: {  	[tilespmem:s28], [sflag:$0x2] =	stream.linear.gather [hbm4b:s6+s13], $0x5400, $0x38;
	[tilespmem:$0x1CC00] =	vst v63  }
0x69: {  	_ =	swait.ge [sflag:s26], $0x5400  }
0x6a: {  	[sflag:s26] =	ssyncset.done $0x0  }
0x6b: {  	[sflag:s26] =	ssyncadd.s32 $0xFFFFAC00  }
0x6c: {  	[bflag:$0x0] =	sbarrier.arrive $0xFFFF  }
0x6d: {  	[spmem:s9] =	stream.linear.scatter [tilespmem:s28], [sflag:$0x2], $0x5400, $0x38;
	[tilespmem:$0x1CC00] =	vst v63  }
0x6e: {  	_ =	swait.ge [sflag:s26], $0x5400  }
0x6f: {  	[sflag:s26] =	ssyncset.done $0x0  }
0x70: {  	[sflag:s26] =	ssyncadd.s32 $0xFFFFAC00  }
0x71: {  	[spmem:s10] =	stream.linear.scatter [tilespmem:s28], [sflag:$0x2], $0x5400, $0x38;
	[tilespmem:$0x1CC00] =	vst v63  }
0x72: {  	_ =	swait.ge [sflag:s26], $0x5400  }
0x73: {  	[sflag:s26] =	ssyncset.done $0x0  }
0x74: {  	[sflag:s26] =	ssyncadd.s32 $0xFFFFAC00  }
0x75: {  	[tilespmem:s30], [sflag:$0x2] =	stream.linear.gather [hbm4b:s16+s13], $0x2780, $0x38;
	[tilespmem:$0x1CC00] =	vst v63  }
0x76: {  	_ =	swait.ge [sflag:s26], $0x2780  }
0x77: {  	[sflag:s26] =	ssyncset.done $0x0  }
0x78: {  	[sflag:s26] =	ssyncadd.s32 $0xFFFFD880  }
0x79: {  	s13 =	simm.s32 $0x0;
	[bflag:$0x0] =	sbarrier.arrive $0xFFFF  }
0x7a: {  	[tilespmem:s0], [sflag:$0x1] =	stream.indirect.gather [hbm4b:s5+s31], $0x80, s13, s31, $0xb8;
	[tilespmem:$0x1CC00] =	vst v63  }
0x7b: {  	_ =	swait.ge [sflag:s1], $0x4000  }
0x7c: {  	[sflag:s1] =	ssyncset.done $0x0  }
0x7d: {  	s15 =	simm.s32 $0x2800;
	[sflag:s1] =	ssyncadd.s32 $0xFFFFC000  }
0x7e: {  	[spmem:s2] =	stream.indirect.scatter.add.f32 [tilespmem:s0], [sflag:$0x2], $0x80, s15, s31, $0xb8;
	[tilespmem:$0x1CC00] =	vst v63  }
0x7f: {  	_ =	swait.ge [sflag:s26], $0x4000  }
0x80: {  	[sflag:s26] =	ssyncset.done $0x0  }
0x81: {  	[sflag:s26] =	ssyncadd.s32 $0xFFFFC000  }
0x82: {  	[spmem:s3] =	stream.indirect.scatter.add.f32 [tilespmem:s29], [sflag:$0x2], $0x80, s15, s31, $0xb8;
	[tilespmem:$0x1CC00] =	vst v63  }
0x83: {  	_ =	swait.ge [sflag:s26], $0x4000  }
0x84: {  	s8 =	simm.s32 $0x200;
	s11 =	simm.s32 $0x400;
	[sflag:s26] =	ssyncset.done $0x0  }
.LBB2_4:
0x85: {  	s13 =	sshra.s32 s8, $0x2  }
0x86: {  	[sflag:s26] =	ssyncadd.s32 $0xFFFFC000;
	s8 =	smov.u32 s11;
	s15 =	sadd.s32 $0x200, s11  }
0x87: {  	[tilespmem:s0], [sflag:$0x1] =	stream.indirect.gather [hbm4b:s5+s31], $0x80, s13, s31, $0xb8;
	[tilespmem:$0x1CC00] =	vst v63  }
0x88: {  	p0 =	sne.s32 s11, $0x9C00;
	_ =	swait.ge [sflag:s1], $0x4000  }
0x89: {  	[sflag:s1] =	ssyncset.done $0x0  }
0x8a: {  	s11 =	sadd.s32 $0x2800, s13;
	[sflag:s1] =	ssyncadd.s32 $0xFFFFC000  }
0x8b: {  	[spmem:s2] =	stream.indirect.scatter.add.f32 [tilespmem:s0], [sflag:$0x2], $0x80, s11, s31, $0xb8;
	[tilespmem:$0x1CC00] =	vst v63  }
0x8c: {  	_ =	swait.ge [sflag:s26], $0x4000  }
.Ltmp1:
0x8d: {  	[sflag:s26] =	ssyncset.done $0x0;
	(pc) =	sbr.rel @p0 .LBB2_4-.Ltmp1, $4  }
0x8e: {  	[sflag:s26] =	ssyncadd.s32 $0xFFFFC000  }
0x8f: {  	[spmem:s3] =	stream.indirect.scatter.add.f32 [tilespmem:s29], [sflag:$0x2], $0x80, s11, s31, $0xb8;
	[tilespmem:$0x1CC00] =	vst v63  }
0x90: {  	_ =	swait.ge [sflag:s26], $0x4000  }
0x91: {  	s11 =	smov.u32 s15;
	[sflag:s26] =	ssyncset.done $0x0  }
0x92: {  	s8 =	sshra.s32 s8, $0x2;
	[sflag:s26] =	ssyncadd.s32 $0xFFFFC000  }
0x93: {  	[tilespmem:s0], [sflag:$0x1] =	stream.indirect.gather [hbm4b:s5+s31], $0x80, s8, s31, $0xb8;
	[tilespmem:$0x1CC00] =	vst v63  }
0x94: {  	_ =	swait.ge [sflag:s1], $0x4000  }
0x95: {  	[sflag:s1] =	ssyncset.done $0x0  }
0x96: {  	s8 =	sadd.s32 $0x2800, s8;
	[sflag:s1] =	ssyncadd.s32 $0xFFFFC000  }
0x97: {  	[spmem:s2] =	stream.indirect.scatter.add.f32 [tilespmem:s0], [sflag:$0x2], $0x80, s8, s31, $0xb8;
	[tilespmem:$0x1CC00] =	vst v63  }
0x98: {  	_ =	swait.ge [sflag:s26], $0x4000  }
0x99: {  	[sflag:s26] =	ssyncset.done $0x0  }
0x9a: {  	[sflag:s26] =	ssyncadd.s32 $0xFFFFC000  }
0x9b: {  	[spmem:s3] =	stream.indirect.scatter.add.f32 [tilespmem:s29], [sflag:$0x2], $0x80, s8, s31, $0xb8;
	[tilespmem:$0x1CC00] =	vst v63  }
0x9c: {  	_ =	swait.ge [sflag:s26], $0x4000  }
0x9d: {  	[sflag:s26] =	ssyncset.done $0x0  }
0x9e: {  	[sflag:s26] =	ssyncadd.s32 $0xFFFFC000  }
0x9f: {  	[bflag:$0x0] =	sbarrier.arrive $0xFFFF  }
0xa0: {  	[tilespmem:s28], [sflag:$0x2] =	stream.linear.gather [spmem:s12], $0x5000, $0x38;
	[tilespmem:$0x1CC00] =	vst v63  }
0xa1: {  	_ =	swait.ge [sflag:s26], $0x5000  }
0xa2: {  	[sflag:s26] =	ssyncset.done $0x0  }
0xa3: {  	s11 =	simm.s32 $0x0;
	[sflag:s26] =	ssyncadd.s32 $0xFFFFB000  }
0xa4: {  	[hbm4b:s17+s11] =	stream.linear.scatter [tilespmem:s28], [sflag:$0x2], $0x5000, $0x38;
	[tilespmem:$0x1CC00] =	vst v63  }
0xa5: {  	_ =	swait.ge [sflag:s26], $0x5000  }
0xa6: {  	[sflag:s26] =	ssyncset.done $0x0  }
0xa7: {  	[sflag:s26] =	ssyncadd.s32 $0xFFFFB000  }
0xa8: {  	[tilespmem:s28], [sflag:$0x2] =	stream.linear.gather [spmem:s14], $0x5000, $0x38;
	[tilespmem:$0x1CC00] =	vst v63  }
0xa9: {  	_ =	swait.ge [sflag:s26], $0x5000  }
0xaa: {  	[sflag:s26] =	ssyncset.done $0x0  }
0xab: {  	[sflag:s26] =	ssyncadd.s32 $0xFFFFB000  }
0xac: {  	[hbm4b:s18+s11] =	stream.linear.scatter [tilespmem:s28], [sflag:$0x2], $0x5000, $0x38;
	[tilespmem:$0x1CC00] =	vst v63  }
0xad: {  	_ =	swait.ge [sflag:s26], $0x5000  }
0xae: {  	[sflag:s26] =	ssyncset.done $0x0  }
0xaf: {  	[sflag:s26] =	ssyncadd.s32 $0xFFFFB000  }
0xb0: {  	[tilespmem:s28], [sflag:$0x2] =	stream.linear.gather [hbm4b:s6+s11], $0x5400, $0x38;
	[tilespmem:$0x1CC00] =	vst v63  }
0xb1: {  	_ =	swait.ge [sflag:s26], $0x5400  }
0xb2: {  	[sflag:s26] =	ssyncset.done $0x0  }
0xb3: {  	[sflag:s26] =	ssyncadd.s32 $0xFFFFAC00  }
0xb4: {  	[bflag:$0x0] =	sbarrier.arrive $0xFFFF  }
0xb5: {  	[spmem:s9] =	stream.linear.scatter [tilespmem:s28], [sflag:$0x2], $0x5400, $0x38;
	[tilespmem:$0x1CC00] =	vst v63  }
0xb6: {  	_ =	swait.ge [sflag:s26], $0x5400  }
0xb7: {  	[sflag:s26] =	ssyncset.done $0x0  }
0xb8: {  	[sflag:s26] =	ssyncadd.s32 $0xFFFFAC00  }
0xb9: {  	[spmem:s10] =	stream.linear.scatter [tilespmem:s28], [sflag:$0x2], $0x5400, $0x38;
	[tilespmem:$0x1CC00] =	vst v63  }
0xba: {  	_ =	swait.ge [sflag:s26], $0x5400  }
0xbb: {  	[sflag:s26] =	ssyncset.done $0x0  }
0xbc: {  	[sflag:s26] =	ssyncadd.s32 $0xFFFFAC00  }
0xbd: {  	[tilespmem:s30], [sflag:$0x2] =	stream.linear.gather [hbm4b:s23+s11], $0x2780, $0x38;
	[tilespmem:$0x1CC00] =	vst v63  }
0xbe: {  	_ =	swait.ge [sflag:s26], $0x2780  }
0xbf: {  	[sflag:s26] =	ssyncset.done $0x0  }
0xc0: {  	[sflag:s26] =	ssyncadd.s32 $0xFFFFD880  }
0xc1: {  	s13 =	simm.s32 $0x0;
	[bflag:$0x0] =	sbarrier.arrive $0xFFFF  }
0xc2: {  	[tilespmem:s0], [sflag:$0x1] =	stream.indirect.gather [hbm4b:s5+s31], $0x80, s13, s31, $0xb8;
	[tilespmem:$0x1CC00] =	vst v63  }
0xc3: {  	_ =	swait.ge [sflag:s1], $0x4000  }
0xc4: {  	[sflag:s1] =	ssyncset.done $0x0  }
0xc5: {  	s15 =	simm.s32 $0x2800;
	[sflag:s1] =	ssyncadd.s32 $0xFFFFC000  }
0xc6: {  	[spmem:s2] =	stream.indirect.scatter.add.f32 [tilespmem:s0], [sflag:$0x2], $0x80, s15, s31, $0xb8;
	[tilespmem:$0x1CC00] =	vst v63  }
0xc7: {  	_ =	swait.ge [sflag:s26], $0x4000  }
0xc8: {  	[sflag:s26] =	ssyncset.done $0x0  }
0xc9: {  	[sflag:s26] =	ssyncadd.s32 $0xFFFFC000  }
0xca: {  	[spmem:s3] =	stream.indirect.scatter.add.f32 [tilespmem:s29], [sflag:$0x2], $0x80, s15, s31, $0xb8;
	[tilespmem:$0x1CC00] =	vst v63  }
0xcb: {  	_ =	swait.ge [sflag:s26], $0x4000  }
0xcc: {  	s8 =	simm.s32 $0x200;
	s11 =	simm.s32 $0x400;
	[sflag:s26] =	ssyncset.done $0x0  }
.LBB2_6:
0xcd: {  	s13 =	sshra.s32 s8, $0x2  }
0xce: {  	[sflag:s26] =	ssyncadd.s32 $0xFFFFC000;
	s8 =	smov.u32 s11;
	s15 =	sadd.s32 $0x200, s11  }
0xcf: {  	[tilespmem:s0], [sflag:$0x1] =	stream.indirect.gather [hbm4b:s5+s31], $0x80, s13, s31, $0xb8;
	[tilespmem:$0x1CC00] =	vst v63  }
0xd0: {  	p0 =	sne.s32 s11, $0x9C00;
	_ =	swait.ge [sflag:s1], $0x4000  }
0xd1: {  	[sflag:s1] =	ssyncset.done $0x0  }
0xd2: {  	s11 =	sadd.s32 $0x2800, s13;
	[sflag:s1] =	ssyncadd.s32 $0xFFFFC000  }
0xd3: {  	[spmem:s2] =	stream.indirect.scatter.add.f32 [tilespmem:s0], [sflag:$0x2], $0x80, s11, s31, $0xb8;
	[tilespmem:$0x1CC00] =	vst v63  }
0xd4: {  	_ =	swait.ge [sflag:s26], $0x4000  }
.Ltmp2:
0xd5: {  	[sflag:s26] =	ssyncset.done $0x0;
	(pc) =	sbr.rel @p0 .LBB2_6-.Ltmp2, $4  }
0xd6: {  	[sflag:s26] =	ssyncadd.s32 $0xFFFFC000  }
0xd7: {  	[spmem:s3] =	stream.indirect.scatter.add.f32 [tilespmem:s29], [sflag:$0x2], $0x80, s11, s31, $0xb8;
	[tilespmem:$0x1CC00] =	vst v63  }
0xd8: {  	_ =	swait.ge [sflag:s26], $0x4000  }
0xd9: {  	s11 =	smov.u32 s15;
	[sflag:s26] =	ssyncset.done $0x0  }
0xda: {  	s8 =	sshra.s32 s8, $0x2;
	[sflag:s26] =	ssyncadd.s32 $0xFFFFC000  }
0xdb: {  	[tilespmem:s0], [sflag:$0x1] =	stream.indirect.gather [hbm4b:s5+s31], $0x80, s8, s31, $0xb8;
	[tilespmem:$0x1CC00] =	vst v63  }
0xdc: {  	_ =	swait.ge [sflag:s1], $0x4000  }
0xdd: {  	[sflag:s1] =	ssyncset.done $0x0  }
0xde: {  	s8 =	sadd.s32 $0x2800, s8;
	[sflag:s1] =	ssyncadd.s32 $0xFFFFC000  }
0xdf: {  	[spmem:s2] =	stream.indirect.scatter.add.f32 [tilespmem:s0], [sflag:$0x2], $0x80, s8, s31, $0xb8;
	[tilespmem:$0x1CC00] =	vst v63  }
0xe0: {  	_ =	swait.ge [sflag:s26], $0x4000  }
0xe1: {  	[sflag:s26] =	ssyncset.done $0x0  }
0xe2: {  	[sflag:s26] =	ssyncadd.s32 $0xFFFFC000  }
0xe3: {  	[spmem:s3] =	stream.indirect.scatter.add.f32 [tilespmem:s29], [sflag:$0x2], $0x80, s8, s31, $0xb8;
	[tilespmem:$0x1CC00] =	vst v63  }
0xe4: {  	_ =	swait.ge [sflag:s26], $0x4000  }
0xe5: {  	[sflag:s26] =	ssyncset.done $0x0  }
0xe6: {  	[sflag:s26] =	ssyncadd.s32 $0xFFFFC000  }
0xe7: {  	[bflag:$0x0] =	sbarrier.arrive $0xFFFF  }
0xe8: {  	[tilespmem:s28], [sflag:$0x2] =	stream.linear.gather [spmem:s12], $0x5000, $0x38;
	[tilespmem:$0x1CC00] =	vst v63  }
0xe9: {  	_ =	swait.ge [sflag:s26], $0x5000  }
0xea: {  	[sflag:s26] =	ssyncset.done $0x0  }
0xeb: {  	s11 =	simm.s32 $0x0;
	[sflag:s26] =	ssyncadd.s32 $0xFFFFB000  }
0xec: {  	[hbm4b:s19+s11] =	stream.linear.scatter [tilespmem:s28], [sflag:$0x2], $0x5000, $0x38;
	[tilespmem:$0x1CC00] =	vst v63  }
0xed: {  	_ =	swait.ge [sflag:s26], $0x5000  }
0xee: {  	[sflag:s26] =	ssyncset.done $0x0  }
0xef: {  	[sflag:s26] =	ssyncadd.s32 $0xFFFFB000  }
0xf0: {  	[tilespmem:s28], [sflag:$0x2] =	stream.linear.gather [spmem:s14], $0x5000, $0x38;
	[tilespmem:$0x1CC00] =	vst v63  }
0xf1: {  	_ =	swait.ge [sflag:s26], $0x5000  }
0xf2: {  	[sflag:s26] =	ssyncset.done $0x0  }
0xf3: {  	[sflag:s26] =	ssyncadd.s32 $0xFFFFB000  }
0xf4: {  	[hbm4b:s20+s11] =	stream.linear.scatter [tilespmem:s28], [sflag:$0x2], $0x5000, $0x38;
	[tilespmem:$0x1CC00] =	vst v63  }
0xf5: {  	_ =	swait.ge [sflag:s26], $0x5000  }
0xf6: {  	[sflag:s26] =	ssyncset.done $0x0  }
0xf7: {  	[sflag:s26] =	ssyncadd.s32 $0xFFFFB000  }
0xf8: {  	[tilespmem:s28], [sflag:$0x2] =	stream.linear.gather [hbm4b:s6+s11], $0x5400, $0x38;
	[tilespmem:$0x1CC00] =	vst v63  }
0xf9: {  	_ =	swait.ge [sflag:s26], $0x5400  }
0xfa: {  	[sflag:s26] =	ssyncset.done $0x0  }
0xfb: {  	[sflag:s26] =	ssyncadd.s32 $0xFFFFAC00  }
0xfc: {  	[bflag:$0x0] =	sbarrier.arrive $0xFFFF  }
0xfd: {  	[spmem:s9] =	stream.linear.scatter [tilespmem:s28], [sflag:$0x2], $0x5400, $0x38;
	[tilespmem:$0x1CC00] =	vst v63  }
0xfe: {  	_ =	swait.ge [sflag:s26], $0x5400  }
0xff: {  	[sflag:s26] =	ssyncset.done $0x0  }
0x100: {  	[sflag:s26] =	ssyncadd.s32 $0xFFFFAC00  }
0x101: {  	[spmem:s10] =	stream.linear.scatter [tilespmem:s28], [sflag:$0x2], $0x5400, $0x38;
	[tilespmem:$0x1CC00] =	vst v63  }
0x102: {  	_ =	swait.ge [sflag:s26], $0x5400  }
0x103: {  	[sflag:s26] =	ssyncset.done $0x0  }
0x104: {  	[sflag:s26] =	ssyncadd.s32 $0xFFFFAC00  }
0x105: {  	[tilespmem:s30], [sflag:$0x2] =	stream.linear.gather [hbm4b:s24+s11], $0x2780, $0x38;
	[tilespmem:$0x1CC00] =	vst v63  }
0x106: {  	_ =	swait.ge [sflag:s26], $0x2780  }
0x107: {  	[sflag:s26] =	ssyncset.done $0x0  }
0x108: {  	[sflag:s26] =	ssyncadd.s32 $0xFFFFD880  }
0x109: {  	s13 =	simm.s32 $0x0;
	[bflag:$0x0] =	sbarrier.arrive $0xFFFF  }
0x10a: {  	[tilespmem:s0], [sflag:$0x1] =	stream.indirect.gather [hbm4b:s5+s31], $0x80, s13, s31, $0xb8;
	[tilespmem:$0x1CC00] =	vst v63  }
0x10b: {  	_ =	swait.ge [sflag:s1], $0x4000  }
0x10c: {  	[sflag:s1] =	ssyncset.done $0x0  }
0x10d: {  	s15 =	simm.s32 $0x2800;
	[sflag:s1] =	ssyncadd.s32 $0xFFFFC000  }
0x10e: {  	[spmem:s2] =	stream.indirect.scatter.add.f32 [tilespmem:s0], [sflag:$0x2], $0x80, s15, s31, $0xb8;
	[tilespmem:$0x1CC00] =	vst v63  }
0x10f: {  	_ =	swait.ge [sflag:s26], $0x4000  }
0x110: {  	[sflag:s26] =	ssyncset.done $0x0  }
0x111: {  	[sflag:s26] =	ssyncadd.s32 $0xFFFFC000  }
0x112: {  	[spmem:s3] =	stream.indirect.scatter.add.f32 [tilespmem:s29], [sflag:$0x2], $0x80, s15, s31, $0xb8;
	[tilespmem:$0x1CC00] =	vst v63  }
0x113: {  	_ =	swait.ge [sflag:s26], $0x4000  }
0x114: {  	s8 =	simm.s32 $0x200;
	s11 =	simm.s32 $0x400;
	[sflag:s26] =	ssyncset.done $0x0  }
.LBB2_8:
0x115: {  	s13 =	sshra.s32 s8, $0x2  }
0x116: {  	[sflag:s26] =	ssyncadd.s32 $0xFFFFC000;
	s8 =	smov.u32 s11;
	s15 =	sadd.s32 $0x200, s11  }
0x117: {  	[tilespmem:s0], [sflag:$0x1] =	stream.indirect.gather [hbm4b:s5+s31], $0x80, s13, s31, $0xb8;
	[tilespmem:$0x1CC00] =	vst v63  }
0x118: {  	p0 =	sne.s32 s11, $0x9C00;
	_ =	swait.ge [sflag:s1], $0x4000  }
0x119: {  	[sflag:s1] =	ssyncset.done $0x0  }
0x11a: {  	s11 =	sadd.s32 $0x2800, s13;
	[sflag:s1] =	ssyncadd.s32 $0xFFFFC000  }
0x11b: {  	[spmem:s2] =	stream.indirect.scatter.add.f32 [tilespmem:s0], [sflag:$0x2], $0x80, s11, s31, $0xb8;
	[tilespmem:$0x1CC00] =	vst v63  }
0x11c: {  	_ =	swait.ge [sflag:s26], $0x4000  }
.Ltmp3:
0x11d: {  	[sflag:s26] =	ssyncset.done $0x0;
	(pc) =	sbr.rel @p0 .LBB2_8-.Ltmp3, $4  }
0x11e: {  	[sflag:s26] =	ssyncadd.s32 $0xFFFFC000  }
0x11f: {  	[spmem:s3] =	stream.indirect.scatter.add.f32 [tilespmem:s29], [sflag:$0x2], $0x80, s11, s31, $0xb8;
	[tilespmem:$0x1CC00] =	vst v63  }
0x120: {  	_ =	swait.ge [sflag:s26], $0x4000  }
0x121: {  	s11 =	smov.u32 s15;
	[sflag:s26] =	ssyncset.done $0x0  }
0x122: {  	s8 =	sshra.s32 s8, $0x2;
	[sflag:s26] =	ssyncadd.s32 $0xFFFFC000  }
0x123: {  	[tilespmem:s0], [sflag:$0x1] =	stream.indirect.gather [hbm4b:s5+s31], $0x80, s8, s31, $0xb8;
	[tilespmem:$0x1CC00] =	vst v63  }
0x124: {  	_ =	swait.ge [sflag:s1], $0x4000  }
0x125: {  	[sflag:s1] =	ssyncset.done $0x0  }
0x126: {  	s8 =	sadd.s32 $0x2800, s8;
	[sflag:s1] =	ssyncadd.s32 $0xFFFFC000  }
0x127: {  	[spmem:s2] =	stream.indirect.scatter.add.f32 [tilespmem:s0], [sflag:$0x2], $0x80, s8, s31, $0xb8;
	[tilespmem:$0x1CC00] =	vst v63  }
0x128: {  	_ =	swait.ge [sflag:s26], $0x4000  }
0x129: {  	[sflag:s26] =	ssyncset.done $0x0  }
0x12a: {  	[sflag:s26] =	ssyncadd.s32 $0xFFFFC000  }
0x12b: {  	[spmem:s3] =	stream.indirect.scatter.add.f32 [tilespmem:s29], [sflag:$0x2], $0x80, s8, s31, $0xb8;
	[tilespmem:$0x1CC00] =	vst v63  }
0x12c: {  	_ =	swait.ge [sflag:s26], $0x4000  }
0x12d: {  	[sflag:s26] =	ssyncset.done $0x0  }
0x12e: {  	[sflag:s26] =	ssyncadd.s32 $0xFFFFC000  }
0x12f: {  	[bflag:$0x0] =	sbarrier.arrive $0xFFFF  }
0x130: {  	[tilespmem:s28], [sflag:$0x2] =	stream.linear.gather [spmem:s12], $0x5000, $0x38;
	[tilespmem:$0x1CC00] =	vst v63  }
0x131: {  	_ =	swait.ge [sflag:s26], $0x5000  }
0x132: {  	[sflag:s26] =	ssyncset.done $0x0  }
0x133: {  	[sflag:s26] =	ssyncadd.s32 $0xFFFFB000  }
0x134: {  	[hbm4b:s21+s4] =	stream.linear.scatter [tilespmem:s28], [sflag:$0x2], $0x5000, $0x38;
	[tilespmem:$0x1CC00] =	vst v63  }
0x135: {  	_ =	swait.ge [sflag:s26], $0x5000  }
0x136: {  	[sflag:s26] =	ssyncset.done $0x0  }
0x137: {  	[sflag:s26] =	ssyncadd.s32 $0xFFFFB000  }
0x138: {  	[tilespmem:s28], [sflag:$0x2] =	stream.linear.gather [spmem:s14], $0x5000, $0x38;
	[tilespmem:$0x1CC00] =	vst v63  }
0x139: {  	s7 =	sadd.s32 $0x1, s7;
	_ =	swait.ge [sflag:s26], $0x5000  }
0x13a: {  	p0 =	sne.s32 s7, s25;
	[sflag:s26] =	ssyncset.done $0x0  }
.Ltmp4:
0x13b: {  	[sflag:s26] =	ssyncadd.s32 $0xFFFFB000;
	(pc) =	sbr.rel @p0 .LBB2_1-.Ltmp4, $4  }
0x13c: {  	[hbm4b:s22+s4] =	stream.linear.scatter [tilespmem:s28], [sflag:$0x2], $0x5000, $0x38;
	[tilespmem:$0x1CC00] =	vst v63  }
0x13d: {  	_ =	swait.ge [sflag:s26], $0x5000  }
0x13e: {  	[sflag:s26] =	ssyncset.done $0x0  }
0x13f: {  	[sflag:s26] =	ssyncadd.s32 $0xFFFFB000  }
0x140: {  	_ =	sfence.sel $0x180000  }
0x141: {  	[bflag:$0x0] =	sbarrier.arrive $0xFFFF  }
0x142: {  	_ =	strace $0x90000047  }
0x143: {  	s0 =	stileid.u32;
	[bflag:$0x2] =	sbarrier.arrive $0xFFFF  }
0x144: {  	p0 =	sne.s32 s0, $0x0;
	s0 =	rddreg [dreg:$0x3]  }
0x145: {  	s0 =	sadd.s32 @!p0 $0x100000, s0  }
0x146: {  	[sflag:s0] =	ssyncadd.tile.s32 @!p0 $0x1;
	_ =	shalt  }
.Lfunc_end2:
_tile_overlayer_lowered:
.L_overlay_start_2:
0x147: {  	(tag) =	ssettag $0x2  }
0x148: {  	s0 =	rddreg [dreg:$0x0];
	s2 =	stileid.u32  }
0x149: {  	s1 =	rddreg [dreg:$0x1];
	p0 =	sne.s32 s2, $0x0  }
0x14a: {  	s3 =	rddreg [dreg:$0x2];
	[bflag:$0x3] =	sbarrier.arrive $0xFFFF;
	s2 =	simm.s32 @!p0 $0x1C02  }
0x14b: {  	[timem:s3], [sflag:s2] =	dma.local @!p0 [hbm:s0], s1  }
0x14c: {  	s0 =	simm.s32 @!p0 $0x2  }
0x14d: {  	_ =	swait.ge @!p0 [sflag:s0], s1  }
0x14e: {  	s1 =	ssub.s32 @!p0 $0x0, s1;
	[sflag:s0] =	ssyncset.done @!p0 $0x0  }
0x14f: {  	[sflag:s0] =	ssyncadd.s32 @!p0 s1  }
0x150: {  	[bflag:$0x3] =	sbarrier.arrive $0xFFFF  }
0x151: {  	_ =	shalt  }

</sc_bundles>
